<compile_context>
chip_gen: v7x
topology: tpu7x:2x2x1
jax: 0.10.2.dev20260603
libtpu: 0.0.44.dev20260713+nightly
codegen_flags: <defaults>
</compile_context>

<pallas_src>
import functools

import jax
import jax.numpy as jnp
from jax import lax
from jax.experimental import pallas as pl
from jax.experimental.pallas import tpu as pltpu
from jax.experimental.pallas import tpu_sc as plsc

N = 10000
E = 160000
POS = 3
FEATS = 128
EA = 16
MSG = 16
EIN = FEATS * 2 + EA + 1
HID = 2 * EIN
CW = 16
PW = 32

NC = 2
NS = 16
NW = NC * NS

E_PAD = 163840
ROWS = E_PAD // 128
ROWS_W = ROWS // NW
KR = 4
CHUNKS = ROWS_W // KR

N_PAD = 10240
NROWS_S = N_PAD // NS

BE = 640
BN = 1000


def _silu(t):
    return t * jax.nn.sigmoid(t)


def _gather_body(feats_hbm, coors_hbm, srcx_hbm, dstx_hbm,
                 xgs_hbm, xgd_hbm, cgs_hbm, cgd_hbm,
                 sidx, didx, fbs, fbd, cbs, cbd,
                 gs1, gs2, gs3, gs4, ws1, ws2, ws3, ws4):
    wid = lax.axis_index("s") * NC + lax.axis_index("c")
    row0 = wid * ROWS_W
    pltpu.sync_copy(srcx_hbm.at[pl.ds(row0, ROWS_W)], sidx)
    pltpu.sync_copy(dstx_hbm.at[pl.ds(row0, ROWS_W)], didx)

    def fire_g(itv, b):
        pltpu.async_copy(feats_hbm.at[sidx.at[itv]], fbs.at[b], gs1)
        pltpu.async_copy(feats_hbm.at[didx.at[itv]], fbd.at[b], gs2)
        pltpu.async_copy(coors_hbm.at[sidx.at[itv]], cbs.at[b], gs3)
        pltpu.async_copy(coors_hbm.at[didx.at[itv]], cbd.at[b], gs4)

    def drain_g():
        pltpu.make_async_copy(feats_hbm.at[sidx.at[0]], fbs.at[0], gs1).wait()
        pltpu.make_async_copy(feats_hbm.at[didx.at[0]], fbd.at[0], gs2).wait()
        pltpu.make_async_copy(coors_hbm.at[sidx.at[0]], cbs.at[0], gs3).wait()
        pltpu.make_async_copy(coors_hbm.at[didx.at[0]], cbd.at[0], gs4).wait()

    def fire_w(itv, b):
        e0 = (row0 + itv) * 128
        pltpu.async_copy(fbs.at[b], xgs_hbm.at[pl.ds(e0, 128)], ws1)
        pltpu.async_copy(fbd.at[b], xgd_hbm.at[pl.ds(e0, 128)], ws2)
        pltpu.async_copy(cbs.at[b], cgs_hbm.at[pl.ds(e0, 128)], ws3)
        pltpu.async_copy(cbd.at[b], cgd_hbm.at[pl.ds(e0, 128)], ws4)

    def drain_w():
        pltpu.make_async_copy(fbs.at[0], xgs_hbm.at[pl.ds(0, 128)], ws1).wait()
        pltpu.make_async_copy(fbd.at[0], xgd_hbm.at[pl.ds(0, 128)], ws2).wait()
        pltpu.make_async_copy(cbs.at[0], cgs_hbm.at[pl.ds(0, 128)], ws3).wait()
        pltpu.make_async_copy(cbd.at[0], cgd_hbm.at[pl.ds(0, 128)], ws4).wait()

    fire_g(0, 0)

    def body(it, _):
        @pl.when(it <= ROWS_W - 2)
        def _():
            @pl.when(it >= 1)
            def _():
                drain_w()
            fire_g(it + 1, (it + 1) % 2)
        drain_g()
        fire_w(it, it % 2)
        return 0

    lax.fori_loop(0, ROWS_W, body, 0)
    drain_w()
    drain_w()


@functools.cache
def _gather_kernel():
    return pl.kernel(
        _gather_body,
        out_type=(
            jax.ShapeDtypeStruct((E_PAD, FEATS), jnp.float32),
            jax.ShapeDtypeStruct((E_PAD, FEATS), jnp.float32),
            jax.ShapeDtypeStruct((E_PAD, CW), jnp.float32),
            jax.ShapeDtypeStruct((E_PAD, CW), jnp.float32),
        ),
        mesh=plsc.VectorSubcoreMesh(
            core_axis_name="c", subcore_axis_name="s",
            num_cores=NC, num_subcores=NS),
        scratch_types=[
            pltpu.VMEM((ROWS_W, 128), jnp.int32),
            pltpu.VMEM((ROWS_W, 128), jnp.int32),
            pltpu.VMEM((2, 128, FEATS), jnp.float32),
            pltpu.VMEM((2, 128, FEATS), jnp.float32),
            pltpu.VMEM((2, 128, CW), jnp.float32),
            pltpu.VMEM((2, 128, CW), jnp.float32),
            pltpu.SemaphoreType.DMA,
            pltpu.SemaphoreType.DMA,
            pltpu.SemaphoreType.DMA,
            pltpu.SemaphoreType.DMA,
            pltpu.SemaphoreType.DMA,
            pltpu.SemaphoreType.DMA,
            pltpu.SemaphoreType.DMA,
            pltpu.SemaphoreType.DMA,
        ],
        compiler_params=pltpu.CompilerParams(use_tc_tiling_on_sc=False),
    )


def _gather_call(*args):
    return _gather_kernel()(*args)


def _edge_body(xgs, xgd, cgs, cgd, ea,
               w1d, w1s, w1ea, w1rd, b1, w2, b2, wc1, bc1, wc2, bc2,
               out):
    i = pl.program_id(0)
    rel = cgs[...] - cgd[...]
    rd = jnp.sqrt(jnp.sum(rel * rel, axis=1, keepdims=True))
    h = (jnp.dot(xgd[...].astype(jnp.bfloat16), w1d[...],
                 preferred_element_type=jnp.float32)
         + jnp.dot(xgs[...].astype(jnp.bfloat16), w1s[...],
                   preferred_element_type=jnp.float32)
         + jnp.dot(ea[...], w1ea[...], preferred_element_type=jnp.float32)
         + rd * w1rd[...] + b1[...])
    h = _silu(h)
    m = _silu(jnp.dot(h.astype(jnp.bfloat16), w2[...],
                      preferred_element_type=jnp.float32) + b2[...])
    cw = (jnp.dot(_silu(jnp.dot(m, wc1[...], preferred_element_type=jnp.float32)
                        + bc1[...]),
                  wc2[...], preferred_element_type=jnp.float32) + bc2[...])
    packed = jnp.concatenate(
        [m, cw, rel[:, :3], jnp.zeros((BE, PW - MSG - 4), jnp.float32)], axis=1)
    eids = i * BE + lax.broadcasted_iota(jnp.int32, (BE, 1), 0)
    out[...] = jnp.where(eids < E, packed, 0.0)


def _edge_call(xgs, xgd, cgs, cgd, ea, w1d, w1s, w1ea, w1rd, b1, w2, b2,
               wc1, bc1, wc2, bc2):
    full = lambda shape: pl.BlockSpec(shape, lambda i: (0, 0))
    return pl.pallas_call(
        _edge_body,
        grid=(E_PAD // BE,),
        in_specs=[
            pl.BlockSpec((BE, FEATS), lambda i: (i, 0)),
            pl.BlockSpec((BE, FEATS), lambda i: (i, 0)),
            pl.BlockSpec((BE, CW), lambda i: (i, 0)),
            pl.BlockSpec((BE, CW), lambda i: (i, 0)),
            pl.BlockSpec((BE, EA), lambda i: (i, 0)),
            full((FEATS, HID)),
            full((FEATS, HID)),
            full((EA, HID)),
            full((1, HID)),
            full((1, HID)),
            full((HID, MSG)),
            full((1, MSG)),
            full((MSG, 4 * MSG)),
            full((1, 4 * MSG)),
            full((4 * MSG, 1)),
            full((1, 1)),
        ],
        out_specs=pl.BlockSpec((BE, PW), lambda i: (i, 0)),
        out_shape=jax.ShapeDtypeStruct((E_PAD, PW), jnp.float32),
    )(xgs, xgd, cgs, cgd, ea, w1d, w1s, w1ea, w1rd, b1, w2, b2,
      wc1, bc1, wc2, bc2)


def _scatter_body(mcw_hbm, dstx_hbm, zeros_hbm, p0_hbm, p1_hbm,
                  didx, mbuf, acc):
    cid = lax.axis_index("c")
    sid = lax.axis_index("s")
    pltpu.sync_copy(zeros_hbm.at[pl.ds(sid * NROWS_S, NROWS_S)],
                    acc.at[pl.ds(sid * NROWS_S, NROWS_S)])
    plsc.subcore_barrier()
    row0 = cid * (ROWS // NC) + sid * ROWS_W

    def chunk(it, _):
        r0 = row0 + it * KR
        pltpu.sync_copy(dstx_hbm.at[pl.ds(r0, KR)], didx)
        pltpu.sync_copy(mcw_hbm.at[pl.ds(r0 * 128, KR * 128)], mbuf)
        for j in range(KR):
            pltpu.sync_copy(mbuf.at[pl.ds(j * 128, 128)],
                            acc.at[didx.at[j]], add=True)
        return 0

    lax.fori_loop(0, CHUNKS, chunk, 0)
    plsc.subcore_barrier()

    @pl.when(cid == 0)
    def _():
        pltpu.sync_copy(acc.at[pl.ds(sid * NROWS_S, NROWS_S)],
                        p0_hbm.at[pl.ds(sid * NROWS_S, NROWS_S)])

    @pl.when(cid == 1)
    def _():
        pltpu.sync_copy(acc.at[pl.ds(sid * NROWS_S, NROWS_S)],
                        p1_hbm.at[pl.ds(sid * NROWS_S, NROWS_S)])


@functools.cache
def _scatter_kernel():
    return pl.kernel(
        _scatter_body,
        out_type=(
            jax.ShapeDtypeStruct((N_PAD, PW), jnp.float32),
            jax.ShapeDtypeStruct((N_PAD, PW), jnp.float32),
        ),
        mesh=plsc.VectorSubcoreMesh(
            core_axis_name="c", subcore_axis_name="s",
            num_cores=NC, num_subcores=NS),
        scratch_types=[
            pltpu.VMEM((KR, 128), jnp.int32),
            pltpu.VMEM((KR * 128, PW), jnp.float32),
            pltpu.VMEM_SHARED((N_PAD, PW), jnp.float32),
        ],
        compiler_params=pltpu.CompilerParams(use_tc_tiling_on_sc=False),
    )


def _scatter_call(*args):
    return _scatter_kernel()(*args)


def _node_body(feats, coors, p0, p1, wn1f, wn1m, bn1, wn2, bn2, scl,
               coors_out, feats_out):
    m_i = p0[:, :MSG] + p1[:, :MSG]
    cwsum = p0[:, MSG:MSG + 1] + p1[:, MSG:MSG + 1]
    cri = p0[:, MSG + 1:MSG + 4] + p1[:, MSG + 1:MSG + 4]
    cw = jnp.tanh(cwsum)
    nrm = jnp.sqrt(jnp.sum(cri * cri, axis=1, keepdims=True))
    crin = cri / jnp.maximum(nrm, 1e-12) * scl[0, 0]
    delta = cw * crin
    delta_w = jnp.concatenate(
        [delta, jnp.zeros((BN, CW - 3), jnp.float32)], axis=1)
    coors_out[...] = coors[...] + delta_w
    h = _silu(jnp.dot(feats[...], wn1f[...], preferred_element_type=jnp.float32)
              + jnp.dot(m_i, wn1m[...], preferred_element_type=jnp.float32)
              + bn1[...])
    feats_out[...] = (jnp.dot(h, wn2[...], preferred_element_type=jnp.float32)
                      + bn2[...] + feats[...])


def _node_call(feats, coors, p0, p1, wn1f, wn1m, bn1, wn2, bn2, scl):
    full = lambda shape: pl.BlockSpec(shape, lambda i: (0, 0))
    return pl.pallas_call(
        _node_body,
        grid=(N // BN,),
        in_specs=[
            pl.BlockSpec((BN, FEATS), lambda i: (i, 0)),
            pl.BlockSpec((BN, CW), lambda i: (i, 0)),
            pl.BlockSpec((BN, PW), lambda i: (i, 0)),
            pl.BlockSpec((BN, PW), lambda i: (i, 0)),
            full((FEATS, 2 * FEATS)),
            full((MSG, 2 * FEATS)),
            full((1, 2 * FEATS)),
            full((2 * FEATS, FEATS)),
            full((1, FEATS)),
            full((1, 1)),
        ],
        out_specs=[
            pl.BlockSpec((BN, CW), lambda i: (i, 0)),
            pl.BlockSpec((BN, FEATS), lambda i: (i, 0)),
        ],
        out_shape=[
            jax.ShapeDtypeStruct((N, CW), jnp.float32),
            jax.ShapeDtypeStruct((N, FEATS), jnp.float32),
        ],
    )(feats, coors, p0, p1, wn1f, wn1m, bn1, wn2, bn2, scl)


def kernel(x, edge_index, batch, edge_attr, W1, b1, W2, b2, Wc1, bc1, Wc2,
           bc2, Wn1, bn1, Wn2, bn2, scale):
    src = edge_index[0]
    dst = edge_index[1]
    pad = E_PAD - E
    srcx = jnp.concatenate([src, jnp.zeros((pad,), jnp.int32)]).reshape(ROWS, 128)
    dstx = jnp.concatenate([dst, jnp.zeros((pad,), jnp.int32)]).reshape(ROWS, 128)
    eap = jnp.concatenate([edge_attr, jnp.zeros((pad, EA), jnp.float32)], axis=0)
    zeros_n = jnp.zeros((N_PAD, PW), jnp.float32)

    coors = jnp.pad(x[:, :POS], ((0, 0), (0, CW - POS)))
    feats = x[:, POS:]

    L = W1.shape[0]
    for l in range(L):
        w1 = W1[l]
        xgs, xgd, cgs, cgd = _gather_call(feats, coors, srcx, dstx)
        mcw = _edge_call(
            xgs, xgd, cgs, cgd, eap,
            w1[:FEATS].astype(jnp.bfloat16),
            w1[FEATS:2 * FEATS].astype(jnp.bfloat16),
            w1[2 * FEATS:2 * FEATS + EA],
            w1[2 * FEATS + EA:], b1[l][None, :],
            W2[l].astype(jnp.bfloat16), b2[l][None, :],
            Wc1[l], bc1[l][None, :], Wc2[l], bc2[l][None, :])
        p0, p1 = _scatter_call(mcw, dstx, zeros_n)
        coors, feats = _node_call(
            feats, coors, p0, p1,
            Wn1[l][:FEATS], Wn1[l][FEATS:], bn1[l][None, :], Wn2[l],
            bn2[l][None, :], scale[l][None, :])

    return jnp.concatenate([coors[:, :POS], feats], axis=1)

# --- scband reference (transcript-rebuilt; emitter-appended) ---
"""Pipeline reference for scband-egnn-sparse-network-360777253438 (READ-ONLY COPY).

The authoritative reference and input builder live on the scoring server;
editing this copy changes nothing except your own understanding.
"""

import jax, jax.numpy as jnp
import numpy as np

N = 10000
E = 160000
POS = 3
FEATS = 128
EDGE_ATTR = 16
M = 16
L = 2
EIN = FEATS * 2 + EDGE_ATTR + 1  # 273


def silu(t):
    return t * jax.nn.sigmoid(t)


def setup_inputs(seed: int = 0):
    key = jax.random.key(seed)
    ks = jax.random.split(key, 8)
    x = jax.random.normal(ks[0], (N, POS + FEATS), dtype=jnp.float32)
    # avoid self-loops so rel_dist > 0 (sqrt is non-differentiable at 0)
    src = jax.random.randint(ks[1], (E,), 0, N, dtype=jnp.int32)
    off = jax.random.randint(ks[2], (E,), 1, N, dtype=jnp.int32)
    dst = (src + off) % N
    edge_index = jnp.stack([src, dst], axis=0)
    batch = jnp.zeros((N,), dtype=jnp.int32)
    edge_attr = jax.random.normal(ks[3], (E, EDGE_ATTR), dtype=jnp.float32)

    def w(k, shape):
        return jax.random.normal(k, shape, dtype=jnp.float32) * 1e-3

    pk = jax.random.split(ks[4], 6 * L)
    W1 = jnp.stack([w(pk[6 * l + 0], (EIN, 2 * EIN)) for l in range(L)])
    b1 = jnp.zeros((L, 2 * EIN), dtype=jnp.float32)
    W2 = jnp.stack([w(pk[6 * l + 1], (2 * EIN, M)) for l in range(L)])
    b2 = jnp.zeros((L, M), dtype=jnp.float32)
    Wc1 = jnp.stack([w(pk[6 * l + 2], (M, 4 * M)) for l in range(L)])
    bc1 = jnp.zeros((L, 4 * M), dtype=jnp.float32)
    Wc2 = jnp.stack([w(pk[6 * l + 3], (4 * M, 1)) for l in range(L)])
    bc2 = jnp.zeros((L, 1), dtype=jnp.float32)
    Wn1 = jnp.stack([w(pk[6 * l + 4], (FEATS + M, 2 * FEATS)) for l in range(L)])
    bn1 = jnp.zeros((L, 2 * FEATS), dtype=jnp.float32)
    Wn2 = jnp.stack([w(pk[6 * l + 5], (2 * FEATS, FEATS)) for l in range(L)])
    bn2 = jnp.zeros((L, FEATS), dtype=jnp.float32)
    scale = jnp.ones((L, 1), dtype=jnp.float32)
    return {"x": x, "edge_index": edge_index, "batch": batch, "edge_attr": edge_attr,
            "W1": W1, "b1": b1, "W2": W2, "b2": b2, "Wc1": Wc1, "bc1": bc1,
            "Wc2": Wc2, "bc2": bc2, "Wn1": Wn1, "bn1": bn1, "Wn2": Wn2, "bn2": bn2,
            "scale": scale}


def _layer(x, edge_index, edge_attr, W1, b1, W2, b2, Wc1, bc1, Wc2, bc2, Wn1, bn1, Wn2, bn2, scale):
    coors = x[:, :POS]
    feats = x[:, POS:]
    src = edge_index[0]
    dst = edge_index[1]
    # PyG flow source_to_target: j = edge_index[0] (source), i = edge_index[1] (target)
    rel_coors = coors[src] - coors[dst]
    rel_dist = jnp.sqrt(jnp.sum(rel_coors ** 2, axis=-1, keepdims=True))
    edge_attr_feats = jnp.concatenate([edge_attr, rel_dist], axis=-1)
    x_i = feats[dst]
    x_j = feats[src]
    h = jnp.concatenate([x_i, x_j, edge_attr_feats], axis=-1)
    # edge_mlp: Linear -> SiLU -> Linear -> SiLU
    m_ij = silu(silu(h @ W1 + b1) @ W2 + b2)
    # coors_mlp: Linear -> SiLU -> Linear
    coor_w = silu(m_ij @ Wc1 + bc1) @ Wc2 + bc2
    m_i = jax.ops.segment_sum(m_ij, dst, num_segments=N)
    coor_wi = jnp.tanh(jax.ops.segment_sum(coor_w, dst, num_segments=N))  # norm_coor_weights=True
    coor_ri = jax.ops.segment_sum(rel_coors, dst, num_segments=N)
    # norm_rel_coors=True: F.normalize * rel_coors_scale
    nrm = jnp.linalg.norm(coor_ri, axis=-1, keepdims=True)
    coor_ri = coor_ri / jnp.maximum(nrm, 1e-12) * scale
    coors_out = coors + coor_wi * coor_ri
    # node_mlp: Linear -> SiLU -> Linear, with residual
    hidden_out = silu(jnp.concatenate([feats, m_i], axis=-1) @ Wn1 + bn1) @ Wn2 + bn2 + feats
    return jnp.concatenate([coors_out, hidden_out], axis=-1)


def reference(x, edge_index, batch, edge_attr, W1, b1, W2, b2, Wc1, bc1, Wc2, bc2, Wn1, bn1, Wn2, bn2, scale):
    out = x
    for l in range(L):
        out = _layer(out, edge_index, edge_attr, W1[l], b1[l], W2[l], b2[l],
                     Wc1[l], bc1[l], Wc2[l], bc2[l], Wn1[l], bn1[l], Wn2[l], bn2[l], scale[l])
    return out

if __name__ == "__main__":
    import jax
    _d = setup_inputs()
    print(jax.jit(kernel)(*tuple(_d.values())))

</pallas_src>

<mosaic_0001>
#map = affine_map<(d0, d1) -> (0, 0)>
module attributes {stable_mosaic.version = 14 : i64} {
  func.func @_gather_body(%arg0: i32, %arg1: i32, %arg2: memref<10000x128xf32, #tpu.memory_space<hbm>>, %arg3: memref<10000x16xf32, #tpu.memory_space<hbm>>, %arg4: memref<1280x128xi32, #tpu.memory_space<hbm>>, %arg5: memref<1280x128xi32, #tpu.memory_space<hbm>>, %arg6: memref<163840x128xf32, #tpu.memory_space<hbm>>, %arg7: memref<163840x128xf32, #tpu.memory_space<hbm>>, %arg8: memref<163840x16xf32, #tpu.memory_space<hbm>>, %arg9: memref<163840x16xf32, #tpu.memory_space<hbm>>, %arg10: memref<40x128xi32, #tpu.memory_space<vmem>>, %arg11: memref<40x128xi32, #tpu.memory_space<vmem>>, %arg12: memref<2x128x128xf32, #tpu.memory_space<vmem>>, %arg13: memref<2x128x128xf32, #tpu.memory_space<vmem>>, %arg14: memref<2x128x16xf32, #tpu.memory_space<vmem>>, %arg15: memref<2x128x16xf32, #tpu.memory_space<vmem>>, %arg16: memref<!tpu.dma_semaphore, #tpu.memory_space<semaphore_mem>>, %arg17: memref<!tpu.dma_semaphore, #tpu.memory_space<semaphore_mem>>, %arg18: memref<!tpu.dma_semaphore, #tpu.memory_space<semaphore_mem>>, %arg19: memref<!tpu.dma_semaphore, #tpu.memory_space<semaphore_mem>>, %arg20: memref<!tpu.dma_semaphore, #tpu.memory_space<semaphore_mem>>, %arg21: memref<!tpu.dma_semaphore, #tpu.memory_space<semaphore_mem>>, %arg22: memref<!tpu.dma_semaphore, #tpu.memory_space<semaphore_mem>>, %arg23: memref<!tpu.dma_semaphore, #tpu.memory_space<semaphore_mem>>) attributes {dimension_semantics = [#tpu.dimension_semantics<core_parallel>, #tpu.dimension_semantics<subcore_parallel>], iteration_bounds = array<i64: 2, 16>, scalar_prefetch = 0 : i64, scratch_operands = 14 : i64, tpu.core_type = #tpu.core_type<sc_vector_subcore>, window_params = [{transform_indices = #map}, {transform_indices = #map}, {transform_indices = #map}, {transform_indices = #map}, {transform_indices = #map}, {transform_indices = #map}, {transform_indices = #map}, {transform_indices = #map}]} {
    %mul3A = arith.constant 2 : i32
    %mul3A_0 = arith.muli %arg1, %mul3A : i32
    %add3A = arith.addi %mul3A_0, %arg0 : i32
    %mul3A_1 = arith.constant 40 : i32
    %mul3A_2 = arith.muli %add3A, %mul3A_1 : i32
    "tpu.region"() ({
      %run_scoped3A = tpu.sem_alloc : memref<!tpu.dma_semaphore, #tpu.memory_space<semaphore_mem>>
      %dma_start3A_175 = arith.constant 0 : i32
      %dma_start3A_176 = tpu.memref_slice %arg4[%mul3A_2, %dma_start3A_175] : memref<1280x128xi32, #tpu.memory_space<hbm>> -> memref<40x128xi32, #tpu.memory_space<hbm>>
      %dma_start3A_177 = arith.constant 0 : i32
      %dma_start3A_178 = tpu.memref_slice %arg4[%mul3A_2, %dma_start3A_177] : memref<1280x128xi32, #tpu.memory_space<hbm>> -> memref<40x128xi32, #tpu.memory_space<hbm>>
      tpu.enqueue_dma source(%dma_start3A_178 : memref<40x128xi32, #tpu.memory_space<hbm>>) target(%arg10 : memref<40x128xi32, #tpu.memory_space<vmem>>) target_semaphore(%run_scoped3A : memref<!tpu.dma_semaphore, #tpu.memory_space<semaphore_mem>>)
      %dma_wait3A_179 = arith.constant 0 : i32
      %dma_wait3A_180 = tpu.memref_slice %arg4[%mul3A_2, %dma_wait3A_179] : memref<1280x128xi32, #tpu.memory_space<hbm>> -> memref<40x128xi32, #tpu.memory_space<hbm>>
      %dma_wait3A_181 = arith.constant 0 : i32
      %dma_wait3A_182 = tpu.memref_slice %arg4[%mul3A_2, %dma_wait3A_181] : memref<1280x128xi32, #tpu.memory_space<hbm>> -> memref<40x128xi32, #tpu.memory_space<hbm>>
      tpu.wait_dma2 semaphore(%run_scoped3A : memref<!tpu.dma_semaphore, #tpu.memory_space<semaphore_mem>>) src(%dma_wait3A_182 : memref<40x128xi32, #tpu.memory_space<hbm>>) dst(%arg10 : memref<40x128xi32, #tpu.memory_space<vmem>>)
      tpu.yield
    }) : () -> ()
    "tpu.region"() ({
      %run_scoped3A = tpu.sem_alloc : memref<!tpu.dma_semaphore, #tpu.memory_space<semaphore_mem>>
      %dma_start3A_175 = arith.constant 0 : i32
      %dma_start3A_176 = tpu.memref_slice %arg5[%mul3A_2, %dma_start3A_175] : memref<1280x128xi32, #tpu.memory_space<hbm>> -> memref<40x128xi32, #tpu.memory_space<hbm>>
      %dma_start3A_177 = arith.constant 0 : i32
      %dma_start3A_178 = tpu.memref_slice %arg5[%mul3A_2, %dma_start3A_177] : memref<1280x128xi32, #tpu.memory_space<hbm>> -> memref<40x128xi32, #tpu.memory_space<hbm>>
      tpu.enqueue_dma source(%dma_start3A_178 : memref<40x128xi32, #tpu.memory_space<hbm>>) target(%arg11 : memref<40x128xi32, #tpu.memory_space<vmem>>) target_semaphore(%run_scoped3A : memref<!tpu.dma_semaphore, #tpu.memory_space<semaphore_mem>>)
      %dma_wait3A_179 = arith.constant 0 : i32
      %dma_wait3A_180 = tpu.memref_slice %arg5[%mul3A_2, %dma_wait3A_179] : memref<1280x128xi32, #tpu.memory_space<hbm>> -> memref<40x128xi32, #tpu.memory_space<hbm>>
      %dma_wait3A_181 = arith.constant 0 : i32
      %dma_wait3A_182 = tpu.memref_slice %arg5[%mul3A_2, %dma_wait3A_181] : memref<1280x128xi32, #tpu.memory_space<hbm>> -> memref<40x128xi32, #tpu.memory_space<hbm>>
      tpu.wait_dma2 semaphore(%run_scoped3A : memref<!tpu.dma_semaphore, #tpu.memory_space<semaphore_mem>>) src(%dma_wait3A_182 : memref<40x128xi32, #tpu.memory_space<hbm>>) dst(%arg11 : memref<40x128xi32, #tpu.memory_space<vmem>>)
      tpu.yield
    }) : () -> ()
    %dma_start3A = arith.constant 0 : i32
    %dma_start3A_3 = arith.constant 0 : i32
    %dma_start3A_4 = arith.constant 0 : i32
    %dma_start3A_5 = arith.constant 0 : i32
    %dma_start3A_6 = tpu.memref_slice %arg12[%dma_start3A_3, %dma_start3A_4, %dma_start3A_5] : memref<2x128x128xf32, #tpu.memory_space<vmem>> -> memref<1x128x128xf32, #tpu.memory_space<vmem>>
    %dma_start3A_7 = tpu.memref_squeeze %dma_start3A_6 : memref<1x128x128xf32, #tpu.memory_space<vmem>> -> memref<128x128xf32, #tpu.memory_space<vmem>>
    %dma_start3A_8 = arith.constant 0 : i32
    %dma_start3A_9 = tpu.memref_slice %arg10[%dma_start3A, %dma_start3A_8] : memref<40x128xi32, #tpu.memory_space<vmem>> -> memref<1x128xi32, #tpu.memory_space<vmem>>
    %dma_start3A_10 = tpu.memref_squeeze %dma_start3A_9 : memref<1x128xi32, #tpu.memory_space<vmem>> -> memref<128xi32, #tpu.memory_space<vmem>>
    %dma_start3A_11 = arith.constant 0 : i32
    %dma_start3A_12 = arith.constant 0 : i32
    %dma_start3A_13 = tpu.memref_slice %arg2[%dma_start3A_11, %dma_start3A_12] : memref<10000x128xf32, #tpu.memory_space<hbm>> -> memref<10000x128xf32, #tpu.memory_space<hbm>>
    tpu.enqueue_indirect_dma source(%dma_start3A_13 : memref<10000x128xf32, #tpu.memory_space<hbm>>) target(%dma_start3A_7 : memref<128x128xf32, #tpu.memory_space<vmem>>) offsets(%dma_start3A_10 : memref<128xi32, #tpu.memory_space<vmem>>) semaphore(%arg16 : memref<!tpu.dma_semaphore, #tpu.memory_space<semaphore_mem>>)
    %dma_start3A_14 = arith.constant 0 : i32
    %dma_start3A_15 = arith.constant 0 : i32
    %dma_start3A_16 = arith.constant 0 : i32
    %dma_start3A_17 = arith.constant 0 : i32
    %dma_start3A_18 = tpu.memref_slice %arg13[%dma_start3A_15, %dma_start3A_16, %dma_start3A_17] : memref<2x128x128xf32, #tpu.memory_space<vmem>> -> memref<1x128x128xf32, #tpu.memory_space<vmem>>
    %dma_start3A_19 = tpu.memref_squeeze %dma_start3A_18 : memref<1x128x128xf32, #tpu.memory_space<vmem>> -> memref<128x128xf32, #tpu.memory_space<vmem>>
    %dma_start3A_20 = arith.constant 0 : i32
    %dma_start3A_21 = tpu.memref_slice %arg11[%dma_start3A_14, %dma_start3A_20] : memref<40x128xi32, #tpu.memory_space<vmem>> -> memref<1x128xi32, #tpu.memory_space<vmem>>
    %dma_start3A_22 = tpu.memref_squeeze %dma_start3A_21 : memref<1x128xi32, #tpu.memory_space<vmem>> -> memref<128xi32, #tpu.memory_space<vmem>>
    %dma_start3A_23 = arith.constant 0 : i32
    %dma_start3A_24 = arith.constant 0 : i32
    %dma_start3A_25 = tpu.memref_slice %arg2[%dma_start3A_23, %dma_start3A_24] : memref<10000x128xf32, #tpu.memory_space<hbm>> -> memref<10000x128xf32, #tpu.memory_space<hbm>>
    tpu.enqueue_indirect_dma source(%dma_start3A_25 : memref<10000x128xf32, #tpu.memory_space<hbm>>) target(%dma_start3A_19 : memref<128x128xf32, #tpu.memory_space<vmem>>) offsets(%dma_start3A_22 : memref<128xi32, #tpu.memory_space<vmem>>) semaphore(%arg17 : memref<!tpu.dma_semaphore, #tpu.memory_space<semaphore_mem>>)
    %dma_start3A_26 = arith.constant 0 : i32
    %dma_start3A_27 = arith.constant 0 : i32
    %dma_start3A_28 = arith.constant 0 : i32
    %dma_start3A_29 = arith.constant 0 : i32
    %dma_start3A_30 = tpu.memref_slice %arg14[%dma_start3A_27, %dma_start3A_28, %dma_start3A_29] : memref<2x128x16xf32, #tpu.memory_space<vmem>> -> memref<1x128x16xf32, #tpu.memory_space<vmem>>
    %dma_start3A_31 = tpu.memref_squeeze %dma_start3A_30 : memref<1x128x16xf32, #tpu.memory_space<vmem>> -> memref<128x16xf32, #tpu.memory_space<vmem>>
    %dma_start3A_32 = arith.constant 0 : i32
    %dma_start3A_33 = tpu.memref_slice %arg10[%dma_start3A_26, %dma_start3A_32] : memref<40x128xi32, #tpu.memory_space<vmem>> -> memref<1x128xi32, #tpu.memory_space<vmem>>
    %dma_start3A_34 = tpu.memref_squeeze %dma_start3A_33 : memref<1x128xi32, #tpu.memory_space<vmem>> -> memref<128xi32, #tpu.memory_space<vmem>>
    %dma_start3A_35 = arith.constant 0 : i32
    %dma_start3A_36 = arith.constant 0 : i32
    %dma_start3A_37 = tpu.memref_slice %arg3[%dma_start3A_35, %dma_start3A_36] : memref<10000x16xf32, #tpu.memory_space<hbm>> -> memref<10000x16xf32, #tpu.memory_space<hbm>>
    tpu.enqueue_indirect_dma source(%dma_start3A_37 : memref<10000x16xf32, #tpu.memory_space<hbm>>) target(%dma_start3A_31 : memref<128x16xf32, #tpu.memory_space<vmem>>) offsets(%dma_start3A_34 : memref<128xi32, #tpu.memory_space<vmem>>) semaphore(%arg18 : memref<!tpu.dma_semaphore, #tpu.memory_space<semaphore_mem>>)
    %dma_start3A_38 = arith.constant 0 : i32
    %dma_start3A_39 = arith.constant 0 : i32
    %dma_start3A_40 = arith.constant 0 : i32
    %dma_start3A_41 = arith.constant 0 : i32
    %dma_start3A_42 = tpu.memref_slice %arg15[%dma_start3A_39, %dma_start3A_40, %dma_start3A_41] : memref<2x128x16xf32, #tpu.memory_space<vmem>> -> memref<1x128x16xf32, #tpu.memory_space<vmem>>
    %dma_start3A_43 = tpu.memref_squeeze %dma_start3A_42 : memref<1x128x16xf32, #tpu.memory_space<vmem>> -> memref<128x16xf32, #tpu.memory_space<vmem>>
    %dma_start3A_44 = arith.constant 0 : i32
    %dma_start3A_45 = tpu.memref_slice %arg11[%dma_start3A_38, %dma_start3A_44] : memref<40x128xi32, #tpu.memory_space<vmem>> -> memref<1x128xi32, #tpu.memory_space<vmem>>
    %dma_start3A_46 = tpu.memref_squeeze %dma_start3A_45 : memref<1x128xi32, #tpu.memory_space<vmem>> -> memref<128xi32, #tpu.memory_space<vmem>>
    %dma_start3A_47 = arith.constant 0 : i32
    %dma_start3A_48 = arith.constant 0 : i32
    %dma_start3A_49 = tpu.memref_slice %arg3[%dma_start3A_47, %dma_start3A_48] : memref<10000x16xf32, #tpu.memory_space<hbm>> -> memref<10000x16xf32, #tpu.memory_space<hbm>>
    tpu.enqueue_indirect_dma source(%dma_start3A_49 : memref<10000x16xf32, #tpu.memory_space<hbm>>) target(%dma_start3A_43 : memref<128x16xf32, #tpu.memory_space<vmem>>) offsets(%dma_start3A_46 : memref<128xi32, #tpu.memory_space<vmem>>) semaphore(%arg19 : memref<!tpu.dma_semaphore, #tpu.memory_space<semaphore_mem>>)
    %scan3A = arith.constant 0 : i32
    %scan3A_50 = arith.constant 0 : i32
    %scan3A_51 = arith.constant 40 : i32
    %scan3A_52 = arith.addi %scan3A_50, %scan3A_51 : i32
    %scan3A_53 = arith.constant 1 : i32
    %scan3A_54 = scf.for %scan3A_175 = %scan3A_50 to %scan3A_52 step %scan3A_53 iter_args(%scan3A_176 = %scan3A) -> (i32)  : i32 {
      %le3A = arith.constant 38 : i32
      %le3A_177 = arith.cmpi sle, %scan3A_175, %le3A : i32
      %convert_element_type3A = arith.extui %le3A_177 : i1 to i32
      %cond3A = arith.constant 0 : i32
      %cond3A_178 = arith.cmpi ne, %convert_element_type3A, %cond3A : i32
      scf.if %cond3A_178 {
        %ge3A = arith.constant 1 : i32
        %ge3A_288 = arith.cmpi sge, %scan3A_175, %ge3A : i32
        %convert_element_type3A_289 = arith.extui %ge3A_288 : i1 to i32
        %cond3A_290 = arith.constant 0 : i32
        %cond3A_291 = arith.cmpi ne, %convert_element_type3A_289, %cond3A_290 : i32
        scf.if %cond3A_291 {
          %dma_wait3A_352 = arith.constant 0 : i32
          %dma_wait3A_353 = arith.constant 0 : i32
          %dma_wait3A_354 = arith.constant 0 : i32
          %dma_wait3A_355 = tpu.memref_slice %arg12[%dma_wait3A_352, %dma_wait3A_353, %dma_wait3A_354] : memref<2x128x128xf32, #tpu.memory_space<vmem>> -> memref<1x128x128xf32, #tpu.memory_space<vmem>>
          %dma_wait3A_356 = tpu.memref_squeeze %dma_wait3A_355 : memref<1x128x128xf32, #tpu.memory_space<vmem>> -> memref<128x128xf32, #tpu.memory_space<vmem>>
          %dma_wait3A_357 = arith.constant 0 : i32
          %dma_wait3A_358 = arith.constant 0 : i32
          %dma_wait3A_359 = tpu.memref_slice %arg6[%dma_wait3A_357, %dma_wait3A_358] : memref<163840x128xf32, #tpu.memory_space<hbm>> -> memref<128x128xf32, #tpu.memory_space<hbm>>
          %dma_wait3A_360 = arith.constant 0 : i32
          %dma_wait3A_361 = arith.constant 0 : i32
          %dma_wait3A_362 = tpu.memref_slice %arg6[%dma_wait3A_360, %dma_wait3A_361] : memref<163840x128xf32, #tpu.memory_space<hbm>> -> memref<128x128xf32, #tpu.memory_space<hbm>>
          %dma_wait3A_363 = arith.constant 0 : i32
          %dma_wait3A_364 = arith.constant 0 : i32
          %dma_wait3A_365 = tpu.memref_slice %arg12[%dma_wait3A_352, %dma_wait3A_363, %dma_wait3A_364] : memref<2x128x128xf32, #tpu.memory_space<vmem>> -> memref<1x128x128xf32, #tpu.memory_space<vmem>>
          %dma_wait3A_366 = tpu.memref_squeeze %dma_wait3A_365 : memref<1x128x128xf32, #tpu.memory_space<vmem>> -> memref<128x128xf32, #tpu.memory_space<vmem>>
          tpu.wait_dma2 semaphore(%arg20 : memref<!tpu.dma_semaphore, #tpu.memory_space<semaphore_mem>>) src(%dma_wait3A_366 : memref<128x128xf32, #tpu.memory_space<vmem>>) dst(%dma_wait3A_362 : memref<128x128xf32, #tpu.memory_space<hbm>>)
          %dma_wait3A_367 = arith.constant 0 : i32
          %dma_wait3A_368 = arith.constant 0 : i32
          %dma_wait3A_369 = arith.constant 0 : i32
          %dma_wait3A_370 = tpu.memref_slice %arg13[%dma_wait3A_367, %dma_wait3A_368, %dma_wait3A_369] : memref<2x128x128xf32, #tpu.memory_space<vmem>> -> memref<1x128x128xf32, #tpu.memory_space<vmem>>
          %dma_wait3A_371 = tpu.memref_squeeze %dma_wait3A_370 : memref<1x128x128xf32, #tpu.memory_space<vmem>> -> memref<128x128xf32, #tpu.memory_space<vmem>>
          %dma_wait3A_372 = arith.constant 0 : i32
          %dma_wait3A_373 = arith.constant 0 : i32
          %dma_wait3A_374 = tpu.memref_slice %arg7[%dma_wait3A_372, %dma_wait3A_373] : memref<163840x128xf32, #tpu.memory_space<hbm>> -> memref<128x128xf32, #tpu.memory_space<hbm>>
          %dma_wait3A_375 = arith.constant 0 : i32
          %dma_wait3A_376 = arith.constant 0 : i32
          %dma_wait3A_377 = tpu.memref_slice %arg7[%dma_wait3A_375, %dma_wait3A_376] : memref<163840x128xf32, #tpu.memory_space<hbm>> -> memref<128x128xf32, #tpu.memory_space<hbm>>
          %dma_wait3A_378 = arith.constant 0 : i32
          %dma_wait3A_379 = arith.constant 0 : i32
          %dma_wait3A_380 = tpu.memref_slice %arg13[%dma_wait3A_367, %dma_wait3A_378, %dma_wait3A_379] : memref<2x128x128xf32, #tpu.memory_space<vmem>> -> memref<1x128x128xf32, #tpu.memory_space<vmem>>
          %dma_wait3A_381 = tpu.memref_squeeze %dma_wait3A_380 : memref<1x128x128xf32, #tpu.memory_space<vmem>> -> memref<128x128xf32, #tpu.memory_space<vmem>>
          tpu.wait_dma2 semaphore(%arg21 : memref<!tpu.dma_semaphore, #tpu.memory_space<semaphore_mem>>) src(%dma_wait3A_381 : memref<128x128xf32, #tpu.memory_space<vmem>>) dst(%dma_wait3A_377 : memref<128x128xf32, #tpu.memory_space<hbm>>)
          %dma_wait3A_382 = arith.constant 0 : i32
          %dma_wait3A_383 = arith.constant 0 : i32
          %dma_wait3A_384 = arith.constant 0 : i32
          %dma_wait3A_385 = tpu.memref_slice %arg14[%dma_wait3A_382, %dma_wait3A_383, %dma_wait3A_384] : memref<2x128x16xf32, #tpu.memory_space<vmem>> -> memref<1x128x16xf32, #tpu.memory_space<vmem>>
          %dma_wait3A_386 = tpu.memref_squeeze %dma_wait3A_385 : memref<1x128x16xf32, #tpu.memory_space<vmem>> -> memref<128x16xf32, #tpu.memory_space<vmem>>
          %dma_wait3A_387 = arith.constant 0 : i32
          %dma_wait3A_388 = arith.constant 0 : i32
          %dma_wait3A_389 = tpu.memref_slice %arg8[%dma_wait3A_387, %dma_wait3A_388] : memref<163840x16xf32, #tpu.memory_space<hbm>> -> memref<128x16xf32, #tpu.memory_space<hbm>>
          %dma_wait3A_390 = arith.constant 0 : i32
          %dma_wait3A_391 = arith.constant 0 : i32
          %dma_wait3A_392 = tpu.memref_slice %arg8[%dma_wait3A_390, %dma_wait3A_391] : memref<163840x16xf32, #tpu.memory_space<hbm>> -> memref<128x16xf32, #tpu.memory_space<hbm>>
          %dma_wait3A_393 = arith.constant 0 : i32
          %dma_wait3A_394 = arith.constant 0 : i32
          %dma_wait3A_395 = tpu.memref_slice %arg14[%dma_wait3A_382, %dma_wait3A_393, %dma_wait3A_394] : memref<2x128x16xf32, #tpu.memory_space<vmem>> -> memref<1x128x16xf32, #tpu.memory_space<vmem>>
          %dma_wait3A_396 = tpu.memref_squeeze %dma_wait3A_395 : memref<1x128x16xf32, #tpu.memory_space<vmem>> -> memref<128x16xf32, #tpu.memory_space<vmem>>
          tpu.wait_dma2 semaphore(%arg22 : memref<!tpu.dma_semaphore, #tpu.memory_space<semaphore_mem>>) src(%dma_wait3A_396 : memref<128x16xf32, #tpu.memory_space<vmem>>) dst(%dma_wait3A_392 : memref<128x16xf32, #tpu.memory_space<hbm>>)
          %dma_wait3A_397 = arith.constant 0 : i32
          %dma_wait3A_398 = arith.constant 0 : i32
          %dma_wait3A_399 = arith.constant 0 : i32
          %dma_wait3A_400 = tpu.memref_slice %arg15[%dma_wait3A_397, %dma_wait3A_398, %dma_wait3A_399] : memref<2x128x16xf32, #tpu.memory_space<vmem>> -> memref<1x128x16xf32, #tpu.memory_space<vmem>>
          %dma_wait3A_401 = tpu.memref_squeeze %dma_wait3A_400 : memref<1x128x16xf32, #tpu.memory_space<vmem>> -> memref<128x16xf32, #tpu.memory_space<vmem>>
          %dma_wait3A_402 = arith.constant 0 : i32
          %dma_wait3A_403 = arith.constant 0 : i32
          %dma_wait3A_404 = tpu.memref_slice %arg9[%dma_wait3A_402, %dma_wait3A_403] : memref<163840x16xf32, #tpu.memory_space<hbm>> -> memref<128x16xf32, #tpu.memory_space<hbm>>
          %dma_wait3A_405 = arith.constant 0 : i32
          %dma_wait3A_406 = arith.constant 0 : i32
          %dma_wait3A_407 = tpu.memref_slice %arg9[%dma_wait3A_405, %dma_wait3A_406] : memref<163840x16xf32, #tpu.memory_space<hbm>> -> memref<128x16xf32, #tpu.memory_space<hbm>>
          %dma_wait3A_408 = arith.constant 0 : i32
          %dma_wait3A_409 = arith.constant 0 : i32
          %dma_wait3A_410 = tpu.memref_slice %arg15[%dma_wait3A_397, %dma_wait3A_408, %dma_wait3A_409] : memref<2x128x16xf32, #tpu.memory_space<vmem>> -> memref<1x128x16xf32, #tpu.memory_space<vmem>>
          %dma_wait3A_411 = tpu.memref_squeeze %dma_wait3A_410 : memref<1x128x16xf32, #tpu.memory_space<vmem>> -> memref<128x16xf32, #tpu.memory_space<vmem>>
          tpu.wait_dma2 semaphore(%arg23 : memref<!tpu.dma_semaphore, #tpu.memory_space<semaphore_mem>>) src(%dma_wait3A_411 : memref<128x16xf32, #tpu.memory_space<vmem>>) dst(%dma_wait3A_407 : memref<128x16xf32, #tpu.memory_space<hbm>>)
        } else {
        }
        %add3A_292 = arith.constant 1 : i32
        %add3A_293 = arith.addi %scan3A_175, %add3A_292 : i32
        %add3A_294 = arith.constant 1 : i32
        %add3A_295 = arith.addi %scan3A_175, %add3A_294 : i32
        %jit3A_296 = arith.constant 2 : i32
        %eq3A_297 = arith.constant 0 : i32
        %eq3A_298 = arith.cmpi eq, %jit3A_296, %eq3A_297 : i32
        %jit3A_299 = arith.constant 1 : i32
        %select_n3A_300 = arith.select %eq3A_298, %jit3A_299, %jit3A_296 : i32
        %rem3A_301 = arith.remsi %add3A_295, %select_n3A_300 : i32
        %ne3A_302 = arith.constant 0 : i32
        %ne3A_303 = arith.cmpi ne, %rem3A_301, %ne3A_302 : i32
        %lt3A_304 = arith.constant 0 : i32
        %lt3A_305 = arith.cmpi slt, %rem3A_301, %lt3A_304 : i32
        %lt3A_306 = arith.constant 0 : i32
        %lt3A_307 = arith.cmpi slt, %select_n3A_300, %lt3A_306 : i32
        %ne3A_308 = arith.xori %lt3A_305, %lt3A_307 : i1
        %and3A_309 = arith.andi %ne3A_308, %ne3A_303 : i1
        %add3A_310 = arith.addi %rem3A_301, %select_n3A_300 : i32
        %select_n3A_311 = arith.select %and3A_309, %add3A_310, %rem3A_301 : i32
        %dma_start3A_312 = arith.constant 0 : i32
        %dma_start3A_313 = arith.constant 0 : i32
        %dma_start3A_314 = tpu.memref_slice %arg12[%select_n3A_311, %dma_start3A_312, %dma_start3A_313] : memref<2x128x128xf32, #tpu.memory_space<vmem>> -> memref<1x128x128xf32, #tpu.memory_space<vmem>>
        %dma_start3A_315 = tpu.memref_squeeze %dma_start3A_314 : memref<1x128x128xf32, #tpu.memory_space<vmem>> -> memref<128x128xf32, #tpu.memory_space<vmem>>
        %dma_start3A_316 = arith.constant 0 : i32
        %dma_start3A_317 = tpu.memref_slice %arg10[%add3A_293, %dma_start3A_316] : memref<40x128xi32, #tpu.memory_space<vmem>> -> memref<1x128xi32, #tpu.memory_space<vmem>>
        %dma_start3A_318 = tpu.memref_squeeze %dma_start3A_317 : memref<1x128xi32, #tpu.memory_space<vmem>> -> memref<128xi32, #tpu.memory_space<vmem>>
        %dma_start3A_319 = arith.constant 0 : i32
        %dma_start3A_320 = arith.constant 0 : i32
        %dma_start3A_321 = tpu.memref_slice %arg2[%dma_start3A_319, %dma_start3A_320] : memref<10000x128xf32, #tpu.memory_space<hbm>> -> memref<10000x128xf32, #tpu.memory_space<hbm>>
        tpu.enqueue_indirect_dma source(%dma_start3A_321 : memref<10000x128xf32, #tpu.memory_space<hbm>>) target(%dma_start3A_315 : memref<128x128xf32, #tpu.memory_space<vmem>>) offsets(%dma_start3A_318 : memref<128xi32, #tpu.memory_space<vmem>>) semaphore(%arg16 : memref<!tpu.dma_semaphore, #tpu.memory_space<semaphore_mem>>)
        %dma_start3A_322 = arith.constant 0 : i32
        %dma_start3A_323 = arith.constant 0 : i32
        %dma_start3A_324 = tpu.memref_slice %arg13[%select_n3A_311, %dma_start3A_322, %dma_start3A_323] : memref<2x128x128xf32, #tpu.memory_space<vmem>> -> memref<1x128x128xf32, #tpu.memory_space<vmem>>
        %dma_start3A_325 = tpu.memref_squeeze %dma_start3A_324 : memref<1x128x128xf32, #tpu.memory_space<vmem>> -> memref<128x128xf32, #tpu.memory_space<vmem>>
        %dma_start3A_326 = arith.constant 0 : i32
        %dma_start3A_327 = tpu.memref_slice %arg11[%add3A_293, %dma_start3A_326] : memref<40x128xi32, #tpu.memory_space<vmem>> -> memref<1x128xi32, #tpu.memory_space<vmem>>
        %dma_start3A_328 = tpu.memref_squeeze %dma_start3A_327 : memref<1x128xi32, #tpu.memory_space<vmem>> -> memref<128xi32, #tpu.memory_space<vmem>>
        %dma_start3A_329 = arith.constant 0 : i32
        %dma_start3A_330 = arith.constant 0 : i32
        %dma_start3A_331 = tpu.memref_slice %arg2[%dma_start3A_329, %dma_start3A_330] : memref<10000x128xf32, #tpu.memory_space<hbm>> -> memref<10000x128xf32, #tpu.memory_space<hbm>>
        tpu.enqueue_indirect_dma source(%dma_start3A_331 : memref<10000x128xf32, #tpu.memory_space<hbm>>) target(%dma_start3A_325 : memref<128x128xf32, #tpu.memory_space<vmem>>) offsets(%dma_start3A_328 : memref<128xi32, #tpu.memory_space<vmem>>) semaphore(%arg17 : memref<!tpu.dma_semaphore, #tpu.memory_space<semaphore_mem>>)
        %dma_start3A_332 = arith.constant 0 : i32
        %dma_start3A_333 = arith.constant 0 : i32
        %dma_start3A_334 = tpu.memref_slice %arg14[%select_n3A_311, %dma_start3A_332, %dma_start3A_333] : memref<2x128x16xf32, #tpu.memory_space<vmem>> -> memref<1x128x16xf32, #tpu.memory_space<vmem>>
        %dma_start3A_335 = tpu.memref_squeeze %dma_start3A_334 : memref<1x128x16xf32, #tpu.memory_space<vmem>> -> memref<128x16xf32, #tpu.memory_space<vmem>>
        %dma_start3A_336 = arith.constant 0 : i32
        %dma_start3A_337 = tpu.memref_slice %arg10[%add3A_293, %dma_start3A_336] : memref<40x128xi32, #tpu.memory_space<vmem>> -> memref<1x128xi32, #tpu.memory_space<vmem>>
        %dma_start3A_338 = tpu.memref_squeeze %dma_start3A_337 : memref<1x128xi32, #tpu.memory_space<vmem>> -> memref<128xi32, #tpu.memory_space<vmem>>
        %dma_start3A_339 = arith.constant 0 : i32
        %dma_start3A_340 = arith.constant 0 : i32
        %dma_start3A_341 = tpu.memref_slice %arg3[%dma_start3A_339, %dma_start3A_340] : memref<10000x16xf32, #tpu.memory_space<hbm>> -> memref<10000x16xf32, #tpu.memory_space<hbm>>
        tpu.enqueue_indirect_dma source(%dma_start3A_341 : memref<10000x16xf32, #tpu.memory_space<hbm>>) target(%dma_start3A_335 : memref<128x16xf32, #tpu.memory_space<vmem>>) offsets(%dma_start3A_338 : memref<128xi32, #tpu.memory_space<vmem>>) semaphore(%arg18 : memref<!tpu.dma_semaphore, #tpu.memory_space<semaphore_mem>>)
        %dma_start3A_342 = arith.constant 0 : i32
        %dma_start3A_343 = arith.constant 0 : i32
        %dma_start3A_344 = tpu.memref_slice %arg15[%select_n3A_311, %dma_start3A_342, %dma_start3A_343] : memref<2x128x16xf32, #tpu.memory_space<vmem>> -> memref<1x128x16xf32, #tpu.memory_space<vmem>>
        %dma_start3A_345 = tpu.memref_squeeze %dma_start3A_344 : memref<1x128x16xf32, #tpu.memory_space<vmem>> -> memref<128x16xf32, #tpu.memory_space<vmem>>
        %dma_start3A_346 = arith.constant 0 : i32
        %dma_start3A_347 = tpu.memref_slice %arg11[%add3A_293, %dma_start3A_346] : memref<40x128xi32, #tpu.memory_space<vmem>> -> memref<1x128xi32, #tpu.memory_space<vmem>>
        %dma_start3A_348 = tpu.memref_squeeze %dma_start3A_347 : memref<1x128xi32, #tpu.memory_space<vmem>> -> memref<128xi32, #tpu.memory_space<vmem>>
        %dma_start3A_349 = arith.constant 0 : i32
        %dma_start3A_350 = arith.constant 0 : i32
        %dma_start3A_351 = tpu.memref_slice %arg3[%dma_start3A_349, %dma_start3A_350] : memref<10000x16xf32, #tpu.memory_space<hbm>> -> memref<10000x16xf32, #tpu.memory_space<hbm>>
        tpu.enqueue_indirect_dma source(%dma_start3A_351 : memref<10000x16xf32, #tpu.memory_space<hbm>>) target(%dma_start3A_345 : memref<128x16xf32, #tpu.memory_space<vmem>>) offsets(%dma_start3A_348 : memref<128xi32, #tpu.memory_space<vmem>>) semaphore(%arg19 : memref<!tpu.dma_semaphore, #tpu.memory_space<semaphore_mem>>)
      } else {
      }
      %dma_wait3A_179 = arith.constant 0 : i32
      %dma_wait3A_180 = arith.constant 0 : i32
      %dma_wait3A_181 = arith.constant 0 : i32
      %dma_wait3A_182 = arith.constant 0 : i32
      %dma_wait3A_183 = tpu.memref_slice %arg12[%dma_wait3A_180, %dma_wait3A_181, %dma_wait3A_182] : memref<2x128x128xf32, #tpu.memory_space<vmem>> -> memref<1x128x128xf32, #tpu.memory_space<vmem>>
      %dma_wait3A_184 = tpu.memref_squeeze %dma_wait3A_183 : memref<1x128x128xf32, #tpu.memory_space<vmem>> -> memref<128x128xf32, #tpu.memory_space<vmem>>
      %dma_wait3A_185 = arith.constant 0 : i32
      %dma_wait3A_186 = tpu.memref_slice %arg10[%dma_wait3A_179, %dma_wait3A_185] : memref<40x128xi32, #tpu.memory_space<vmem>> -> memref<1x128xi32, #tpu.memory_space<vmem>>
      %dma_wait3A_187 = tpu.memref_squeeze %dma_wait3A_186 : memref<1x128xi32, #tpu.memory_space<vmem>> -> memref<128xi32, #tpu.memory_space<vmem>>
      %dma_wait3A_188 = arith.constant 0 : i32
      %dma_wait3A_189 = arith.constant 0 : i32
      %dma_wait3A_190 = tpu.memref_slice %arg2[%dma_wait3A_188, %dma_wait3A_189] : memref<10000x128xf32, #tpu.memory_space<hbm>> -> memref<10000x128xf32, #tpu.memory_space<hbm>>
      tpu.wait_indirect_dma semaphore(%arg16 : memref<!tpu.dma_semaphore, #tpu.memory_space<semaphore_mem>>) src(%dma_wait3A_190 : memref<10000x128xf32, #tpu.memory_space<hbm>>) dst(%dma_wait3A_184 : memref<128x128xf32, #tpu.memory_space<vmem>>)
      %dma_wait3A_191 = arith.constant 0 : i32
      %dma_wait3A_192 = arith.constant 0 : i32
      %dma_wait3A_193 = arith.constant 0 : i32
      %dma_wait3A_194 = arith.constant 0 : i32
      %dma_wait3A_195 = tpu.memref_slice %arg13[%dma_wait3A_192, %dma_wait3A_193, %dma_wait3A_194] : memref<2x128x128xf32, #tpu.memory_space<vmem>> -> memref<1x128x128xf32, #tpu.memory_space<vmem>>
      %dma_wait3A_196 = tpu.memref_squeeze %dma_wait3A_195 : memref<1x128x128xf32, #tpu.memory_space<vmem>> -> memref<128x128xf32, #tpu.memory_space<vmem>>
      %dma_wait3A_197 = arith.constant 0 : i32
      %dma_wait3A_198 = tpu.memref_slice %arg11[%dma_wait3A_191, %dma_wait3A_197] : memref<40x128xi32, #tpu.memory_space<vmem>> -> memref<1x128xi32, #tpu.memory_space<vmem>>
      %dma_wait3A_199 = tpu.memref_squeeze %dma_wait3A_198 : memref<1x128xi32, #tpu.memory_space<vmem>> -> memref<128xi32, #tpu.memory_space<vmem>>
      %dma_wait3A_200 = arith.constant 0 : i32
      %dma_wait3A_201 = arith.constant 0 : i32
      %dma_wait3A_202 = tpu.memref_slice %arg2[%dma_wait3A_200, %dma_wait3A_201] : memref<10000x128xf32, #tpu.memory_space<hbm>> -> memref<10000x128xf32, #tpu.memory_space<hbm>>
      tpu.wait_indirect_dma semaphore(%arg17 : memref<!tpu.dma_semaphore, #tpu.memory_space<semaphore_mem>>) src(%dma_wait3A_202 : memref<10000x128xf32, #tpu.memory_space<hbm>>) dst(%dma_wait3A_196 : memref<128x128xf32, #tpu.memory_space<vmem>>)
      %dma_wait3A_203 = arith.constant 0 : i32
      %dma_wait3A_204 = arith.constant 0 : i32
      %dma_wait3A_205 = arith.constant 0 : i32
      %dma_wait3A_206 = arith.constant 0 : i32
      %dma_wait3A_207 = tpu.memref_slice %arg14[%dma_wait3A_204, %dma_wait3A_205, %dma_wait3A_206] : memref<2x128x16xf32, #tpu.memory_space<vmem>> -> memref<1x128x16xf32, #tpu.memory_space<vmem>>
      %dma_wait3A_208 = tpu.memref_squeeze %dma_wait3A_207 : memref<1x128x16xf32, #tpu.memory_space<vmem>> -> memref<128x16xf32, #tpu.memory_space<vmem>>
      %dma_wait3A_209 = arith.constant 0 : i32
      %dma_wait3A_210 = tpu.memref_slice %arg10[%dma_wait3A_203, %dma_wait3A_209] : memref<40x128xi32, #tpu.memory_space<vmem>> -> memref<1x128xi32, #tpu.memory_space<vmem>>
      %dma_wait3A_211 = tpu.memref_squeeze %dma_wait3A_210 : memref<1x128xi32, #tpu.memory_space<vmem>> -> memref<128xi32, #tpu.memory_space<vmem>>
      %dma_wait3A_212 = arith.constant 0 : i32
      %dma_wait3A_213 = arith.constant 0 : i32
      %dma_wait3A_214 = tpu.memref_slice %arg3[%dma_wait3A_212, %dma_wait3A_213] : memref<10000x16xf32, #tpu.memory_space<hbm>> -> memref<10000x16xf32, #tpu.memory_space<hbm>>
      tpu.wait_indirect_dma semaphore(%arg18 : memref<!tpu.dma_semaphore, #tpu.memory_space<semaphore_mem>>) src(%dma_wait3A_214 : memref<10000x16xf32, #tpu.memory_space<hbm>>) dst(%dma_wait3A_208 : memref<128x16xf32, #tpu.memory_space<vmem>>)
      %dma_wait3A_215 = arith.constant 0 : i32
      %dma_wait3A_216 = arith.constant 0 : i32
      %dma_wait3A_217 = arith.constant 0 : i32
      %dma_wait3A_218 = arith.constant 0 : i32
      %dma_wait3A_219 = tpu.memref_slice %arg15[%dma_wait3A_216, %dma_wait3A_217, %dma_wait3A_218] : memref<2x128x16xf32, #tpu.memory_space<vmem>> -> memref<1x128x16xf32, #tpu.memory_space<vmem>>
      %dma_wait3A_220 = tpu.memref_squeeze %dma_wait3A_219 : memref<1x128x16xf32, #tpu.memory_space<vmem>> -> memref<128x16xf32, #tpu.memory_space<vmem>>
      %dma_wait3A_221 = arith.constant 0 : i32
      %dma_wait3A_222 = tpu.memref_slice %arg11[%dma_wait3A_215, %dma_wait3A_221] : memref<40x128xi32, #tpu.memory_space<vmem>> -> memref<1x128xi32, #tpu.memory_space<vmem>>
      %dma_wait3A_223 = tpu.memref_squeeze %dma_wait3A_222 : memref<1x128xi32, #tpu.memory_space<vmem>> -> memref<128xi32, #tpu.memory_space<vmem>>
      %dma_wait3A_224 = arith.constant 0 : i32
      %dma_wait3A_225 = arith.constant 0 : i32
      %dma_wait3A_226 = tpu.memref_slice %arg3[%dma_wait3A_224, %dma_wait3A_225] : memref<10000x16xf32, #tpu.memory_space<hbm>> -> memref<10000x16xf32, #tpu.memory_space<hbm>>
      tpu.wait_indirect_dma semaphore(%arg19 : memref<!tpu.dma_semaphore, #tpu.memory_space<semaphore_mem>>) src(%dma_wait3A_226 : memref<10000x16xf32, #tpu.memory_space<hbm>>) dst(%dma_wait3A_220 : memref<128x16xf32, #tpu.memory_space<vmem>>)
      %jit3A = arith.constant 2 : i32
      %eq3A = arith.constant 0 : i32
      %eq3A_227 = arith.cmpi eq, %jit3A, %eq3A : i32
      %jit3A_228 = arith.constant 1 : i32
      %select_n3A = arith.select %eq3A_227, %jit3A_228, %jit3A : i32
      %rem3A = arith.remsi %scan3A_175, %select_n3A : i32
      %ne3A = arith.constant 0 : i32
      %ne3A_229 = arith.cmpi ne, %rem3A, %ne3A : i32
      %lt3A = arith.constant 0 : i32
      %lt3A_230 = arith.cmpi slt, %rem3A, %lt3A : i32
      %lt3A_231 = arith.constant 0 : i32
      %lt3A_232 = arith.cmpi slt, %select_n3A, %lt3A_231 : i32
      %ne3A_233 = arith.xori %lt3A_230, %lt3A_232 : i1
      %and3A = arith.andi %ne3A_233, %ne3A_229 : i1
      %add3A_234 = arith.addi %rem3A, %select_n3A : i32
      %select_n3A_235 = arith.select %and3A, %add3A_234, %rem3A : i32
      %add3A_236 = arith.addi %mul3A_2, %scan3A_175 : i32
      %mul3A_237 = arith.constant 128 : i32
      %mul3A_238 = arith.muli %add3A_236, %mul3A_237 : i32
      %dma_start3A_239 = arith.constant 0 : i32
      %dma_start3A_240 = arith.constant 0 : i32
      %dma_start3A_241 = tpu.memref_slice %arg12[%select_n3A_235, %dma_start3A_239, %dma_start3A_240] : memref<2x128x128xf32, #tpu.memory_space<vmem>> -> memref<1x128x128xf32, #tpu.memory_space<vmem>>
      %dma_start3A_242 = tpu.memref_squeeze %dma_start3A_241 : memref<1x128x128xf32, #tpu.memory_space<vmem>> -> memref<128x128xf32, #tpu.memory_space<vmem>>
      %dma_start3A_243 = arith.constant 0 : i32
      %dma_start3A_244 = tpu.memref_slice %arg6[%mul3A_238, %dma_start3A_243] : memref<163840x128xf32, #tpu.memory_space<hbm>> -> memref<128x128xf32, #tpu.memory_space<hbm>>
      %dma_start3A_245 = arith.constant 0 : i32
      %dma_start3A_246 = tpu.memref_slice %arg6[%mul3A_238, %dma_start3A_245] : memref<163840x128xf32, #tpu.memory_space<hbm>> -> memref<128x128xf32, #tpu.memory_space<hbm>>
      %dma_start3A_247 = arith.constant 0 : i32
      %dma_start3A_248 = arith.constant 0 : i32
      %dma_start3A_249 = tpu.memref_slice %arg12[%select_n3A_235, %dma_start3A_247, %dma_start3A_248] : memref<2x128x128xf32, #tpu.memory_space<vmem>> -> memref<1x128x128xf32, #tpu.memory_space<vmem>>
      %dma_start3A_250 = tpu.memref_squeeze %dma_start3A_249 : memref<1x128x128xf32, #tpu.memory_space<vmem>> -> memref<128x128xf32, #tpu.memory_space<vmem>>
      tpu.enqueue_dma source(%dma_start3A_250 : memref<128x128xf32, #tpu.memory_space<vmem>>) target(%dma_start3A_246 : memref<128x128xf32, #tpu.memory_space<hbm>>) target_semaphore(%arg20 : memref<!tpu.dma_semaphore, #tpu.memory_space<semaphore_mem>>)
      %dma_start3A_251 = arith.constant 0 : i32
      %dma_start3A_252 = arith.constant 0 : i32
      %dma_start3A_253 = tpu.memref_slice %arg13[%select_n3A_235, %dma_start3A_251, %dma_start3A_252] : memref<2x128x128xf32, #tpu.memory_space<vmem>> -> memref<1x128x128xf32, #tpu.memory_space<vmem>>
      %dma_start3A_254 = tpu.memref_squeeze %dma_start3A_253 : memref<1x128x128xf32, #tpu.memory_space<vmem>> -> memref<128x128xf32, #tpu.memory_space<vmem>>
      %dma_start3A_255 = arith.constant 0 : i32
      %dma_start3A_256 = tpu.memref_slice %arg7[%mul3A_238, %dma_start3A_255] : memref<163840x128xf32, #tpu.memory_space<hbm>> -> memref<128x128xf32, #tpu.memory_space<hbm>>
      %dma_start3A_257 = arith.constant 0 : i32
      %dma_start3A_258 = tpu.memref_slice %arg7[%mul3A_238, %dma_start3A_257] : memref<163840x128xf32, #tpu.memory_space<hbm>> -> memref<128x128xf32, #tpu.memory_space<hbm>>
      %dma_start3A_259 = arith.constant 0 : i32
      %dma_start3A_260 = arith.constant 0 : i32
      %dma_start3A_261 = tpu.memref_slice %arg13[%select_n3A_235, %dma_start3A_259, %dma_start3A_260] : memref<2x128x128xf32, #tpu.memory_space<vmem>> -> memref<1x128x128xf32, #tpu.memory_space<vmem>>
      %dma_start3A_262 = tpu.memref_squeeze %dma_start3A_261 : memref<1x128x128xf32, #tpu.memory_space<vmem>> -> memref<128x128xf32, #tpu.memory_space<vmem>>
      tpu.enqueue_dma source(%dma_start3A_262 : memref<128x128xf32, #tpu.memory_space<vmem>>) target(%dma_start3A_258 : memref<128x128xf32, #tpu.memory_space<hbm>>) target_semaphore(%arg21 : memref<!tpu.dma_semaphore, #tpu.memory_space<semaphore_mem>>)
      %dma_start3A_263 = arith.constant 0 : i32
      %dma_start3A_264 = arith.constant 0 : i32
      %dma_start3A_265 = tpu.memref_slice %arg14[%select_n3A_235, %dma_start3A_263, %dma_start3A_264] : memref<2x128x16xf32, #tpu.memory_space<vmem>> -> memref<1x128x16xf32, #tpu.memory_space<vmem>>
      %dma_start3A_266 = tpu.memref_squeeze %dma_start3A_265 : memref<1x128x16xf32, #tpu.memory_space<vmem>> -> memref<128x16xf32, #tpu.memory_space<vmem>>
      %dma_start3A_267 = arith.constant 0 : i32
      %dma_start3A_268 = tpu.memref_slice %arg8[%mul3A_238, %dma_start3A_267] : memref<163840x16xf32, #tpu.memory_space<hbm>> -> memref<128x16xf32, #tpu.memory_space<hbm>>
      %dma_start3A_269 = arith.constant 0 : i32
      %dma_start3A_270 = tpu.memref_slice %arg8[%mul3A_238, %dma_start3A_269] : memref<163840x16xf32, #tpu.memory_space<hbm>> -> memref<128x16xf32, #tpu.memory_space<hbm>>
      %dma_start3A_271 = arith.constant 0 : i32
      %dma_start3A_272 = arith.constant 0 : i32
      %dma_start3A_273 = tpu.memref_slice %arg14[%select_n3A_235, %dma_start3A_271, %dma_start3A_272] : memref<2x128x16xf32, #tpu.memory_space<vmem>> -> memref<1x128x16xf32, #tpu.memory_space<vmem>>
      %dma_start3A_274 = tpu.memref_squeeze %dma_start3A_273 : memref<1x128x16xf32, #tpu.memory_space<vmem>> -> memref<128x16xf32, #tpu.memory_space<vmem>>
      tpu.enqueue_dma source(%dma_start3A_274 : memref<128x16xf32, #tpu.memory_space<vmem>>) target(%dma_start3A_270 : memref<128x16xf32, #tpu.memory_space<hbm>>) target_semaphore(%arg22 : memref<!tpu.dma_semaphore, #tpu.memory_space<semaphore_mem>>)
      %dma_start3A_275 = arith.constant 0 : i32
      %dma_start3A_276 = arith.constant 0 : i32
      %dma_start3A_277 = tpu.memref_slice %arg15[%select_n3A_235, %dma_start3A_275, %dma_start3A_276] : memref<2x128x16xf32, #tpu.memory_space<vmem>> -> memref<1x128x16xf32, #tpu.memory_space<vmem>>
      %dma_start3A_278 = tpu.memref_squeeze %dma_start3A_277 : memref<1x128x16xf32, #tpu.memory_space<vmem>> -> memref<128x16xf32, #tpu.memory_space<vmem>>
      %dma_start3A_279 = arith.constant 0 : i32
      %dma_start3A_280 = tpu.memref_slice %arg9[%mul3A_238, %dma_start3A_279] : memref<163840x16xf32, #tpu.memory_space<hbm>> -> memref<128x16xf32, #tpu.memory_space<hbm>>
      %dma_start3A_281 = arith.constant 0 : i32
      %dma_start3A_282 = tpu.memref_slice %arg9[%mul3A_238, %dma_start3A_281] : memref<163840x16xf32, #tpu.memory_space<hbm>> -> memref<128x16xf32, #tpu.memory_space<hbm>>
      %dma_start3A_283 = arith.constant 0 : i32
      %dma_start3A_284 = arith.constant 0 : i32
      %dma_start3A_285 = tpu.memref_slice %arg15[%select_n3A_235, %dma_start3A_283, %dma_start3A_284] : memref<2x128x16xf32, #tpu.memory_space<vmem>> -> memref<1x128x16xf32, #tpu.memory_space<vmem>>
      %dma_start3A_286 = tpu.memref_squeeze %dma_start3A_285 : memref<1x128x16xf32, #tpu.memory_space<vmem>> -> memref<128x16xf32, #tpu.memory_space<vmem>>
      tpu.enqueue_dma source(%dma_start3A_286 : memref<128x16xf32, #tpu.memory_space<vmem>>) target(%dma_start3A_282 : memref<128x16xf32, #tpu.memory_space<hbm>>) target_semaphore(%arg23 : memref<!tpu.dma_semaphore, #tpu.memory_space<semaphore_mem>>)
      %scan3A_287 = arith.constant 0 : i32
      scf.yield %scan3A_287 : i32
    }
    %scan3A_55 = arith.constant 40 : i32
    %dma_wait3A = arith.constant 0 : i32
    %dma_wait3A_56 = arith.constant 0 : i32
    %dma_wait3A_57 = arith.constant 0 : i32
    %dma_wait3A_58 = tpu.memref_slice %arg12[%dma_wait3A, %dma_wait3A_56, %dma_wait3A_57] : memref<2x128x128xf32, #tpu.memory_space<vmem>> -> memref<1x128x128xf32, #tpu.memory_space<vmem>>
    %dma_wait3A_59 = tpu.memref_squeeze %dma_wait3A_58 : memref<1x128x128xf32, #tpu.memory_space<vmem>> -> memref<128x128xf32, #tpu.memory_space<vmem>>
    %dma_wait3A_60 = arith.constant 0 : i32
    %dma_wait3A_61 = arith.constant 0 : i32
    %dma_wait3A_62 = tpu.memref_slice %arg6[%dma_wait3A_60, %dma_wait3A_61] : memref<163840x128xf32, #tpu.memory_space<hbm>> -> memref<128x128xf32, #tpu.memory_space<hbm>>
    %dma_wait3A_63 = arith.constant 0 : i32
    %dma_wait3A_64 = arith.constant 0 : i32
    %dma_wait3A_65 = tpu.memref_slice %arg6[%dma_wait3A_63, %dma_wait3A_64] : memref<163840x128xf32, #tpu.memory_space<hbm>> -> memref<128x128xf32, #tpu.memory_space<hbm>>
    %dma_wait3A_66 = arith.constant 0 : i32
    %dma_wait3A_67 = arith.constant 0 : i32
    %dma_wait3A_68 = tpu.memref_slice %arg12[%dma_wait3A, %dma_wait3A_66, %dma_wait3A_67] : memref<2x128x128xf32, #tpu.memory_space<vmem>> -> memref<1x128x128xf32, #tpu.memory_space<vmem>>
    %dma_wait3A_69 = tpu.memref_squeeze %dma_wait3A_68 : memref<1x128x128xf32, #tpu.memory_space<vmem>> -> memref<128x128xf32, #tpu.memory_space<vmem>>
    tpu.wait_dma2 semaphore(%arg20 : memref<!tpu.dma_semaphore, #tpu.memory_space<semaphore_mem>>) src(%dma_wait3A_69 : memref<128x128xf32, #tpu.memory_space<vmem>>) dst(%dma_wait3A_65 : memref<128x128xf32, #tpu.memory_space<hbm>>)
    %dma_wait3A_70 = arith.constant 0 : i32
    %dma_wait3A_71 = arith.constant 0 : i32
    %dma_wait3A_72 = arith.constant 0 : i32
    %dma_wait3A_73 = tpu.memref_slice %arg13[%dma_wait3A_70, %dma_wait3A_71, %dma_wait3A_72] : memref<2x128x128xf32, #tpu.memory_space<vmem>> -> memref<1x128x128xf32, #tpu.memory_space<vmem>>
    %dma_wait3A_74 = tpu.memref_squeeze %dma_wait3A_73 : memref<1x128x128xf32, #tpu.memory_space<vmem>> -> memref<128x128xf32, #tpu.memory_space<vmem>>
    %dma_wait3A_75 = arith.constant 0 : i32
    %dma_wait3A_76 = arith.constant 0 : i32
    %dma_wait3A_77 = tpu.memref_slice %arg7[%dma_wait3A_75, %dma_wait3A_76] : memref<163840x128xf32, #tpu.memory_space<hbm>> -> memref<128x128xf32, #tpu.memory_space<hbm>>
    %dma_wait3A_78 = arith.constant 0 : i32
    %dma_wait3A_79 = arith.constant 0 : i32
    %dma_wait3A_80 = tpu.memref_slice %arg7[%dma_wait3A_78, %dma_wait3A_79] : memref<163840x128xf32, #tpu.memory_space<hbm>> -> memref<128x128xf32, #tpu.memory_space<hbm>>
    %dma_wait3A_81 = arith.constant 0 : i32
    %dma_wait3A_82 = arith.constant 0 : i32
    %dma_wait3A_83 = tpu.memref_slice %arg13[%dma_wait3A_70, %dma_wait3A_81, %dma_wait3A_82] : memref<2x128x128xf32, #tpu.memory_space<vmem>> -> memref<1x128x128xf32, #tpu.memory_space<vmem>>
    %dma_wait3A_84 = tpu.memref_squeeze %dma_wait3A_83 : memref<1x128x128xf32, #tpu.memory_space<vmem>> -> memref<128x128xf32, #tpu.memory_space<vmem>>
    tpu.wait_dma2 semaphore(%arg21 : memref<!tpu.dma_semaphore, #tpu.memory_space<semaphore_mem>>) src(%dma_wait3A_84 : memref<128x128xf32, #tpu.memory_space<vmem>>) dst(%dma_wait3A_80 : memref<128x128xf32, #tpu.memory_space<hbm>>)
    %dma_wait3A_85 = arith.constant 0 : i32
    %dma_wait3A_86 = arith.constant 0 : i32
    %dma_wait3A_87 = arith.constant 0 : i32
    %dma_wait3A_88 = tpu.memref_slice %arg14[%dma_wait3A_85, %dma_wait3A_86, %dma_wait3A_87] : memref<2x128x16xf32, #tpu.memory_space<vmem>> -> memref<1x128x16xf32, #tpu.memory_space<vmem>>
    %dma_wait3A_89 = tpu.memref_squeeze %dma_wait3A_88 : memref<1x128x16xf32, #tpu.memory_space<vmem>> -> memref<128x16xf32, #tpu.memory_space<vmem>>
    %dma_wait3A_90 = arith.constant 0 : i32
    %dma_wait3A_91 = arith.constant 0 : i32
    %dma_wait3A_92 = tpu.memref_slice %arg8[%dma_wait3A_90, %dma_wait3A_91] : memref<163840x16xf32, #tpu.memory_space<hbm>> -> memref<128x16xf32, #tpu.memory_space<hbm>>
    %dma_wait3A_93 = arith.constant 0 : i32
    %dma_wait3A_94 = arith.constant 0 : i32
    %dma_wait3A_95 = tpu.memref_slice %arg8[%dma_wait3A_93, %dma_wait3A_94] : memref<163840x16xf32, #tpu.memory_space<hbm>> -> memref<128x16xf32, #tpu.memory_space<hbm>>
    %dma_wait3A_96 = arith.constant 0 : i32
    %dma_wait3A_97 = arith.constant 0 : i32
    %dma_wait3A_98 = tpu.memref_slice %arg14[%dma_wait3A_85, %dma_wait3A_96, %dma_wait3A_97] : memref<2x128x16xf32, #tpu.memory_space<vmem>> -> memref<1x128x16xf32, #tpu.memory_space<vmem>>
    %dma_wait3A_99 = tpu.memref_squeeze %dma_wait3A_98 : memref<1x128x16xf32, #tpu.memory_space<vmem>> -> memref<128x16xf32, #tpu.memory_space<vmem>>
    tpu.wait_dma2 semaphore(%arg22 : memref<!tpu.dma_semaphore, #tpu.memory_space<semaphore_mem>>) src(%dma_wait3A_99 : memref<128x16xf32, #tpu.memory_space<vmem>>) dst(%dma_wait3A_95 : memref<128x16xf32, #tpu.memory_space<hbm>>)
    %dma_wait3A_100 = arith.constant 0 : i32
    %dma_wait3A_101 = arith.constant 0 : i32
    %dma_wait3A_102 = arith.constant 0 : i32
    %dma_wait3A_103 = tpu.memref_slice %arg15[%dma_wait3A_100, %dma_wait3A_101, %dma_wait3A_102] : memref<2x128x16xf32, #tpu.memory_space<vmem>> -> memref<1x128x16xf32, #tpu.memory_space<vmem>>
    %dma_wait3A_104 = tpu.memref_squeeze %dma_wait3A_103 : memref<1x128x16xf32, #tpu.memory_space<vmem>> -> memref<128x16xf32, #tpu.memory_space<vmem>>
    %dma_wait3A_105 = arith.constant 0 : i32
    %dma_wait3A_106 = arith.constant 0 : i32
    %dma_wait3A_107 = tpu.memref_slice %arg9[%dma_wait3A_105, %dma_wait3A_106] : memref<163840x16xf32, #tpu.memory_space<hbm>> -> memref<128x16xf32, #tpu.memory_space<hbm>>
    %dma_wait3A_108 = arith.constant 0 : i32
    %dma_wait3A_109 = arith.constant 0 : i32
    %dma_wait3A_110 = tpu.memref_slice %arg9[%dma_wait3A_108, %dma_wait3A_109] : memref<163840x16xf32, #tpu.memory_space<hbm>> -> memref<128x16xf32, #tpu.memory_space<hbm>>
    %dma_wait3A_111 = arith.constant 0 : i32
    %dma_wait3A_112 = arith.constant 0 : i32
    %dma_wait3A_113 = tpu.memref_slice %arg15[%dma_wait3A_100, %dma_wait3A_111, %dma_wait3A_112] : memref<2x128x16xf32, #tpu.memory_space<vmem>> -> memref<1x128x16xf32, #tpu.memory_space<vmem>>
    %dma_wait3A_114 = tpu.memref_squeeze %dma_wait3A_113 : memref<1x128x16xf32, #tpu.memory_space<vmem>> -> memref<128x16xf32, #tpu.memory_space<vmem>>
    tpu.wait_dma2 semaphore(%arg23 : memref<!tpu.dma_semaphore, #tpu.memory_space<semaphore_mem>>) src(%dma_wait3A_114 : memref<128x16xf32, #tpu.memory_space<vmem>>) dst(%dma_wait3A_110 : memref<128x16xf32, #tpu.memory_space<hbm>>)
    %dma_wait3A_115 = arith.constant 0 : i32
    %dma_wait3A_116 = arith.constant 0 : i32
    %dma_wait3A_117 = arith.constant 0 : i32
    %dma_wait3A_118 = tpu.memref_slice %arg12[%dma_wait3A_115, %dma_wait3A_116, %dma_wait3A_117] : memref<2x128x128xf32, #tpu.memory_space<vmem>> -> memref<1x128x128xf32, #tpu.memory_space<vmem>>
    %dma_wait3A_119 = tpu.memref_squeeze %dma_wait3A_118 : memref<1x128x128xf32, #tpu.memory_space<vmem>> -> memref<128x128xf32, #tpu.memory_space<vmem>>
    %dma_wait3A_120 = arith.constant 0 : i32
    %dma_wait3A_121 = arith.constant 0 : i32
    %dma_wait3A_122 = tpu.memref_slice %arg6[%dma_wait3A_120, %dma_wait3A_121] : memref<163840x128xf32, #tpu.memory_space<hbm>> -> memref<128x128xf32, #tpu.memory_space<hbm>>
    %dma_wait3A_123 = arith.constant 0 : i32
    %dma_wait3A_124 = arith.constant 0 : i32
    %dma_wait3A_125 = tpu.memref_slice %arg6[%dma_wait3A_123, %dma_wait3A_124] : memref<163840x128xf32, #tpu.memory_space<hbm>> -> memref<128x128xf32, #tpu.memory_space<hbm>>
    %dma_wait3A_126 = arith.constant 0 : i32
    %dma_wait3A_127 = arith.constant 0 : i32
    %dma_wait3A_128 = tpu.memref_slice %arg12[%dma_wait3A_115, %dma_wait3A_126, %dma_wait3A_127] : memref<2x128x128xf32, #tpu.memory_space<vmem>> -> memref<1x128x128xf32, #tpu.memory_space<vmem>>
    %dma_wait3A_129 = tpu.memref_squeeze %dma_wait3A_128 : memref<1x128x128xf32, #tpu.memory_space<vmem>> -> memref<128x128xf32, #tpu.memory_space<vmem>>
    tpu.wait_dma2 semaphore(%arg20 : memref<!tpu.dma_semaphore, #tpu.memory_space<semaphore_mem>>) src(%dma_wait3A_129 : memref<128x128xf32, #tpu.memory_space<vmem>>) dst(%dma_wait3A_125 : memref<128x128xf32, #tpu.memory_space<hbm>>)
    %dma_wait3A_130 = arith.constant 0 : i32
    %dma_wait3A_131 = arith.constant 0 : i32
    %dma_wait3A_132 = arith.constant 0 : i32
    %dma_wait3A_133 = tpu.memref_slice %arg13[%dma_wait3A_130, %dma_wait3A_131, %dma_wait3A_132] : memref<2x128x128xf32, #tpu.memory_space<vmem>> -> memref<1x128x128xf32, #tpu.memory_space<vmem>>
    %dma_wait3A_134 = tpu.memref_squeeze %dma_wait3A_133 : memref<1x128x128xf32, #tpu.memory_space<vmem>> -> memref<128x128xf32, #tpu.memory_space<vmem>>
    %dma_wait3A_135 = arith.constant 0 : i32
    %dma_wait3A_136 = arith.constant 0 : i32
    %dma_wait3A_137 = tpu.memref_slice %arg7[%dma_wait3A_135, %dma_wait3A_136] : memref<163840x128xf32, #tpu.memory_space<hbm>> -> memref<128x128xf32, #tpu.memory_space<hbm>>
    %dma_wait3A_138 = arith.constant 0 : i32
    %dma_wait3A_139 = arith.constant 0 : i32
    %dma_wait3A_140 = tpu.memref_slice %arg7[%dma_wait3A_138, %dma_wait3A_139] : memref<163840x128xf32, #tpu.memory_space<hbm>> -> memref<128x128xf32, #tpu.memory_space<hbm>>
    %dma_wait3A_141 = arith.constant 0 : i32
    %dma_wait3A_142 = arith.constant 0 : i32
    %dma_wait3A_143 = tpu.memref_slice %arg13[%dma_wait3A_130, %dma_wait3A_141, %dma_wait3A_142] : memref<2x128x128xf32, #tpu.memory_space<vmem>> -> memref<1x128x128xf32, #tpu.memory_space<vmem>>
    %dma_wait3A_144 = tpu.memref_squeeze %dma_wait3A_143 : memref<1x128x128xf32, #tpu.memory_space<vmem>> -> memref<128x128xf32, #tpu.memory_space<vmem>>
    tpu.wait_dma2 semaphore(%arg21 : memref<!tpu.dma_semaphore, #tpu.memory_space<semaphore_mem>>) src(%dma_wait3A_144 : memref<128x128xf32, #tpu.memory_space<vmem>>) dst(%dma_wait3A_140 : memref<128x128xf32, #tpu.memory_space<hbm>>)
    %dma_wait3A_145 = arith.constant 0 : i32
    %dma_wait3A_146 = arith.constant 0 : i32
    %dma_wait3A_147 = arith.constant 0 : i32
    %dma_wait3A_148 = tpu.memref_slice %arg14[%dma_wait3A_145, %dma_wait3A_146, %dma_wait3A_147] : memref<2x128x16xf32, #tpu.memory_space<vmem>> -> memref<1x128x16xf32, #tpu.memory_space<vmem>>
    %dma_wait3A_149 = tpu.memref_squeeze %dma_wait3A_148 : memref<1x128x16xf32, #tpu.memory_space<vmem>> -> memref<128x16xf32, #tpu.memory_space<vmem>>
    %dma_wait3A_150 = arith.constant 0 : i32
    %dma_wait3A_151 = arith.constant 0 : i32
    %dma_wait3A_152 = tpu.memref_slice %arg8[%dma_wait3A_150, %dma_wait3A_151] : memref<163840x16xf32, #tpu.memory_space<hbm>> -> memref<128x16xf32, #tpu.memory_space<hbm>>
    %dma_wait3A_153 = arith.constant 0 : i32
    %dma_wait3A_154 = arith.constant 0 : i32
    %dma_wait3A_155 = tpu.memref_slice %arg8[%dma_wait3A_153, %dma_wait3A_154] : memref<163840x16xf32, #tpu.memory_space<hbm>> -> memref<128x16xf32, #tpu.memory_space<hbm>>
    %dma_wait3A_156 = arith.constant 0 : i32
    %dma_wait3A_157 = arith.constant 0 : i32
    %dma_wait3A_158 = tpu.memref_slice %arg14[%dma_wait3A_145, %dma_wait3A_156, %dma_wait3A_157] : memref<2x128x16xf32, #tpu.memory_space<vmem>> -> memref<1x128x16xf32, #tpu.memory_space<vmem>>
    %dma_wait3A_159 = tpu.memref_squeeze %dma_wait3A_158 : memref<1x128x16xf32, #tpu.memory_space<vmem>> -> memref<128x16xf32, #tpu.memory_space<vmem>>
    tpu.wait_dma2 semaphore(%arg22 : memref<!tpu.dma_semaphore, #tpu.memory_space<semaphore_mem>>) src(%dma_wait3A_159 : memref<128x16xf32, #tpu.memory_space<vmem>>) dst(%dma_wait3A_155 : memref<128x16xf32, #tpu.memory_space<hbm>>)
    %dma_wait3A_160 = arith.constant 0 : i32
    %dma_wait3A_161 = arith.constant 0 : i32
    %dma_wait3A_162 = arith.constant 0 : i32
    %dma_wait3A_163 = tpu.memref_slice %arg15[%dma_wait3A_160, %dma_wait3A_161, %dma_wait3A_162] : memref<2x128x16xf32, #tpu.memory_space<vmem>> -> memref<1x128x16xf32, #tpu.memory_space<vmem>>
    %dma_wait3A_164 = tpu.memref_squeeze %dma_wait3A_163 : memref<1x128x16xf32, #tpu.memory_space<vmem>> -> memref<128x16xf32, #tpu.memory_space<vmem>>
    %dma_wait3A_165 = arith.constant 0 : i32
    %dma_wait3A_166 = arith.constant 0 : i32
    %dma_wait3A_167 = tpu.memref_slice %arg9[%dma_wait3A_165, %dma_wait3A_166] : memref<163840x16xf32, #tpu.memory_space<hbm>> -> memref<128x16xf32, #tpu.memory_space<hbm>>
    %dma_wait3A_168 = arith.constant 0 : i32
    %dma_wait3A_169 = arith.constant 0 : i32
    %dma_wait3A_170 = tpu.memref_slice %arg9[%dma_wait3A_168, %dma_wait3A_169] : memref<163840x16xf32, #tpu.memory_space<hbm>> -> memref<128x16xf32, #tpu.memory_space<hbm>>
    %dma_wait3A_171 = arith.constant 0 : i32
    %dma_wait3A_172 = arith.constant 0 : i32
    %dma_wait3A_173 = tpu.memref_slice %arg15[%dma_wait3A_160, %dma_wait3A_171, %dma_wait3A_172] : memref<2x128x16xf32, #tpu.memory_space<vmem>> -> memref<1x128x16xf32, #tpu.memory_space<vmem>>
    %dma_wait3A_174 = tpu.memref_squeeze %dma_wait3A_173 : memref<1x128x16xf32, #tpu.memory_space<vmem>> -> memref<128x16xf32, #tpu.memory_space<vmem>>
    tpu.wait_dma2 semaphore(%arg23 : memref<!tpu.dma_semaphore, #tpu.memory_space<semaphore_mem>>) src(%dma_wait3A_174 : memref<128x16xf32, #tpu.memory_space<vmem>>) dst(%dma_wait3A_170 : memref<128x16xf32, #tpu.memory_space<hbm>>)
    return
  }
}

#map = affine_map<(d0, d1) -> (0, 0)>
module attributes {stable_mosaic.version = 14 : i64} {
  func.func @_scatter_body(%arg0: i32, %arg1: i32, %arg2: memref<163840x32xf32, #tpu.memory_space<hbm>>, %arg3: memref<1280x128xi32, #tpu.memory_space<hbm>>, %arg4: memref<10240x32xf32, #tpu.memory_space<hbm>>, %arg5: memref<10240x32xf32, #tpu.memory_space<hbm>>, %arg6: memref<10240x32xf32, #tpu.memory_space<hbm>>, %arg7: memref<4x128xi32, #tpu.memory_space<vmem>>, %arg8: memref<512x32xf32, #tpu.memory_space<vmem>>, %arg9: memref<10240x32xf32, #tpu.memory_space<vmem_shared>>) attributes {dimension_semantics = [#tpu.dimension_semantics<core_parallel>, #tpu.dimension_semantics<subcore_parallel>], iteration_bounds = array<i64: 2, 16>, scalar_prefetch = 0 : i64, scratch_operands = 3 : i64, tpu.core_type = #tpu.core_type<sc_vector_subcore>, window_params = [{transform_indices = #map}, {transform_indices = #map}, {transform_indices = #map}, {transform_indices = #map}, {transform_indices = #map}]} {
    %mul3A = arith.constant 640 : i32
    %mul3A_0 = arith.muli %arg1, %mul3A : i32
    %mul3A_1 = arith.constant 640 : i32
    %mul3A_2 = arith.muli %arg1, %mul3A_1 : i32
    "tpu.region"() ({
      %run_scoped3A = tpu.sem_alloc : memref<!tpu.dma_semaphore, #tpu.memory_space<semaphore_mem>>
      %dma_start3A = arith.constant 0 : i32
      %dma_start3A_21 = tpu.memref_slice %arg9[%mul3A_2, %dma_start3A] : memref<10240x32xf32, #tpu.memory_space<vmem_shared>> -> memref<640x32xf32, #tpu.memory_space<vmem_shared>>
      %dma_start3A_22 = arith.constant 0 : i32
      %dma_start3A_23 = tpu.memref_slice %arg4[%mul3A_0, %dma_start3A_22] : memref<10240x32xf32, #tpu.memory_space<hbm>> -> memref<640x32xf32, #tpu.memory_space<hbm>>
      tpu.enqueue_dma source(%dma_start3A_23 : memref<640x32xf32, #tpu.memory_space<hbm>>) target(%dma_start3A_21 : memref<640x32xf32, #tpu.memory_space<vmem_shared>>) target_semaphore(%run_scoped3A : memref<!tpu.dma_semaphore, #tpu.memory_space<semaphore_mem>>)
      %dma_wait3A = arith.constant 0 : i32
      %dma_wait3A_24 = tpu.memref_slice %arg9[%mul3A_2, %dma_wait3A] : memref<10240x32xf32, #tpu.memory_space<vmem_shared>> -> memref<640x32xf32, #tpu.memory_space<vmem_shared>>
      %dma_wait3A_25 = arith.constant 0 : i32
      %dma_wait3A_26 = tpu.memref_slice %arg4[%mul3A_0, %dma_wait3A_25] : memref<10240x32xf32, #tpu.memory_space<hbm>> -> memref<640x32xf32, #tpu.memory_space<hbm>>
      tpu.wait_dma2 semaphore(%run_scoped3A : memref<!tpu.dma_semaphore, #tpu.memory_space<semaphore_mem>>) src(%dma_wait3A_26 : memref<640x32xf32, #tpu.memory_space<hbm>>) dst(%dma_wait3A_24 : memref<640x32xf32, #tpu.memory_space<vmem_shared>>)
      tpu.yield
    }) : () -> ()
    %barrier3A = arith.constant 0 : index
    tpu.barrier barrier_id(%barrier3A)
    %mul3A_3 = arith.constant 640 : i32
    %mul3A_4 = arith.muli %arg0, %mul3A_3 : i32
    %mul3A_5 = arith.constant 40 : i32
    %mul3A_6 = arith.muli %arg1, %mul3A_5 : i32
    %add3A = arith.addi %mul3A_4, %mul3A_6 : i32
    %scan3A = arith.constant 0 : i32
    %scan3A_7 = arith.constant 0 : i32
    %scan3A_8 = arith.constant 10 : i32
    %scan3A_9 = arith.addi %scan3A_7, %scan3A_8 : i32
    %scan3A_10 = arith.constant 1 : i32
    %scan3A_11 = scf.for %scan3A_21 = %scan3A_7 to %scan3A_9 step %scan3A_10 iter_args(%scan3A_22 = %scan3A) -> (i32)  : i32 {
      %mul3A_23 = arith.constant 4 : i32
      %mul3A_24 = arith.muli %scan3A_21, %mul3A_23 : i32
      %add3A_25 = arith.addi %add3A, %mul3A_24 : i32
      "tpu.region"() ({
        %run_scoped3A_32 = tpu.sem_alloc : memref<!tpu.dma_semaphore, #tpu.memory_space<semaphore_mem>>
        %dma_start3A = arith.constant 0 : i32
        %dma_start3A_33 = tpu.memref_slice %arg3[%add3A_25, %dma_start3A] : memref<1280x128xi32, #tpu.memory_space<hbm>> -> memref<4x128xi32, #tpu.memory_space<hbm>>
        %dma_start3A_34 = arith.constant 0 : i32
        %dma_start3A_35 = tpu.memref_slice %arg3[%add3A_25, %dma_start3A_34] : memref<1280x128xi32, #tpu.memory_space<hbm>> -> memref<4x128xi32, #tpu.memory_space<hbm>>
        tpu.enqueue_dma source(%dma_start3A_35 : memref<4x128xi32, #tpu.memory_space<hbm>>) target(%arg7 : memref<4x128xi32, #tpu.memory_space<vmem>>) target_semaphore(%run_scoped3A_32 : memref<!tpu.dma_semaphore, #tpu.memory_space<semaphore_mem>>)
        %dma_wait3A = arith.constant 0 : i32
        %dma_wait3A_36 = tpu.memref_slice %arg3[%add3A_25, %dma_wait3A] : memref<1280x128xi32, #tpu.memory_space<hbm>> -> memref<4x128xi32, #tpu.memory_space<hbm>>
        %dma_wait3A_37 = arith.constant 0 : i32
        %dma_wait3A_38 = tpu.memref_slice %arg3[%add3A_25, %dma_wait3A_37] : memref<1280x128xi32, #tpu.memory_space<hbm>> -> memref<4x128xi32, #tpu.memory_space<hbm>>
        tpu.wait_dma2 semaphore(%run_scoped3A_32 : memref<!tpu.dma_semaphore, #tpu.memory_space<semaphore_mem>>) src(%dma_wait3A_38 : memref<4x128xi32, #tpu.memory_space<hbm>>) dst(%arg7 : memref<4x128xi32, #tpu.memory_space<vmem>>)
        tpu.yield
      }) : () -> ()
      %mul3A_26 = arith.constant 128 : i32
      %mul3A_27 = arith.muli %add3A_25, %mul3A_26 : i32
      "tpu.region"() ({
        %run_scoped3A_32 = tpu.sem_alloc : memref<!tpu.dma_semaphore, #tpu.memory_space<semaphore_mem>>
        %dma_start3A = arith.constant 0 : i32
        %dma_start3A_33 = tpu.memref_slice %arg2[%mul3A_27, %dma_start3A] : memref<163840x32xf32, #tpu.memory_space<hbm>> -> memref<512x32xf32, #tpu.memory_space<hbm>>
        %dma_start3A_34 = arith.constant 0 : i32
        %dma_start3A_35 = tpu.memref_slice %arg2[%mul3A_27, %dma_start3A_34] : memref<163840x32xf32, #tpu.memory_space<hbm>> -> memref<512x32xf32, #tpu.memory_space<hbm>>
        tpu.enqueue_dma source(%dma_start3A_35 : memref<512x32xf32, #tpu.memory_space<hbm>>) target(%arg8 : memref<512x32xf32, #tpu.memory_space<vmem>>) target_semaphore(%run_scoped3A_32 : memref<!tpu.dma_semaphore, #tpu.memory_space<semaphore_mem>>)
        %dma_wait3A = arith.constant 0 : i32
        %dma_wait3A_36 = tpu.memref_slice %arg2[%mul3A_27, %dma_wait3A] : memref<163840x32xf32, #tpu.memory_space<hbm>> -> memref<512x32xf32, #tpu.memory_space<hbm>>
        %dma_wait3A_37 = arith.constant 0 : i32
        %dma_wait3A_38 = tpu.memref_slice %arg2[%mul3A_27, %dma_wait3A_37] : memref<163840x32xf32, #tpu.memory_space<hbm>> -> memref<512x32xf32, #tpu.memory_space<hbm>>
        tpu.wait_dma2 semaphore(%run_scoped3A_32 : memref<!tpu.dma_semaphore, #tpu.memory_space<semaphore_mem>>) src(%dma_wait3A_38 : memref<512x32xf32, #tpu.memory_space<hbm>>) dst(%arg8 : memref<512x32xf32, #tpu.memory_space<vmem>>)
        tpu.yield
      }) : () -> ()
      %run_scoped3A = arith.constant 0 : i32
      "tpu.region"() ({
        %run_scoped3A_32 = tpu.sem_alloc : memref<!tpu.dma_semaphore, #tpu.memory_space<semaphore_mem>>
        %dma_start3A = arith.constant 0 : i32
        %dma_start3A_33 = arith.constant 0 : i32
        %dma_start3A_34 = tpu.memref_slice %arg8[%dma_start3A, %dma_start3A_33] : memref<512x32xf32, #tpu.memory_space<vmem>> -> memref<128x32xf32, #tpu.memory_space<vmem>>
        %dma_start3A_35 = arith.constant 0 : i32
        %dma_start3A_36 = tpu.memref_slice %arg7[%run_scoped3A, %dma_start3A_35] : memref<4x128xi32, #tpu.memory_space<vmem>> -> memref<1x128xi32, #tpu.memory_space<vmem>>
        %dma_start3A_37 = tpu.memref_squeeze %dma_start3A_36 : memref<1x128xi32, #tpu.memory_space<vmem>> -> memref<128xi32, #tpu.memory_space<vmem>>
        %dma_start3A_38 = arith.constant 0 : i32
        %dma_start3A_39 = arith.constant 0 : i32
        %dma_start3A_40 = tpu.memref_slice %arg9[%dma_start3A_38, %dma_start3A_39] : memref<10240x32xf32, #tpu.memory_space<vmem_shared>> -> memref<10240x32xf32, #tpu.memory_space<vmem_shared>>
        tpu.enqueue_indirect_dma source(%dma_start3A_34 : memref<128x32xf32, #tpu.memory_space<vmem>>) target(%dma_start3A_40 : memref<10240x32xf32, #tpu.memory_space<vmem_shared>>) offsets(%dma_start3A_37 : memref<128xi32, #tpu.memory_space<vmem>>) semaphore(%run_scoped3A_32 : memref<!tpu.dma_semaphore, #tpu.memory_space<semaphore_mem>>) {add = true}
        %dma_wait3A = arith.constant 0 : i32
        %dma_wait3A_41 = arith.constant 0 : i32
        %dma_wait3A_42 = tpu.memref_slice %arg8[%dma_wait3A, %dma_wait3A_41] : memref<512x32xf32, #tpu.memory_space<vmem>> -> memref<128x32xf32, #tpu.memory_space<vmem>>
        %dma_wait3A_43 = arith.constant 0 : i32
        %dma_wait3A_44 = tpu.memref_slice %arg7[%run_scoped3A, %dma_wait3A_43] : memref<4x128xi32, #tpu.memory_space<vmem>> -> memref<1x128xi32, #tpu.memory_space<vmem>>
        %dma_wait3A_45 = tpu.memref_squeeze %dma_wait3A_44 : memref<1x128xi32, #tpu.memory_space<vmem>> -> memref<128xi32, #tpu.memory_space<vmem>>
        %dma_wait3A_46 = arith.constant 0 : i32
        %dma_wait3A_47 = arith.constant 0 : i32
        %dma_wait3A_48 = tpu.memref_slice %arg9[%dma_wait3A_46, %dma_wait3A_47] : memref<10240x32xf32, #tpu.memory_space<vmem_shared>> -> memref<10240x32xf32, #tpu.memory_space<vmem_shared>>
        tpu.wait_indirect_dma semaphore(%run_scoped3A_32 : memref<!tpu.dma_semaphore, #tpu.memory_space<semaphore_mem>>) src(%dma_wait3A_42 : memref<128x32xf32, #tpu.memory_space<vmem>>) dst(%dma_wait3A_48 : memref<10240x32xf32, #tpu.memory_space<vmem_shared>>)
        tpu.yield
      }) : () -> ()
      %run_scoped3A_28 = arith.constant 1 : i32
      "tpu.region"() ({
        %run_scoped3A_32 = tpu.sem_alloc : memref<!tpu.dma_semaphore, #tpu.memory_space<semaphore_mem>>
        %dma_start3A = arith.constant 128 : i32
        %dma_start3A_33 = arith.constant 0 : i32
        %dma_start3A_34 = tpu.memref_slice %arg8[%dma_start3A, %dma_start3A_33] : memref<512x32xf32, #tpu.memory_space<vmem>> -> memref<128x32xf32, #tpu.memory_space<vmem>>
        %dma_start3A_35 = arith.constant 0 : i32
        %dma_start3A_36 = tpu.memref_slice %arg7[%run_scoped3A_28, %dma_start3A_35] : memref<4x128xi32, #tpu.memory_space<vmem>> -> memref<1x128xi32, #tpu.memory_space<vmem>>
        %dma_start3A_37 = tpu.memref_squeeze %dma_start3A_36 : memref<1x128xi32, #tpu.memory_space<vmem>> -> memref<128xi32, #tpu.memory_space<vmem>>
        %dma_start3A_38 = arith.constant 0 : i32
        %dma_start3A_39 = arith.constant 0 : i32
        %dma_start3A_40 = tpu.memref_slice %arg9[%dma_start3A_38, %dma_start3A_39] : memref<10240x32xf32, #tpu.memory_space<vmem_shared>> -> memref<10240x32xf32, #tpu.memory_space<vmem_shared>>
        tpu.enqueue_indirect_dma source(%dma_start3A_34 : memref<128x32xf32, #tpu.memory_space<vmem>>) target(%dma_start3A_40 : memref<10240x32xf32, #tpu.memory_space<vmem_shared>>) offsets(%dma_start3A_37 : memref<128xi32, #tpu.memory_space<vmem>>) semaphore(%run_scoped3A_32 : memref<!tpu.dma_semaphore, #tpu.memory_space<semaphore_mem>>) {add = true}
        %dma_wait3A = arith.constant 128 : i32
        %dma_wait3A_41 = arith.constant 0 : i32
        %dma_wait3A_42 = tpu.memref_slice %arg8[%dma_wait3A, %dma_wait3A_41] : memref<512x32xf32, #tpu.memory_space<vmem>> -> memref<128x32xf32, #tpu.memory_space<vmem>>
        %dma_wait3A_43 = arith.constant 0 : i32
        %dma_wait3A_44 = tpu.memref_slice %arg7[%run_scoped3A_28, %dma_wait3A_43] : memref<4x128xi32, #tpu.memory_space<vmem>> -> memref<1x128xi32, #tpu.memory_space<vmem>>
        %dma_wait3A_45 = tpu.memref_squeeze %dma_wait3A_44 : memref<1x128xi32, #tpu.memory_space<vmem>> -> memref<128xi32, #tpu.memory_space<vmem>>
        %dma_wait3A_46 = arith.constant 0 : i32
        %dma_wait3A_47 = arith.constant 0 : i32
        %dma_wait3A_48 = tpu.memref_slice %arg9[%dma_wait3A_46, %dma_wait3A_47] : memref<10240x32xf32, #tpu.memory_space<vmem_shared>> -> memref<10240x32xf32, #tpu.memory_space<vmem_shared>>
        tpu.wait_indirect_dma semaphore(%run_scoped3A_32 : memref<!tpu.dma_semaphore, #tpu.memory_space<semaphore_mem>>) src(%dma_wait3A_42 : memref<128x32xf32, #tpu.memory_space<vmem>>) dst(%dma_wait3A_48 : memref<10240x32xf32, #tpu.memory_space<vmem_shared>>)
        tpu.yield
      }) : () -> ()
      %run_scoped3A_29 = arith.constant 2 : i32
      "tpu.region"() ({
        %run_scoped3A_32 = tpu.sem_alloc : memref<!tpu.dma_semaphore, #tpu.memory_space<semaphore_mem>>
        %dma_start3A = arith.constant 256 : i32
        %dma_start3A_33 = arith.constant 0 : i32
        %dma_start3A_34 = tpu.memref_slice %arg8[%dma_start3A, %dma_start3A_33] : memref<512x32xf32, #tpu.memory_space<vmem>> -> memref<128x32xf32, #tpu.memory_space<vmem>>
        %dma_start3A_35 = arith.constant 0 : i32
        %dma_start3A_36 = tpu.memref_slice %arg7[%run_scoped3A_29, %dma_start3A_35] : memref<4x128xi32, #tpu.memory_space<vmem>> -> memref<1x128xi32, #tpu.memory_space<vmem>>
        %dma_start3A_37 = tpu.memref_squeeze %dma_start3A_36 : memref<1x128xi32, #tpu.memory_space<vmem>> -> memref<128xi32, #tpu.memory_space<vmem>>
        %dma_start3A_38 = arith.constant 0 : i32
        %dma_start3A_39 = arith.constant 0 : i32
        %dma_start3A_40 = tpu.memref_slice %arg9[%dma_start3A_38, %dma_start3A_39] : memref<10240x32xf32, #tpu.memory_space<vmem_shared>> -> memref<10240x32xf32, #tpu.memory_space<vmem_shared>>
        tpu.enqueue_indirect_dma source(%dma_start3A_34 : memref<128x32xf32, #tpu.memory_space<vmem>>) target(%dma_start3A_40 : memref<10240x32xf32, #tpu.memory_space<vmem_shared>>) offsets(%dma_start3A_37 : memref<128xi32, #tpu.memory_space<vmem>>) semaphore(%run_scoped3A_32 : memref<!tpu.dma_semaphore, #tpu.memory_space<semaphore_mem>>) {add = true}
        %dma_wait3A = arith.constant 256 : i32
        %dma_wait3A_41 = arith.constant 0 : i32
        %dma_wait3A_42 = tpu.memref_slice %arg8[%dma_wait3A, %dma_wait3A_41] : memref<512x32xf32, #tpu.memory_space<vmem>> -> memref<128x32xf32, #tpu.memory_space<vmem>>
        %dma_wait3A_43 = arith.constant 0 : i32
        %dma_wait3A_44 = tpu.memref_slice %arg7[%run_scoped3A_29, %dma_wait3A_43] : memref<4x128xi32, #tpu.memory_space<vmem>> -> memref<1x128xi32, #tpu.memory_space<vmem>>
        %dma_wait3A_45 = tpu.memref_squeeze %dma_wait3A_44 : memref<1x128xi32, #tpu.memory_space<vmem>> -> memref<128xi32, #tpu.memory_space<vmem>>
        %dma_wait3A_46 = arith.constant 0 : i32
        %dma_wait3A_47 = arith.constant 0 : i32
        %dma_wait3A_48 = tpu.memref_slice %arg9[%dma_wait3A_46, %dma_wait3A_47] : memref<10240x32xf32, #tpu.memory_space<vmem_shared>> -> memref<10240x32xf32, #tpu.memory_space<vmem_shared>>
        tpu.wait_indirect_dma semaphore(%run_scoped3A_32 : memref<!tpu.dma_semaphore, #tpu.memory_space<semaphore_mem>>) src(%dma_wait3A_42 : memref<128x32xf32, #tpu.memory_space<vmem>>) dst(%dma_wait3A_48 : memref<10240x32xf32, #tpu.memory_space<vmem_shared>>)
        tpu.yield
      }) : () -> ()
      %run_scoped3A_30 = arith.constant 3 : i32
      "tpu.region"() ({
        %run_scoped3A_32 = tpu.sem_alloc : memref<!tpu.dma_semaphore, #tpu.memory_space<semaphore_mem>>
        %dma_start3A = arith.constant 384 : i32
        %dma_start3A_33 = arith.constant 0 : i32
        %dma_start3A_34 = tpu.memref_slice %arg8[%dma_start3A, %dma_start3A_33] : memref<512x32xf32, #tpu.memory_space<vmem>> -> memref<128x32xf32, #tpu.memory_space<vmem>>
        %dma_start3A_35 = arith.constant 0 : i32
        %dma_start3A_36 = tpu.memref_slice %arg7[%run_scoped3A_30, %dma_start3A_35] : memref<4x128xi32, #tpu.memory_space<vmem>> -> memref<1x128xi32, #tpu.memory_space<vmem>>
        %dma_start3A_37 = tpu.memref_squeeze %dma_start3A_36 : memref<1x128xi32, #tpu.memory_space<vmem>> -> memref<128xi32, #tpu.memory_space<vmem>>
        %dma_start3A_38 = arith.constant 0 : i32
        %dma_start3A_39 = arith.constant 0 : i32
        %dma_start3A_40 = tpu.memref_slice %arg9[%dma_start3A_38, %dma_start3A_39] : memref<10240x32xf32, #tpu.memory_space<vmem_shared>> -> memref<10240x32xf32, #tpu.memory_space<vmem_shared>>
        tpu.enqueue_indirect_dma source(%dma_start3A_34 : memref<128x32xf32, #tpu.memory_space<vmem>>) target(%dma_start3A_40 : memref<10240x32xf32, #tpu.memory_space<vmem_shared>>) offsets(%dma_start3A_37 : memref<128xi32, #tpu.memory_space<vmem>>) semaphore(%run_scoped3A_32 : memref<!tpu.dma_semaphore, #tpu.memory_space<semaphore_mem>>) {add = true}
        %dma_wait3A = arith.constant 384 : i32
        %dma_wait3A_41 = arith.constant 0 : i32
        %dma_wait3A_42 = tpu.memref_slice %arg8[%dma_wait3A, %dma_wait3A_41] : memref<512x32xf32, #tpu.memory_space<vmem>> -> memref<128x32xf32, #tpu.memory_space<vmem>>
        %dma_wait3A_43 = arith.constant 0 : i32
        %dma_wait3A_44 = tpu.memref_slice %arg7[%run_scoped3A_30, %dma_wait3A_43] : memref<4x128xi32, #tpu.memory_space<vmem>> -> memref<1x128xi32, #tpu.memory_space<vmem>>
        %dma_wait3A_45 = tpu.memref_squeeze %dma_wait3A_44 : memref<1x128xi32, #tpu.memory_space<vmem>> -> memref<128xi32, #tpu.memory_space<vmem>>
        %dma_wait3A_46 = arith.constant 0 : i32
        %dma_wait3A_47 = arith.constant 0 : i32
        %dma_wait3A_48 = tpu.memref_slice %arg9[%dma_wait3A_46, %dma_wait3A_47] : memref<10240x32xf32, #tpu.memory_space<vmem_shared>> -> memref<10240x32xf32, #tpu.memory_space<vmem_shared>>
        tpu.wait_indirect_dma semaphore(%run_scoped3A_32 : memref<!tpu.dma_semaphore, #tpu.memory_space<semaphore_mem>>) src(%dma_wait3A_42 : memref<128x32xf32, #tpu.memory_space<vmem>>) dst(%dma_wait3A_48 : memref<10240x32xf32, #tpu.memory_space<vmem_shared>>)
        tpu.yield
      }) : () -> ()
      %scan3A_31 = arith.constant 0 : i32
      scf.yield %scan3A_31 : i32
    }
    %scan3A_12 = arith.constant 10 : i32
    %barrier3A_13 = arith.constant 0 : index
    tpu.barrier barrier_id(%barrier3A_13)
    %eq3A = arith.constant 0 : i32
    %eq3A_14 = arith.cmpi eq, %arg0, %eq3A : i32
    %convert_element_type3A = arith.extui %eq3A_14 : i1 to i32
    %cond3A = arith.constant 0 : i32
    %cond3A_15 = arith.cmpi ne, %convert_element_type3A, %cond3A : i32
    scf.if %cond3A_15 {
      %mul3A_21 = arith.constant 640 : i32
      %mul3A_22 = arith.muli %arg1, %mul3A_21 : i32
      %mul3A_23 = arith.constant 640 : i32
      %mul3A_24 = arith.muli %arg1, %mul3A_23 : i32
      "tpu.region"() ({
        %run_scoped3A = tpu.sem_alloc : memref<!tpu.dma_semaphore, #tpu.memory_space<semaphore_mem>>
        %dma_start3A = arith.constant 0 : i32
        %dma_start3A_25 = tpu.memref_slice %arg5[%mul3A_24, %dma_start3A] : memref<10240x32xf32, #tpu.memory_space<hbm>> -> memref<640x32xf32, #tpu.memory_space<hbm>>
        %dma_start3A_26 = arith.constant 0 : i32
        %dma_start3A_27 = tpu.memref_slice %arg9[%mul3A_22, %dma_start3A_26] : memref<10240x32xf32, #tpu.memory_space<vmem_shared>> -> memref<640x32xf32, #tpu.memory_space<vmem_shared>>
        tpu.enqueue_dma source(%dma_start3A_27 : memref<640x32xf32, #tpu.memory_space<vmem_shared>>) target(%dma_start3A_25 : memref<640x32xf32, #tpu.memory_space<hbm>>) target_semaphore(%run_scoped3A : memref<!tpu.dma_semaphore, #tpu.memory_space<semaphore_mem>>)
        %dma_wait3A = arith.constant 0 : i32
        %dma_wait3A_28 = tpu.memref_slice %arg5[%mul3A_24, %dma_wait3A] : memref<10240x32xf32, #tpu.memory_space<hbm>> -> memref<640x32xf32, #tpu.memory_space<hbm>>
        %dma_wait3A_29 = arith.constant 0 : i32
        %dma_wait3A_30 = tpu.memref_slice %arg9[%mul3A_22, %dma_wait3A_29] : memref<10240x32xf32, #tpu.memory_space<vmem_shared>> -> memref<640x32xf32, #tpu.memory_space<vmem_shared>>
        tpu.wait_dma2 semaphore(%run_scoped3A : memref<!tpu.dma_semaphore, #tpu.memory_space<semaphore_mem>>) src(%dma_wait3A_30 : memref<640x32xf32, #tpu.memory_space<vmem_shared>>) dst(%dma_wait3A_28 : memref<640x32xf32, #tpu.memory_space<hbm>>)
        tpu.yield
      }) : () -> ()
    } else {
    }
    %eq3A_16 = arith.constant 1 : i32
    %eq3A_17 = arith.cmpi eq, %arg0, %eq3A_16 : i32
    %convert_element_type3A_18 = arith.extui %eq3A_17 : i1 to i32
    %cond3A_19 = arith.constant 0 : i32
    %cond3A_20 = arith.cmpi ne, %convert_element_type3A_18, %cond3A_19 : i32
    scf.if %cond3A_20 {
      %mul3A_21 = arith.constant 640 : i32
      %mul3A_22 = arith.muli %arg1, %mul3A_21 : i32
      %mul3A_23 = arith.constant 640 : i32
      %mul3A_24 = arith.muli %arg1, %mul3A_23 : i32
      "tpu.region"() ({
        %run_scoped3A = tpu.sem_alloc : memref<!tpu.dma_semaphore, #tpu.memory_space<semaphore_mem>>
        %dma_start3A = arith.constant 0 : i32
        %dma_start3A_25 = tpu.memref_slice %arg6[%mul3A_24, %dma_start3A] : memref<10240x32xf32, #tpu.memory_space<hbm>> -> memref<640x32xf32, #tpu.memory_space<hbm>>
        %dma_start3A_26 = arith.constant 0 : i32
        %dma_start3A_27 = tpu.memref_slice %arg9[%mul3A_22, %dma_start3A_26] : memref<10240x32xf32, #tpu.memory_space<vmem_shared>> -> memref<640x32xf32, #tpu.memory_space<vmem_shared>>
        tpu.enqueue_dma source(%dma_start3A_27 : memref<640x32xf32, #tpu.memory_space<vmem_shared>>) target(%dma_start3A_25 : memref<640x32xf32, #tpu.memory_space<hbm>>) target_semaphore(%run_scoped3A : memref<!tpu.dma_semaphore, #tpu.memory_space<semaphore_mem>>)
        %dma_wait3A = arith.constant 0 : i32
        %dma_wait3A_28 = tpu.memref_slice %arg6[%mul3A_24, %dma_wait3A] : memref<10240x32xf32, #tpu.memory_space<hbm>> -> memref<640x32xf32, #tpu.memory_space<hbm>>
        %dma_wait3A_29 = arith.constant 0 : i32
        %dma_wait3A_30 = tpu.memref_slice %arg9[%mul3A_22, %dma_wait3A_29] : memref<10240x32xf32, #tpu.memory_space<vmem_shared>> -> memref<640x32xf32, #tpu.memory_space<vmem_shared>>
        tpu.wait_dma2 semaphore(%run_scoped3A : memref<!tpu.dma_semaphore, #tpu.memory_space<semaphore_mem>>) src(%dma_wait3A_30 : memref<640x32xf32, #tpu.memory_space<vmem_shared>>) dst(%dma_wait3A_28 : memref<640x32xf32, #tpu.memory_space<hbm>>)
        tpu.yield
      }) : () -> ()
    } else {
    }
    return
  }
}

#map = affine_map<(d0, d1) -> (0, 0)>
module attributes {stable_mosaic.version = 14 : i64} {
  func.func @_scatter_body(%arg0: i32, %arg1: i32, %arg2: memref<163840x32xf32, #tpu.memory_space<hbm>>, %arg3: memref<1280x128xi32, #tpu.memory_space<hbm>>, %arg4: memref<10240x32xf32, #tpu.memory_space<hbm>>, %arg5: memref<10240x32xf32, #tpu.memory_space<hbm>>, %arg6: memref<10240x32xf32, #tpu.memory_space<hbm>>, %arg7: memref<4x128xi32, #tpu.memory_space<vmem>>, %arg8: memref<512x32xf32, #tpu.memory_space<vmem>>, %arg9: memref<10240x32xf32, #tpu.memory_space<vmem_shared>>) attributes {dimension_semantics = [#tpu.dimension_semantics<core_parallel>, #tpu.dimension_semantics<subcore_parallel>], iteration_bounds = array<i64: 2, 16>, scalar_prefetch = 0 : i64, scratch_operands = 3 : i64, tpu.core_type = #tpu.core_type<sc_vector_subcore>, window_params = [{transform_indices = #map}, {transform_indices = #map}, {transform_indices = #map}, {transform_indices = #map}, {transform_indices = #map}]} {
    %mul3A = arith.constant 640 : i32
    %mul3A_0 = arith.muli %arg1, %mul3A : i32
    %mul3A_1 = arith.constant 640 : i32
    %mul3A_2 = arith.muli %arg1, %mul3A_1 : i32
    "tpu.region"() ({
      %run_scoped3A = tpu.sem_alloc : memref<!tpu.dma_semaphore, #tpu.memory_space<semaphore_mem>>
      %dma_start3A = arith.constant 0 : i32
      %dma_start3A_21 = tpu.memref_slice %arg9[%mul3A_2, %dma_start3A] : memref<10240x32xf32, #tpu.memory_space<vmem_shared>> -> memref<640x32xf32, #tpu.memory_space<vmem_shared>>
      %dma_start3A_22 = arith.constant 0 : i32
      %dma_start3A_23 = tpu.memref_slice %arg4[%mul3A_0, %dma_start3A_22] : memref<10240x32xf32, #tpu.memory_space<hbm>> -> memref<640x32xf32, #tpu.memory_space<hbm>>
      tpu.enqueue_dma source(%dma_start3A_23 : memref<640x32xf32, #tpu.memory_space<hbm>>) target(%dma_start3A_21 : memref<640x32xf32, #tpu.memory_space<vmem_shared>>) target_semaphore(%run_scoped3A : memref<!tpu.dma_semaphore, #tpu.memory_space<semaphore_mem>>)
      %dma_wait3A = arith.constant 0 : i32
      %dma_wait3A_24 = tpu.memref_slice %arg9[%mul3A_2, %dma_wait3A] : memref<10240x32xf32, #tpu.memory_space<vmem_shared>> -> memref<640x32xf32, #tpu.memory_space<vmem_shared>>
      %dma_wait3A_25 = arith.constant 0 : i32
      %dma_wait3A_26 = tpu.memref_slice %arg4[%mul3A_0, %dma_wait3A_25] : memref<10240x32xf32, #tpu.memory_space<hbm>> -> memref<640x32xf32, #tpu.memory_space<hbm>>
      tpu.wait_dma2 semaphore(%run_scoped3A : memref<!tpu.dma_semaphore, #tpu.memory_space<semaphore_mem>>) src(%dma_wait3A_26 : memref<640x32xf32, #tpu.memory_space<hbm>>) dst(%dma_wait3A_24 : memref<640x32xf32, #tpu.memory_space<vmem_shared>>)
      tpu.yield
    }) : () -> ()
    %barrier3A = arith.constant 0 : index
    tpu.barrier barrier_id(%barrier3A)
    %mul3A_3 = arith.constant 640 : i32
    %mul3A_4 = arith.muli %arg0, %mul3A_3 : i32
    %mul3A_5 = arith.constant 40 : i32
    %mul3A_6 = arith.muli %arg1, %mul3A_5 : i32
    %add3A = arith.addi %mul3A_4, %mul3A_6 : i32
    %scan3A = arith.constant 0 : i32
    %scan3A_7 = arith.constant 0 : i32
    %scan3A_8 = arith.constant 10 : i32
    %scan3A_9 = arith.addi %scan3A_7, %scan3A_8 : i32
    %scan3A_10 = arith.constant 1 : i32
    %scan3A_11 = scf.for %scan3A_21 = %scan3A_7 to %scan3A_9 step %scan3A_10 iter_args(%scan3A_22 = %scan3A) -> (i32)  : i32 {
      %mul3A_23 = arith.constant 4 : i32
      %mul3A_24 = arith.muli %scan3A_21, %mul3A_23 : i32
      %add3A_25 = arith.addi %add3A, %mul3A_24 : i32
      "tpu.region"() ({
        %run_scoped3A_32 = tpu.sem_alloc : memref<!tpu.dma_semaphore, #tpu.memory_space<semaphore_mem>>
        %dma_start3A = arith.constant 0 : i32
        %dma_start3A_33 = tpu.memref_slice %arg3[%add3A_25, %dma_start3A] : memref<1280x128xi32, #tpu.memory_space<hbm>> -> memref<4x128xi32, #tpu.memory_space<hbm>>
        %dma_start3A_34 = arith.constant 0 : i32
        %dma_start3A_35 = tpu.memref_slice %arg3[%add3A_25, %dma_start3A_34] : memref<1280x128xi32, #tpu.memory_space<hbm>> -> memref<4x128xi32, #tpu.memory_space<hbm>>
        tpu.enqueue_dma source(%dma_start3A_35 : memref<4x128xi32, #tpu.memory_space<hbm>>) target(%arg7 : memref<4x128xi32, #tpu.memory_space<vmem>>) target_semaphore(%run_scoped3A_32 : memref<!tpu.dma_semaphore, #tpu.memory_space<semaphore_mem>>)
        %dma_wait3A = arith.constant 0 : i32
        %dma_wait3A_36 = tpu.memref_slice %arg3[%add3A_25, %dma_wait3A] : memref<1280x128xi32, #tpu.memory_space<hbm>> -> memref<4x128xi32, #tpu.memory_space<hbm>>
        %dma_wait3A_37 = arith.constant 0 : i32
        %dma_wait3A_38 = tpu.memref_slice %arg3[%add3A_25, %dma_wait3A_37] : memref<1280x128xi32, #tpu.memory_space<hbm>> -> memref<4x128xi32, #tpu.memory_space<hbm>>
        tpu.wait_dma2 semaphore(%run_scoped3A_32 : memref<!tpu.dma_semaphore, #tpu.memory_space<semaphore_mem>>) src(%dma_wait3A_38 : memref<4x128xi32, #tpu.memory_space<hbm>>) dst(%arg7 : memref<4x128xi32, #tpu.memory_space<vmem>>)
        tpu.yield
      }) : () -> ()
      %mul3A_26 = arith.constant 128 : i32
      %mul3A_27 = arith.muli %add3A_25, %mul3A_26 : i32
      "tpu.region"() ({
        %run_scoped3A_32 = tpu.sem_alloc : memref<!tpu.dma_semaphore, #tpu.memory_space<semaphore_mem>>
        %dma_start3A = arith.constant 0 : i32
        %dma_start3A_33 = tpu.memref_slice %arg2[%mul3A_27, %dma_start3A] : memref<163840x32xf32, #tpu.memory_space<hbm>> -> memref<512x32xf32, #tpu.memory_space<hbm>>
        %dma_start3A_34 = arith.constant 0 : i32
        %dma_start3A_35 = tpu.memref_slice %arg2[%mul3A_27, %dma_start3A_34] : memref<163840x32xf32, #tpu.memory_space<hbm>> -> memref<512x32xf32, #tpu.memory_space<hbm>>
        tpu.enqueue_dma source(%dma_start3A_35 : memref<512x32xf32, #tpu.memory_space<hbm>>) target(%arg8 : memref<512x32xf32, #tpu.memory_space<vmem>>) target_semaphore(%run_scoped3A_32 : memref<!tpu.dma_semaphore, #tpu.memory_space<semaphore_mem>>)
        %dma_wait3A = arith.constant 0 : i32
        %dma_wait3A_36 = tpu.memref_slice %arg2[%mul3A_27, %dma_wait3A] : memref<163840x32xf32, #tpu.memory_space<hbm>> -> memref<512x32xf32, #tpu.memory_space<hbm>>
        %dma_wait3A_37 = arith.constant 0 : i32
        %dma_wait3A_38 = tpu.memref_slice %arg2[%mul3A_27, %dma_wait3A_37] : memref<163840x32xf32, #tpu.memory_space<hbm>> -> memref<512x32xf32, #tpu.memory_space<hbm>>
        tpu.wait_dma2 semaphore(%run_scoped3A_32 : memref<!tpu.dma_semaphore, #tpu.memory_space<semaphore_mem>>) src(%dma_wait3A_38 : memref<512x32xf32, #tpu.memory_space<hbm>>) dst(%arg8 : memref<512x32xf32, #tpu.memory_space<vmem>>)
        tpu.yield
      }) : () -> ()
      %run_scoped3A = arith.constant 0 : i32
      "tpu.region"() ({
        %run_scoped3A_32 = tpu.sem_alloc : memref<!tpu.dma_semaphore, #tpu.memory_space<semaphore_mem>>
        %dma_start3A = arith.constant 0 : i32
        %dma_start3A_33 = arith.constant 0 : i32
        %dma_start3A_34 = tpu.memref_slice %arg8[%dma_start3A, %dma_start3A_33] : memref<512x32xf32, #tpu.memory_space<vmem>> -> memref<128x32xf32, #tpu.memory_space<vmem>>
        %dma_start3A_35 = arith.constant 0 : i32
        %dma_start3A_36 = tpu.memref_slice %arg7[%run_scoped3A, %dma_start3A_35] : memref<4x128xi32, #tpu.memory_space<vmem>> -> memref<1x128xi32, #tpu.memory_space<vmem>>
        %dma_start3A_37 = tpu.memref_squeeze %dma_start3A_36 : memref<1x128xi32, #tpu.memory_space<vmem>> -> memref<128xi32, #tpu.memory_space<vmem>>
        %dma_start3A_38 = arith.constant 0 : i32
        %dma_start3A_39 = arith.constant 0 : i32
        %dma_start3A_40 = tpu.memref_slice %arg9[%dma_start3A_38, %dma_start3A_39] : memref<10240x32xf32, #tpu.memory_space<vmem_shared>> -> memref<10240x32xf32, #tpu.memory_space<vmem_shared>>
        tpu.enqueue_indirect_dma source(%dma_start3A_34 : memref<128x32xf32, #tpu.memory_space<vmem>>) target(%dma_start3A_40 : memref<10240x32xf32, #tpu.memory_space<vmem_shared>>) offsets(%dma_start3A_37 : memref<128xi32, #tpu.memory_space<vmem>>) semaphore(%run_scoped3A_32 : memref<!tpu.dma_semaphore, #tpu.memory_space<semaphore_mem>>) {add = true}
        %dma_wait3A = arith.constant 0 : i32
        %dma_wait3A_41 = arith.constant 0 : i32
        %dma_wait3A_42 = tpu.memref_slice %arg8[%dma_wait3A, %dma_wait3A_41] : memref<512x32xf32, #tpu.memory_space<vmem>> -> memref<128x32xf32, #tpu.memory_space<vmem>>
        %dma_wait3A_43 = arith.constant 0 : i32
        %dma_wait3A_44 = tpu.memref_slice %arg7[%run_scoped3A, %dma_wait3A_43] : memref<4x128xi32, #tpu.memory_space<vmem>> -> memref<1x128xi32, #tpu.memory_space<vmem>>
        %dma_wait3A_45 = tpu.memref_squeeze %dma_wait3A_44 : memref<1x128xi32, #tpu.memory_space<vmem>> -> memref<128xi32, #tpu.memory_space<vmem>>
        %dma_wait3A_46 = arith.constant 0 : i32
        %dma_wait3A_47 = arith.constant 0 : i32
        %dma_wait3A_48 = tpu.memref_slice %arg9[%dma_wait3A_46, %dma_wait3A_47] : memref<10240x32xf32, #tpu.memory_space<vmem_shared>> -> memref<10240x32xf32, #tpu.memory_space<vmem_shared>>
        tpu.wait_indirect_dma semaphore(%run_scoped3A_32 : memref<!tpu.dma_semaphore, #tpu.memory_space<semaphore_mem>>) src(%dma_wait3A_42 : memref<128x32xf32, #tpu.memory_space<vmem>>) dst(%dma_wait3A_48 : memref<10240x32xf32, #tpu.memory_space<vmem_shared>>)
        tpu.yield
      }) : () -> ()
      %run_scoped3A_28 = arith.constant 1 : i32
      "tpu.region"() ({
        %run_scoped3A_32 = tpu.sem_alloc : memref<!tpu.dma_semaphore, #tpu.memory_space<semaphore_mem>>
        %dma_start3A = arith.constant 128 : i32
        %dma_start3A_33 = arith.constant 0 : i32
        %dma_start3A_34 = tpu.memref_slice %arg8[%dma_start3A, %dma_start3A_33] : memref<512x32xf32, #tpu.memory_space<vmem>> -> memref<128x32xf32, #tpu.memory_space<vmem>>
        %dma_start3A_35 = arith.constant 0 : i32
        %dma_start3A_36 = tpu.memref_slice %arg7[%run_scoped3A_28, %dma_start3A_35] : memref<4x128xi32, #tpu.memory_space<vmem>> -> memref<1x128xi32, #tpu.memory_space<vmem>>
        %dma_start3A_37 = tpu.memref_squeeze %dma_start3A_36 : memref<1x128xi32, #tpu.memory_space<vmem>> -> memref<128xi32, #tpu.memory_space<vmem>>
        %dma_start3A_38 = arith.constant 0 : i32
        %dma_start3A_39 = arith.constant 0 : i32
        %dma_start3A_40 = tpu.memref_slice %arg9[%dma_start3A_38, %dma_start3A_39] : memref<10240x32xf32, #tpu.memory_space<vmem_shared>> -> memref<10240x32xf32, #tpu.memory_space<vmem_shared>>
        tpu.enqueue_indirect_dma source(%dma_start3A_34 : memref<128x32xf32, #tpu.memory_space<vmem>>) target(%dma_start3A_40 : memref<10240x32xf32, #tpu.memory_space<vmem_shared>>) offsets(%dma_start3A_37 : memref<128xi32, #tpu.memory_space<vmem>>) semaphore(%run_scoped3A_32 : memref<!tpu.dma_semaphore, #tpu.memory_space<semaphore_mem>>) {add = true}
        %dma_wait3A = arith.constant 128 : i32
        %dma_wait3A_41 = arith.constant 0 : i32
        %dma_wait3A_42 = tpu.memref_slice %arg8[%dma_wait3A, %dma_wait3A_41] : memref<512x32xf32, #tpu.memory_space<vmem>> -> memref<128x32xf32, #tpu.memory_space<vmem>>
        %dma_wait3A_43 = arith.constant 0 : i32
        %dma_wait3A_44 = tpu.memref_slice %arg7[%run_scoped3A_28, %dma_wait3A_43] : memref<4x128xi32, #tpu.memory_space<vmem>> -> memref<1x128xi32, #tpu.memory_space<vmem>>
        %dma_wait3A_45 = tpu.memref_squeeze %dma_wait3A_44 : memref<1x128xi32, #tpu.memory_space<vmem>> -> memref<128xi32, #tpu.memory_space<vmem>>
        %dma_wait3A_46 = arith.constant 0 : i32
        %dma_wait3A_47 = arith.constant 0 : i32
        %dma_wait3A_48 = tpu.memref_slice %arg9[%dma_wait3A_46, %dma_wait3A_47] : memref<10240x32xf32, #tpu.memory_space<vmem_shared>> -> memref<10240x32xf32, #tpu.memory_space<vmem_shared>>
        tpu.wait_indirect_dma semaphore(%run_scoped3A_32 : memref<!tpu.dma_semaphore, #tpu.memory_space<semaphore_mem>>) src(%dma_wait3A_42 : memref<128x32xf32, #tpu.memory_space<vmem>>) dst(%dma_wait3A_48 : memref<10240x32xf32, #tpu.memory_space<vmem_shared>>)
        tpu.yield
      }) : () -> ()
      %run_scoped3A_29 = arith.constant 2 : i32
      "tpu.region"() ({
        %run_scoped3A_32 = tpu.sem_alloc : memref<!tpu.dma_semaphore, #tpu.memory_space<semaphore_mem>>
        %dma_start3A = arith.constant 256 : i32
        %dma_start3A_33 = arith.constant 0 : i32
        %dma_start3A_34 = tpu.memref_slice %arg8[%dma_start3A, %dma_start3A_33] : memref<512x32xf32, #tpu.memory_space<vmem>> -> memref<128x32xf32, #tpu.memory_space<vmem>>
        %dma_start3A_35 = arith.constant 0 : i32
        %dma_start3A_36 = tpu.memref_slice %arg7[%run_scoped3A_29, %dma_start3A_35] : memref<4x128xi32, #tpu.memory_space<vmem>> -> memref<1x128xi32, #tpu.memory_space<vmem>>
        %dma_start3A_37 = tpu.memref_squeeze %dma_start3A_36 : memref<1x128xi32, #tpu.memory_space<vmem>> -> memref<128xi32, #tpu.memory_space<vmem>>
        %dma_start3A_38 = arith.constant 0 : i32
        %dma_start3A_39 = arith.constant 0 : i32
        %dma_start3A_40 = tpu.memref_slice %arg9[%dma_start3A_38, %dma_start3A_39] : memref<10240x32xf32, #tpu.memory_space<vmem_shared>> -> memref<10240x32xf32, #tpu.memory_space<vmem_shared>>
        tpu.enqueue_indirect_dma source(%dma_start3A_34 : memref<128x32xf32, #tpu.memory_space<vmem>>) target(%dma_start3A_40 : memref<10240x32xf32, #tpu.memory_space<vmem_shared>>) offsets(%dma_start3A_37 : memref<128xi32, #tpu.memory_space<vmem>>) semaphore(%run_scoped3A_32 : memref<!tpu.dma_semaphore, #tpu.memory_space<semaphore_mem>>) {add = true}
        %dma_wait3A = arith.constant 256 : i32
        %dma_wait3A_41 = arith.constant 0 : i32
        %dma_wait3A_42 = tpu.memref_slice %arg8[%dma_wait3A, %dma_wait3A_41] : memref<512x32xf32, #tpu.memory_space<vmem>> -> memref<128x32xf32, #tpu.memory_space<vmem>>
        %dma_wait3A_43 = arith.constant 0 : i32
        %dma_wait3A_44 = tpu.memref_slice %arg7[%run_scoped3A_29, %dma_wait3A_43] : memref<4x128xi32, #tpu.memory_space<vmem>> -> memref<1x128xi32, #tpu.memory_space<vmem>>
        %dma_wait3A_45 = tpu.memref_squeeze %dma_wait3A_44 : memref<1x128xi32, #tpu.memory_space<vmem>> -> memref<128xi32, #tpu.memory_space<vmem>>
        %dma_wait3A_46 = arith.constant 0 : i32
        %dma_wait3A_47 = arith.constant 0 : i32
        %dma_wait3A_48 = tpu.memref_slice %arg9[%dma_wait3A_46, %dma_wait3A_47] : memref<10240x32xf32, #tpu.memory_space<vmem_shared>> -> memref<10240x32xf32, #tpu.memory_space<vmem_shared>>
        tpu.wait_indirect_dma semaphore(%run_scoped3A_32 : memref<!tpu.dma_semaphore, #tpu.memory_space<semaphore_mem>>) src(%dma_wait3A_42 : memref<128x32xf32, #tpu.memory_space<vmem>>) dst(%dma_wait3A_48 : memref<10240x32xf32, #tpu.memory_space<vmem_shared>>)
        tpu.yield
      }) : () -> ()
      %run_scoped3A_30 = arith.constant 3 : i32
      "tpu.region"() ({
        %run_scoped3A_32 = tpu.sem_alloc : memref<!tpu.dma_semaphore, #tpu.memory_space<semaphore_mem>>
        %dma_start3A = arith.constant 384 : i32
        %dma_start3A_33 = arith.constant 0 : i32
        %dma_start3A_34 = tpu.memref_slice %arg8[%dma_start3A, %dma_start3A_33] : memref<512x32xf32, #tpu.memory_space<vmem>> -> memref<128x32xf32, #tpu.memory_space<vmem>>
        %dma_start3A_35 = arith.constant 0 : i32
        %dma_start3A_36 = tpu.memref_slice %arg7[%run_scoped3A_30, %dma_start3A_35] : memref<4x128xi32, #tpu.memory_space<vmem>> -> memref<1x128xi32, #tpu.memory_space<vmem>>
        %dma_start3A_37 = tpu.memref_squeeze %dma_start3A_36 : memref<1x128xi32, #tpu.memory_space<vmem>> -> memref<128xi32, #tpu.memory_space<vmem>>
        %dma_start3A_38 = arith.constant 0 : i32
        %dma_start3A_39 = arith.constant 0 : i32
        %dma_start3A_40 = tpu.memref_slice %arg9[%dma_start3A_38, %dma_start3A_39] : memref<10240x32xf32, #tpu.memory_space<vmem_shared>> -> memref<10240x32xf32, #tpu.memory_space<vmem_shared>>
        tpu.enqueue_indirect_dma source(%dma_start3A_34 : memref<128x32xf32, #tpu.memory_space<vmem>>) target(%dma_start3A_40 : memref<10240x32xf32, #tpu.memory_space<vmem_shared>>) offsets(%dma_start3A_37 : memref<128xi32, #tpu.memory_space<vmem>>) semaphore(%run_scoped3A_32 : memref<!tpu.dma_semaphore, #tpu.memory_space<semaphore_mem>>) {add = true}
        %dma_wait3A = arith.constant 384 : i32
        %dma_wait3A_41 = arith.constant 0 : i32
        %dma_wait3A_42 = tpu.memref_slice %arg8[%dma_wait3A, %dma_wait3A_41] : memref<512x32xf32, #tpu.memory_space<vmem>> -> memref<128x32xf32, #tpu.memory_space<vmem>>
        %dma_wait3A_43 = arith.constant 0 : i32
        %dma_wait3A_44 = tpu.memref_slice %arg7[%run_scoped3A_30, %dma_wait3A_43] : memref<4x128xi32, #tpu.memory_space<vmem>> -> memref<1x128xi32, #tpu.memory_space<vmem>>
        %dma_wait3A_45 = tpu.memref_squeeze %dma_wait3A_44 : memref<1x128xi32, #tpu.memory_space<vmem>> -> memref<128xi32, #tpu.memory_space<vmem>>
        %dma_wait3A_46 = arith.constant 0 : i32
        %dma_wait3A_47 = arith.constant 0 : i32
        %dma_wait3A_48 = tpu.memref_slice %arg9[%dma_wait3A_46, %dma_wait3A_47] : memref<10240x32xf32, #tpu.memory_space<vmem_shared>> -> memref<10240x32xf32, #tpu.memory_space<vmem_shared>>
        tpu.wait_indirect_dma semaphore(%run_scoped3A_32 : memref<!tpu.dma_semaphore, #tpu.memory_space<semaphore_mem>>) src(%dma_wait3A_42 : memref<128x32xf32, #tpu.memory_space<vmem>>) dst(%dma_wait3A_48 : memref<10240x32xf32, #tpu.memory_space<vmem_shared>>)
        tpu.yield
      }) : () -> ()
      %scan3A_31 = arith.constant 0 : i32
      scf.yield %scan3A_31 : i32
    }
    %scan3A_12 = arith.constant 10 : i32
    %barrier3A_13 = arith.constant 0 : index
    tpu.barrier barrier_id(%barrier3A_13)
    %eq3A = arith.constant 0 : i32
    %eq3A_14 = arith.cmpi eq, %arg0, %eq3A : i32
    %convert_element_type3A = arith.extui %eq3A_14 : i1 to i32
    %cond3A = arith.constant 0 : i32
    %cond3A_15 = arith.cmpi ne, %convert_element_type3A, %cond3A : i32
    scf.if %cond3A_15 {
      %mul3A_21 = arith.constant 640 : i32
      %mul3A_22 = arith.muli %arg1, %mul3A_21 : i32
      %mul3A_23 = arith.constant 640 : i32
      %mul3A_24 = arith.muli %arg1, %mul3A_23 : i32
      "tpu.region"() ({
        %run_scoped3A = tpu.sem_alloc : memref<!tpu.dma_semaphore, #tpu.memory_space<semaphore_mem>>
        %dma_start3A = arith.constant 0 : i32
        %dma_start3A_25 = tpu.memref_slice %arg5[%mul3A_24, %dma_start3A] : memref<10240x32xf32, #tpu.memory_space<hbm>> -> memref<640x32xf32, #tpu.memory_space<hbm>>
        %dma_start3A_26 = arith.constant 0 : i32
        %dma_start3A_27 = tpu.memref_slice %arg9[%mul3A_22, %dma_start3A_26] : memref<10240x32xf32, #tpu.memory_space<vmem_shared>> -> memref<640x32xf32, #tpu.memory_space<vmem_shared>>
        tpu.enqueue_dma source(%dma_start3A_27 : memref<640x32xf32, #tpu.memory_space<vmem_shared>>) target(%dma_start3A_25 : memref<640x32xf32, #tpu.memory_space<hbm>>) target_semaphore(%run_scoped3A : memref<!tpu.dma_semaphore, #tpu.memory_space<semaphore_mem>>)
        %dma_wait3A = arith.constant 0 : i32
        %dma_wait3A_28 = tpu.memref_slice %arg5[%mul3A_24, %dma_wait3A] : memref<10240x32xf32, #tpu.memory_space<hbm>> -> memref<640x32xf32, #tpu.memory_space<hbm>>
        %dma_wait3A_29 = arith.constant 0 : i32
        %dma_wait3A_30 = tpu.memref_slice %arg9[%mul3A_22, %dma_wait3A_29] : memref<10240x32xf32, #tpu.memory_space<vmem_shared>> -> memref<640x32xf32, #tpu.memory_space<vmem_shared>>
        tpu.wait_dma2 semaphore(%run_scoped3A : memref<!tpu.dma_semaphore, #tpu.memory_space<semaphore_mem>>) src(%dma_wait3A_30 : memref<640x32xf32, #tpu.memory_space<vmem_shared>>) dst(%dma_wait3A_28 : memref<640x32xf32, #tpu.memory_space<hbm>>)
        tpu.yield
      }) : () -> ()
    } else {
    }
    %eq3A_16 = arith.constant 1 : i32
    %eq3A_17 = arith.cmpi eq, %arg0, %eq3A_16 : i32
    %convert_element_type3A_18 = arith.extui %eq3A_17 : i1 to i32
    %cond3A_19 = arith.constant 0 : i32
    %cond3A_20 = arith.cmpi ne, %convert_element_type3A_18, %cond3A_19 : i32
    scf.if %cond3A_20 {
      %mul3A_21 = arith.constant 640 : i32
      %mul3A_22 = arith.muli %arg1, %mul3A_21 : i32
      %mul3A_23 = arith.constant 640 : i32
      %mul3A_24 = arith.muli %arg1, %mul3A_23 : i32
      "tpu.region"() ({
        %run_scoped3A = tpu.sem_alloc : memref<!tpu.dma_semaphore, #tpu.memory_space<semaphore_mem>>
        %dma_start3A = arith.constant 0 : i32
        %dma_start3A_25 = tpu.memref_slice %arg6[%mul3A_24, %dma_start3A] : memref<10240x32xf32, #tpu.memory_space<hbm>> -> memref<640x32xf32, #tpu.memory_space<hbm>>
        %dma_start3A_26 = arith.constant 0 : i32
        %dma_start3A_27 = tpu.memref_slice %arg9[%mul3A_22, %dma_start3A_26] : memref<10240x32xf32, #tpu.memory_space<vmem_shared>> -> memref<640x32xf32, #tpu.memory_space<vmem_shared>>
        tpu.enqueue_dma source(%dma_start3A_27 : memref<640x32xf32, #tpu.memory_space<vmem_shared>>) target(%dma_start3A_25 : memref<640x32xf32, #tpu.memory_space<hbm>>) target_semaphore(%run_scoped3A : memref<!tpu.dma_semaphore, #tpu.memory_space<semaphore_mem>>)
        %dma_wait3A = arith.constant 0 : i32
        %dma_wait3A_28 = tpu.memref_slice %arg6[%mul3A_24, %dma_wait3A] : memref<10240x32xf32, #tpu.memory_space<hbm>> -> memref<640x32xf32, #tpu.memory_space<hbm>>
        %dma_wait3A_29 = arith.constant 0 : i32
        %dma_wait3A_30 = tpu.memref_slice %arg9[%mul3A_22, %dma_wait3A_29] : memref<10240x32xf32, #tpu.memory_space<vmem_shared>> -> memref<640x32xf32, #tpu.memory_space<vmem_shared>>
        tpu.wait_dma2 semaphore(%run_scoped3A : memref<!tpu.dma_semaphore, #tpu.memory_space<semaphore_mem>>) src(%dma_wait3A_30 : memref<640x32xf32, #tpu.memory_space<vmem_shared>>) dst(%dma_wait3A_28 : memref<640x32xf32, #tpu.memory_space<hbm>>)
        tpu.yield
      }) : () -> ()
    } else {
    }
    return
  }
}

#map = affine_map<(d0, d1) -> (0, 0)>
module attributes {stable_mosaic.version = 14 : i64} {
  func.func @_gather_body(%arg0: i32, %arg1: i32, %arg2: memref<10000x128xf32, #tpu.memory_space<hbm>>, %arg3: memref<10000x16xf32, #tpu.memory_space<hbm>>, %arg4: memref<1280x128xi32, #tpu.memory_space<hbm>>, %arg5: memref<1280x128xi32, #tpu.memory_space<hbm>>, %arg6: memref<163840x128xf32, #tpu.memory_space<hbm>>, %arg7: memref<163840x128xf32, #tpu.memory_space<hbm>>, %arg8: memref<163840x16xf32, #tpu.memory_space<hbm>>, %arg9: memref<163840x16xf32, #tpu.memory_space<hbm>>, %arg10: memref<40x128xi32, #tpu.memory_space<vmem>>, %arg11: memref<40x128xi32, #tpu.memory_space<vmem>>, %arg12: memref<2x128x128xf32, #tpu.memory_space<vmem>>, %arg13: memref<2x128x128xf32, #tpu.memory_space<vmem>>, %arg14: memref<2x128x16xf32, #tpu.memory_space<vmem>>, %arg15: memref<2x128x16xf32, #tpu.memory_space<vmem>>, %arg16: memref<!tpu.dma_semaphore, #tpu.memory_space<semaphore_mem>>, %arg17: memref<!tpu.dma_semaphore, #tpu.memory_space<semaphore_mem>>, %arg18: memref<!tpu.dma_semaphore, #tpu.memory_space<semaphore_mem>>, %arg19: memref<!tpu.dma_semaphore, #tpu.memory_space<semaphore_mem>>, %arg20: memref<!tpu.dma_semaphore, #tpu.memory_space<semaphore_mem>>, %arg21: memref<!tpu.dma_semaphore, #tpu.memory_space<semaphore_mem>>, %arg22: memref<!tpu.dma_semaphore, #tpu.memory_space<semaphore_mem>>, %arg23: memref<!tpu.dma_semaphore, #tpu.memory_space<semaphore_mem>>) attributes {dimension_semantics = [#tpu.dimension_semantics<core_parallel>, #tpu.dimension_semantics<subcore_parallel>], iteration_bounds = array<i64: 2, 16>, scalar_prefetch = 0 : i64, scratch_operands = 14 : i64, tpu.core_type = #tpu.core_type<sc_vector_subcore>, window_params = [{transform_indices = #map}, {transform_indices = #map}, {transform_indices = #map}, {transform_indices = #map}, {transform_indices = #map}, {transform_indices = #map}, {transform_indices = #map}, {transform_indices = #map}]} {
    %mul3A = arith.constant 2 : i32
    %mul3A_0 = arith.muli %arg1, %mul3A : i32
    %add3A = arith.addi %mul3A_0, %arg0 : i32
    %mul3A_1 = arith.constant 40 : i32
    %mul3A_2 = arith.muli %add3A, %mul3A_1 : i32
    "tpu.region"() ({
      %run_scoped3A = tpu.sem_alloc : memref<!tpu.dma_semaphore, #tpu.memory_space<semaphore_mem>>
      %dma_start3A_175 = arith.constant 0 : i32
      %dma_start3A_176 = tpu.memref_slice %arg4[%mul3A_2, %dma_start3A_175] : memref<1280x128xi32, #tpu.memory_space<hbm>> -> memref<40x128xi32, #tpu.memory_space<hbm>>
      %dma_start3A_177 = arith.constant 0 : i32
      %dma_start3A_178 = tpu.memref_slice %arg4[%mul3A_2, %dma_start3A_177] : memref<1280x128xi32, #tpu.memory_space<hbm>> -> memref<40x128xi32, #tpu.memory_space<hbm>>
      tpu.enqueue_dma source(%dma_start3A_178 : memref<40x128xi32, #tpu.memory_space<hbm>>) target(%arg10 : memref<40x128xi32, #tpu.memory_space<vmem>>) target_semaphore(%run_scoped3A : memref<!tpu.dma_semaphore, #tpu.memory_space<semaphore_mem>>)
      %dma_wait3A_179 = arith.constant 0 : i32
      %dma_wait3A_180 = tpu.memref_slice %arg4[%mul3A_2, %dma_wait3A_179] : memref<1280x128xi32, #tpu.memory_space<hbm>> -> memref<40x128xi32, #tpu.memory_space<hbm>>
      %dma_wait3A_181 = arith.constant 0 : i32
      %dma_wait3A_182 = tpu.memref_slice %arg4[%mul3A_2, %dma_wait3A_181] : memref<1280x128xi32, #tpu.memory_space<hbm>> -> memref<40x128xi32, #tpu.memory_space<hbm>>
      tpu.wait_dma2 semaphore(%run_scoped3A : memref<!tpu.dma_semaphore, #tpu.memory_space<semaphore_mem>>) src(%dma_wait3A_182 : memref<40x128xi32, #tpu.memory_space<hbm>>) dst(%arg10 : memref<40x128xi32, #tpu.memory_space<vmem>>)
      tpu.yield
    }) : () -> ()
    "tpu.region"() ({
      %run_scoped3A = tpu.sem_alloc : memref<!tpu.dma_semaphore, #tpu.memory_space<semaphore_mem>>
      %dma_start3A_175 = arith.constant 0 : i32
      %dma_start3A_176 = tpu.memref_slice %arg5[%mul3A_2, %dma_start3A_175] : memref<1280x128xi32, #tpu.memory_space<hbm>> -> memref<40x128xi32, #tpu.memory_space<hbm>>
      %dma_start3A_177 = arith.constant 0 : i32
      %dma_start3A_178 = tpu.memref_slice %arg5[%mul3A_2, %dma_start3A_177] : memref<1280x128xi32, #tpu.memory_space<hbm>> -> memref<40x128xi32, #tpu.memory_space<hbm>>
      tpu.enqueue_dma source(%dma_start3A_178 : memref<40x128xi32, #tpu.memory_space<hbm>>) target(%arg11 : memref<40x128xi32, #tpu.memory_space<vmem>>) target_semaphore(%run_scoped3A : memref<!tpu.dma_semaphore, #tpu.memory_space<semaphore_mem>>)
      %dma_wait3A_179 = arith.constant 0 : i32
      %dma_wait3A_180 = tpu.memref_slice %arg5[%mul3A_2, %dma_wait3A_179] : memref<1280x128xi32, #tpu.memory_space<hbm>> -> memref<40x128xi32, #tpu.memory_space<hbm>>
      %dma_wait3A_181 = arith.constant 0 : i32
      %dma_wait3A_182 = tpu.memref_slice %arg5[%mul3A_2, %dma_wait3A_181] : memref<1280x128xi32, #tpu.memory_space<hbm>> -> memref<40x128xi32, #tpu.memory_space<hbm>>
      tpu.wait_dma2 semaphore(%run_scoped3A : memref<!tpu.dma_semaphore, #tpu.memory_space<semaphore_mem>>) src(%dma_wait3A_182 : memref<40x128xi32, #tpu.memory_space<hbm>>) dst(%arg11 : memref<40x128xi32, #tpu.memory_space<vmem>>)
      tpu.yield
    }) : () -> ()
    %dma_start3A = arith.constant 0 : i32
    %dma_start3A_3 = arith.constant 0 : i32
    %dma_start3A_4 = arith.constant 0 : i32
    %dma_start3A_5 = arith.constant 0 : i32
    %dma_start3A_6 = tpu.memref_slice %arg12[%dma_start3A_3, %dma_start3A_4, %dma_start3A_5] : memref<2x128x128xf32, #tpu.memory_space<vmem>> -> memref<1x128x128xf32, #tpu.memory_space<vmem>>
    %dma_start3A_7 = tpu.memref_squeeze %dma_start3A_6 : memref<1x128x128xf32, #tpu.memory_space<vmem>> -> memref<128x128xf32, #tpu.memory_space<vmem>>
    %dma_start3A_8 = arith.constant 0 : i32
    %dma_start3A_9 = tpu.memref_slice %arg10[%dma_start3A, %dma_start3A_8] : memref<40x128xi32, #tpu.memory_space<vmem>> -> memref<1x128xi32, #tpu.memory_space<vmem>>
    %dma_start3A_10 = tpu.memref_squeeze %dma_start3A_9 : memref<1x128xi32, #tpu.memory_space<vmem>> -> memref<128xi32, #tpu.memory_space<vmem>>
    %dma_start3A_11 = arith.constant 0 : i32
    %dma_start3A_12 = arith.constant 0 : i32
    %dma_start3A_13 = tpu.memref_slice %arg2[%dma_start3A_11, %dma_start3A_12] : memref<10000x128xf32, #tpu.memory_space<hbm>> -> memref<10000x128xf32, #tpu.memory_space<hbm>>
    tpu.enqueue_indirect_dma source(%dma_start3A_13 : memref<10000x128xf32, #tpu.memory_space<hbm>>) target(%dma_start3A_7 : memref<128x128xf32, #tpu.memory_space<vmem>>) offsets(%dma_start3A_10 : memref<128xi32, #tpu.memory_space<vmem>>) semaphore(%arg16 : memref<!tpu.dma_semaphore, #tpu.memory_space<semaphore_mem>>)
    %dma_start3A_14 = arith.constant 0 : i32
    %dma_start3A_15 = arith.constant 0 : i32
    %dma_start3A_16 = arith.constant 0 : i32
    %dma_start3A_17 = arith.constant 0 : i32
    %dma_start3A_18 = tpu.memref_slice %arg13[%dma_start3A_15, %dma_start3A_16, %dma_start3A_17] : memref<2x128x128xf32, #tpu.memory_space<vmem>> -> memref<1x128x128xf32, #tpu.memory_space<vmem>>
    %dma_start3A_19 = tpu.memref_squeeze %dma_start3A_18 : memref<1x128x128xf32, #tpu.memory_space<vmem>> -> memref<128x128xf32, #tpu.memory_space<vmem>>
    %dma_start3A_20 = arith.constant 0 : i32
    %dma_start3A_21 = tpu.memref_slice %arg11[%dma_start3A_14, %dma_start3A_20] : memref<40x128xi32, #tpu.memory_space<vmem>> -> memref<1x128xi32, #tpu.memory_space<vmem>>
    %dma_start3A_22 = tpu.memref_squeeze %dma_start3A_21 : memref<1x128xi32, #tpu.memory_space<vmem>> -> memref<128xi32, #tpu.memory_space<vmem>>
    %dma_start3A_23 = arith.constant 0 : i32
    %dma_start3A_24 = arith.constant 0 : i32
    %dma_start3A_25 = tpu.memref_slice %arg2[%dma_start3A_23, %dma_start3A_24] : memref<10000x128xf32, #tpu.memory_space<hbm>> -> memref<10000x128xf32, #tpu.memory_space<hbm>>
    tpu.enqueue_indirect_dma source(%dma_start3A_25 : memref<10000x128xf32, #tpu.memory_space<hbm>>) target(%dma_start3A_19 : memref<128x128xf32, #tpu.memory_space<vmem>>) offsets(%dma_start3A_22 : memref<128xi32, #tpu.memory_space<vmem>>) semaphore(%arg17 : memref<!tpu.dma_semaphore, #tpu.memory_space<semaphore_mem>>)
    %dma_start3A_26 = arith.constant 0 : i32
    %dma_start3A_27 = arith.constant 0 : i32
    %dma_start3A_28 = arith.constant 0 : i32
    %dma_start3A_29 = arith.constant 0 : i32
    %dma_start3A_30 = tpu.memref_slice %arg14[%dma_start3A_27, %dma_start3A_28, %dma_start3A_29] : memref<2x128x16xf32, #tpu.memory_space<vmem>> -> memref<1x128x16xf32, #tpu.memory_space<vmem>>
    %dma_start3A_31 = tpu.memref_squeeze %dma_start3A_30 : memref<1x128x16xf32, #tpu.memory_space<vmem>> -> memref<128x16xf32, #tpu.memory_space<vmem>>
    %dma_start3A_32 = arith.constant 0 : i32
    %dma_start3A_33 = tpu.memref_slice %arg10[%dma_start3A_26, %dma_start3A_32] : memref<40x128xi32, #tpu.memory_space<vmem>> -> memref<1x128xi32, #tpu.memory_space<vmem>>
    %dma_start3A_34 = tpu.memref_squeeze %dma_start3A_33 : memref<1x128xi32, #tpu.memory_space<vmem>> -> memref<128xi32, #tpu.memory_space<vmem>>
    %dma_start3A_35 = arith.constant 0 : i32
    %dma_start3A_36 = arith.constant 0 : i32
    %dma_start3A_37 = tpu.memref_slice %arg3[%dma_start3A_35, %dma_start3A_36] : memref<10000x16xf32, #tpu.memory_space<hbm>> -> memref<10000x16xf32, #tpu.memory_space<hbm>>
    tpu.enqueue_indirect_dma source(%dma_start3A_37 : memref<10000x16xf32, #tpu.memory_space<hbm>>) target(%dma_start3A_31 : memref<128x16xf32, #tpu.memory_space<vmem>>) offsets(%dma_start3A_34 : memref<128xi32, #tpu.memory_space<vmem>>) semaphore(%arg18 : memref<!tpu.dma_semaphore, #tpu.memory_space<semaphore_mem>>)
    %dma_start3A_38 = arith.constant 0 : i32
    %dma_start3A_39 = arith.constant 0 : i32
    %dma_start3A_40 = arith.constant 0 : i32
    %dma_start3A_41 = arith.constant 0 : i32
    %dma_start3A_42 = tpu.memref_slice %arg15[%dma_start3A_39, %dma_start3A_40, %dma_start3A_41] : memref<2x128x16xf32, #tpu.memory_space<vmem>> -> memref<1x128x16xf32, #tpu.memory_space<vmem>>
    %dma_start3A_43 = tpu.memref_squeeze %dma_start3A_42 : memref<1x128x16xf32, #tpu.memory_space<vmem>> -> memref<128x16xf32, #tpu.memory_space<vmem>>
    %dma_start3A_44 = arith.constant 0 : i32
    %dma_start3A_45 = tpu.memref_slice %arg11[%dma_start3A_38, %dma_start3A_44] : memref<40x128xi32, #tpu.memory_space<vmem>> -> memref<1x128xi32, #tpu.memory_space<vmem>>
    %dma_start3A_46 = tpu.memref_squeeze %dma_start3A_45 : memref<1x128xi32, #tpu.memory_space<vmem>> -> memref<128xi32, #tpu.memory_space<vmem>>
    %dma_start3A_47 = arith.constant 0 : i32
    %dma_start3A_48 = arith.constant 0 : i32
    %dma_start3A_49 = tpu.memref_slice %arg3[%dma_start3A_47, %dma_start3A_48] : memref<10000x16xf32, #tpu.memory_space<hbm>> -> memref<10000x16xf32, #tpu.memory_space<hbm>>
    tpu.enqueue_indirect_dma source(%dma_start3A_49 : memref<10000x16xf32, #tpu.memory_space<hbm>>) target(%dma_start3A_43 : memref<128x16xf32, #tpu.memory_space<vmem>>) offsets(%dma_start3A_46 : memref<128xi32, #tpu.memory_space<vmem>>) semaphore(%arg19 : memref<!tpu.dma_semaphore, #tpu.memory_space<semaphore_mem>>)
    %scan3A = arith.constant 0 : i32
    %scan3A_50 = arith.constant 0 : i32
    %scan3A_51 = arith.constant 40 : i32
    %scan3A_52 = arith.addi %scan3A_50, %scan3A_51 : i32
    %scan3A_53 = arith.constant 1 : i32
    %scan3A_54 = scf.for %scan3A_175 = %scan3A_50 to %scan3A_52 step %scan3A_53 iter_args(%scan3A_176 = %scan3A) -> (i32)  : i32 {
      %le3A = arith.constant 38 : i32
      %le3A_177 = arith.cmpi sle, %scan3A_175, %le3A : i32
      %convert_element_type3A = arith.extui %le3A_177 : i1 to i32
      %cond3A = arith.constant 0 : i32
      %cond3A_178 = arith.cmpi ne, %convert_element_type3A, %cond3A : i32
      scf.if %cond3A_178 {
        %ge3A = arith.constant 1 : i32
        %ge3A_288 = arith.cmpi sge, %scan3A_175, %ge3A : i32
        %convert_element_type3A_289 = arith.extui %ge3A_288 : i1 to i32
        %cond3A_290 = arith.constant 0 : i32
        %cond3A_291 = arith.cmpi ne, %convert_element_type3A_289, %cond3A_290 : i32
        scf.if %cond3A_291 {
          %dma_wait3A_352 = arith.constant 0 : i32
          %dma_wait3A_353 = arith.constant 0 : i32
          %dma_wait3A_354 = arith.constant 0 : i32
          %dma_wait3A_355 = tpu.memref_slice %arg12[%dma_wait3A_352, %dma_wait3A_353, %dma_wait3A_354] : memref<2x128x128xf32, #tpu.memory_space<vmem>> -> memref<1x128x128xf32, #tpu.memory_space<vmem>>
          %dma_wait3A_356 = tpu.memref_squeeze %dma_wait3A_355 : memref<1x128x128xf32, #tpu.memory_space<vmem>> -> memref<128x128xf32, #tpu.memory_space<vmem>>
          %dma_wait3A_357 = arith.constant 0 : i32
          %dma_wait3A_358 = arith.constant 0 : i32
          %dma_wait3A_359 = tpu.memref_slice %arg6[%dma_wait3A_357, %dma_wait3A_358] : memref<163840x128xf32, #tpu.memory_space<hbm>> -> memref<128x128xf32, #tpu.memory_space<hbm>>
          %dma_wait3A_360 = arith.constant 0 : i32
          %dma_wait3A_361 = arith.constant 0 : i32
          %dma_wait3A_362 = tpu.memref_slice %arg6[%dma_wait3A_360, %dma_wait3A_361] : memref<163840x128xf32, #tpu.memory_space<hbm>> -> memref<128x128xf32, #tpu.memory_space<hbm>>
          %dma_wait3A_363 = arith.constant 0 : i32
          %dma_wait3A_364 = arith.constant 0 : i32
          %dma_wait3A_365 = tpu.memref_slice %arg12[%dma_wait3A_352, %dma_wait3A_363, %dma_wait3A_364] : memref<2x128x128xf32, #tpu.memory_space<vmem>> -> memref<1x128x128xf32, #tpu.memory_space<vmem>>
          %dma_wait3A_366 = tpu.memref_squeeze %dma_wait3A_365 : memref<1x128x128xf32, #tpu.memory_space<vmem>> -> memref<128x128xf32, #tpu.memory_space<vmem>>
          tpu.wait_dma2 semaphore(%arg20 : memref<!tpu.dma_semaphore, #tpu.memory_space<semaphore_mem>>) src(%dma_wait3A_366 : memref<128x128xf32, #tpu.memory_space<vmem>>) dst(%dma_wait3A_362 : memref<128x128xf32, #tpu.memory_space<hbm>>)
          %dma_wait3A_367 = arith.constant 0 : i32
          %dma_wait3A_368 = arith.constant 0 : i32
          %dma_wait3A_369 = arith.constant 0 : i32
          %dma_wait3A_370 = tpu.memref_slice %arg13[%dma_wait3A_367, %dma_wait3A_368, %dma_wait3A_369] : memref<2x128x128xf32, #tpu.memory_space<vmem>> -> memref<1x128x128xf32, #tpu.memory_space<vmem>>
          %dma_wait3A_371 = tpu.memref_squeeze %dma_wait3A_370 : memref<1x128x128xf32, #tpu.memory_space<vmem>> -> memref<128x128xf32, #tpu.memory_space<vmem>>
          %dma_wait3A_372 = arith.constant 0 : i32
          %dma_wait3A_373 = arith.constant 0 : i32
          %dma_wait3A_374 = tpu.memref_slice %arg7[%dma_wait3A_372, %dma_wait3A_373] : memref<163840x128xf32, #tpu.memory_space<hbm>> -> memref<128x128xf32, #tpu.memory_space<hbm>>
          %dma_wait3A_375 = arith.constant 0 : i32
          %dma_wait3A_376 = arith.constant 0 : i32
          %dma_wait3A_377 = tpu.memref_slice %arg7[%dma_wait3A_375, %dma_wait3A_376] : memref<163840x128xf32, #tpu.memory_space<hbm>> -> memref<128x128xf32, #tpu.memory_space<hbm>>
          %dma_wait3A_378 = arith.constant 0 : i32
          %dma_wait3A_379 = arith.constant 0 : i32
          %dma_wait3A_380 = tpu.memref_slice %arg13[%dma_wait3A_367, %dma_wait3A_378, %dma_wait3A_379] : memref<2x128x128xf32, #tpu.memory_space<vmem>> -> memref<1x128x128xf32, #tpu.memory_space<vmem>>
          %dma_wait3A_381 = tpu.memref_squeeze %dma_wait3A_380 : memref<1x128x128xf32, #tpu.memory_space<vmem>> -> memref<128x128xf32, #tpu.memory_space<vmem>>
          tpu.wait_dma2 semaphore(%arg21 : memref<!tpu.dma_semaphore, #tpu.memory_space<semaphore_mem>>) src(%dma_wait3A_381 : memref<128x128xf32, #tpu.memory_space<vmem>>) dst(%dma_wait3A_377 : memref<128x128xf32, #tpu.memory_space<hbm>>)
          %dma_wait3A_382 = arith.constant 0 : i32
          %dma_wait3A_383 = arith.constant 0 : i32
          %dma_wait3A_384 = arith.constant 0 : i32
          %dma_wait3A_385 = tpu.memref_slice %arg14[%dma_wait3A_382, %dma_wait3A_383, %dma_wait3A_384] : memref<2x128x16xf32, #tpu.memory_space<vmem>> -> memref<1x128x16xf32, #tpu.memory_space<vmem>>
          %dma_wait3A_386 = tpu.memref_squeeze %dma_wait3A_385 : memref<1x128x16xf32, #tpu.memory_space<vmem>> -> memref<128x16xf32, #tpu.memory_space<vmem>>
          %dma_wait3A_387 = arith.constant 0 : i32
          %dma_wait3A_388 = arith.constant 0 : i32
          %dma_wait3A_389 = tpu.memref_slice %arg8[%dma_wait3A_387, %dma_wait3A_388] : memref<163840x16xf32, #tpu.memory_space<hbm>> -> memref<128x16xf32, #tpu.memory_space<hbm>>
          %dma_wait3A_390 = arith.constant 0 : i32
          %dma_wait3A_391 = arith.constant 0 : i32
          %dma_wait3A_392 = tpu.memref_slice %arg8[%dma_wait3A_390, %dma_wait3A_391] : memref<163840x16xf32, #tpu.memory_space<hbm>> -> memref<128x16xf32, #tpu.memory_space<hbm>>
          %dma_wait3A_393 = arith.constant 0 : i32
          %dma_wait3A_394 = arith.constant 0 : i32
          %dma_wait3A_395 = tpu.memref_slice %arg14[%dma_wait3A_382, %dma_wait3A_393, %dma_wait3A_394] : memref<2x128x16xf32, #tpu.memory_space<vmem>> -> memref<1x128x16xf32, #tpu.memory_space<vmem>>
          %dma_wait3A_396 = tpu.memref_squeeze %dma_wait3A_395 : memref<1x128x16xf32, #tpu.memory_space<vmem>> -> memref<128x16xf32, #tpu.memory_space<vmem>>
          tpu.wait_dma2 semaphore(%arg22 : memref<!tpu.dma_semaphore, #tpu.memory_space<semaphore_mem>>) src(%dma_wait3A_396 : memref<128x16xf32, #tpu.memory_space<vmem>>) dst(%dma_wait3A_392 : memref<128x16xf32, #tpu.memory_space<hbm>>)
          %dma_wait3A_397 = arith.constant 0 : i32
          %dma_wait3A_398 = arith.constant 0 : i32
          %dma_wait3A_399 = arith.constant 0 : i32
          %dma_wait3A_400 = tpu.memref_slice %arg15[%dma_wait3A_397, %dma_wait3A_398, %dma_wait3A_399] : memref<2x128x16xf32, #tpu.memory_space<vmem>> -> memref<1x128x16xf32, #tpu.memory_space<vmem>>
          %dma_wait3A_401 = tpu.memref_squeeze %dma_wait3A_400 : memref<1x128x16xf32, #tpu.memory_space<vmem>> -> memref<128x16xf32, #tpu.memory_space<vmem>>
          %dma_wait3A_402 = arith.constant 0 : i32
          %dma_wait3A_403 = arith.constant 0 : i32
          %dma_wait3A_404 = tpu.memref_slice %arg9[%dma_wait3A_402, %dma_wait3A_403] : memref<163840x16xf32, #tpu.memory_space<hbm>> -> memref<128x16xf32, #tpu.memory_space<hbm>>
          %dma_wait3A_405 = arith.constant 0 : i32
          %dma_wait3A_406 = arith.constant 0 : i32
          %dma_wait3A_407 = tpu.memref_slice %arg9[%dma_wait3A_405, %dma_wait3A_406] : memref<163840x16xf32, #tpu.memory_space<hbm>> -> memref<128x16xf32, #tpu.memory_space<hbm>>
          %dma_wait3A_408 = arith.constant 0 : i32
          %dma_wait3A_409 = arith.constant 0 : i32
          %dma_wait3A_410 = tpu.memref_slice %arg15[%dma_wait3A_397, %dma_wait3A_408, %dma_wait3A_409] : memref<2x128x16xf32, #tpu.memory_space<vmem>> -> memref<1x128x16xf32, #tpu.memory_space<vmem>>
          %dma_wait3A_411 = tpu.memref_squeeze %dma_wait3A_410 : memref<1x128x16xf32, #tpu.memory_space<vmem>> -> memref<128x16xf32, #tpu.memory_space<vmem>>
          tpu.wait_dma2 semaphore(%arg23 : memref<!tpu.dma_semaphore, #tpu.memory_space<semaphore_mem>>) src(%dma_wait3A_411 : memref<128x16xf32, #tpu.memory_space<vmem>>) dst(%dma_wait3A_407 : memref<128x16xf32, #tpu.memory_space<hbm>>)
        } else {
        }
        %add3A_292 = arith.constant 1 : i32
        %add3A_293 = arith.addi %scan3A_175, %add3A_292 : i32
        %add3A_294 = arith.constant 1 : i32
        %add3A_295 = arith.addi %scan3A_175, %add3A_294 : i32
        %jit3A_296 = arith.constant 2 : i32
        %eq3A_297 = arith.constant 0 : i32
        %eq3A_298 = arith.cmpi eq, %jit3A_296, %eq3A_297 : i32
        %jit3A_299 = arith.constant 1 : i32
        %select_n3A_300 = arith.select %eq3A_298, %jit3A_299, %jit3A_296 : i32
        %rem3A_301 = arith.remsi %add3A_295, %select_n3A_300 : i32
        %ne3A_302 = arith.constant 0 : i32
        %ne3A_303 = arith.cmpi ne, %rem3A_301, %ne3A_302 : i32
        %lt3A_304 = arith.constant 0 : i32
        %lt3A_305 = arith.cmpi slt, %rem3A_301, %lt3A_304 : i32
        %lt3A_306 = arith.constant 0 : i32
        %lt3A_307 = arith.cmpi slt, %select_n3A_300, %lt3A_306 : i32
        %ne3A_308 = arith.xori %lt3A_305, %lt3A_307 : i1
        %and3A_309 = arith.andi %ne3A_308, %ne3A_303 : i1
        %add3A_310 = arith.addi %rem3A_301, %select_n3A_300 : i32
        %select_n3A_311 = arith.select %and3A_309, %add3A_310, %rem3A_301 : i32
        %dma_start3A_312 = arith.constant 0 : i32
        %dma_start3A_313 = arith.constant 0 : i32
        %dma_start3A_314 = tpu.memref_slice %arg12[%select_n3A_311, %dma_start3A_312, %dma_start3A_313] : memref<2x128x128xf32, #tpu.memory_space<vmem>> -> memref<1x128x128xf32, #tpu.memory_space<vmem>>
        %dma_start3A_315 = tpu.memref_squeeze %dma_start3A_314 : memref<1x128x128xf32, #tpu.memory_space<vmem>> -> memref<128x128xf32, #tpu.memory_space<vmem>>
        %dma_start3A_316 = arith.constant 0 : i32
        %dma_start3A_317 = tpu.memref_slice %arg10[%add3A_293, %dma_start3A_316] : memref<40x128xi32, #tpu.memory_space<vmem>> -> memref<1x128xi32, #tpu.memory_space<vmem>>
        %dma_start3A_318 = tpu.memref_squeeze %dma_start3A_317 : memref<1x128xi32, #tpu.memory_space<vmem>> -> memref<128xi32, #tpu.memory_space<vmem>>
        %dma_start3A_319 = arith.constant 0 : i32
        %dma_start3A_320 = arith.constant 0 : i32
        %dma_start3A_321 = tpu.memref_slice %arg2[%dma_start3A_319, %dma_start3A_320] : memref<10000x128xf32, #tpu.memory_space<hbm>> -> memref<10000x128xf32, #tpu.memory_space<hbm>>
        tpu.enqueue_indirect_dma source(%dma_start3A_321 : memref<10000x128xf32, #tpu.memory_space<hbm>>) target(%dma_start3A_315 : memref<128x128xf32, #tpu.memory_space<vmem>>) offsets(%dma_start3A_318 : memref<128xi32, #tpu.memory_space<vmem>>) semaphore(%arg16 : memref<!tpu.dma_semaphore, #tpu.memory_space<semaphore_mem>>)
        %dma_start3A_322 = arith.constant 0 : i32
        %dma_start3A_323 = arith.constant 0 : i32
        %dma_start3A_324 = tpu.memref_slice %arg13[%select_n3A_311, %dma_start3A_322, %dma_start3A_323] : memref<2x128x128xf32, #tpu.memory_space<vmem>> -> memref<1x128x128xf32, #tpu.memory_space<vmem>>
        %dma_start3A_325 = tpu.memref_squeeze %dma_start3A_324 : memref<1x128x128xf32, #tpu.memory_space<vmem>> -> memref<128x128xf32, #tpu.memory_space<vmem>>
        %dma_start3A_326 = arith.constant 0 : i32
        %dma_start3A_327 = tpu.memref_slice %arg11[%add3A_293, %dma_start3A_326] : memref<40x128xi32, #tpu.memory_space<vmem>> -> memref<1x128xi32, #tpu.memory_space<vmem>>
        %dma_start3A_328 = tpu.memref_squeeze %dma_start3A_327 : memref<1x128xi32, #tpu.memory_space<vmem>> -> memref<128xi32, #tpu.memory_space<vmem>>
        %dma_start3A_329 = arith.constant 0 : i32
        %dma_start3A_330 = arith.constant 0 : i32
        %dma_start3A_331 = tpu.memref_slice %arg2[%dma_start3A_329, %dma_start3A_330] : memref<10000x128xf32, #tpu.memory_space<hbm>> -> memref<10000x128xf32, #tpu.memory_space<hbm>>
        tpu.enqueue_indirect_dma source(%dma_start3A_331 : memref<10000x128xf32, #tpu.memory_space<hbm>>) target(%dma_start3A_325 : memref<128x128xf32, #tpu.memory_space<vmem>>) offsets(%dma_start3A_328 : memref<128xi32, #tpu.memory_space<vmem>>) semaphore(%arg17 : memref<!tpu.dma_semaphore, #tpu.memory_space<semaphore_mem>>)
        %dma_start3A_332 = arith.constant 0 : i32
        %dma_start3A_333 = arith.constant 0 : i32
        %dma_start3A_334 = tpu.memref_slice %arg14[%select_n3A_311, %dma_start3A_332, %dma_start3A_333] : memref<2x128x16xf32, #tpu.memory_space<vmem>> -> memref<1x128x16xf32, #tpu.memory_space<vmem>>
        %dma_start3A_335 = tpu.memref_squeeze %dma_start3A_334 : memref<1x128x16xf32, #tpu.memory_space<vmem>> -> memref<128x16xf32, #tpu.memory_space<vmem>>
        %dma_start3A_336 = arith.constant 0 : i32
        %dma_start3A_337 = tpu.memref_slice %arg10[%add3A_293, %dma_start3A_336] : memref<40x128xi32, #tpu.memory_space<vmem>> -> memref<1x128xi32, #tpu.memory_space<vmem>>
        %dma_start3A_338 = tpu.memref_squeeze %dma_start3A_337 : memref<1x128xi32, #tpu.memory_space<vmem>> -> memref<128xi32, #tpu.memory_space<vmem>>
        %dma_start3A_339 = arith.constant 0 : i32
        %dma_start3A_340 = arith.constant 0 : i32
        %dma_start3A_341 = tpu.memref_slice %arg3[%dma_start3A_339, %dma_start3A_340] : memref<10000x16xf32, #tpu.memory_space<hbm>> -> memref<10000x16xf32, #tpu.memory_space<hbm>>
        tpu.enqueue_indirect_dma source(%dma_start3A_341 : memref<10000x16xf32, #tpu.memory_space<hbm>>) target(%dma_start3A_335 : memref<128x16xf32, #tpu.memory_space<vmem>>) offsets(%dma_start3A_338 : memref<128xi32, #tpu.memory_space<vmem>>) semaphore(%arg18 : memref<!tpu.dma_semaphore, #tpu.memory_space<semaphore_mem>>)
        %dma_start3A_342 = arith.constant 0 : i32
        %dma_start3A_343 = arith.constant 0 : i32
        %dma_start3A_344 = tpu.memref_slice %arg15[%select_n3A_311, %dma_start3A_342, %dma_start3A_343] : memref<2x128x16xf32, #tpu.memory_space<vmem>> -> memref<1x128x16xf32, #tpu.memory_space<vmem>>
        %dma_start3A_345 = tpu.memref_squeeze %dma_start3A_344 : memref<1x128x16xf32, #tpu.memory_space<vmem>> -> memref<128x16xf32, #tpu.memory_space<vmem>>
        %dma_start3A_346 = arith.constant 0 : i32
        %dma_start3A_347 = tpu.memref_slice %arg11[%add3A_293, %dma_start3A_346] : memref<40x128xi32, #tpu.memory_space<vmem>> -> memref<1x128xi32, #tpu.memory_space<vmem>>
        %dma_start3A_348 = tpu.memref_squeeze %dma_start3A_347 : memref<1x128xi32, #tpu.memory_space<vmem>> -> memref<128xi32, #tpu.memory_space<vmem>>
        %dma_start3A_349 = arith.constant 0 : i32
        %dma_start3A_350 = arith.constant 0 : i32
        %dma_start3A_351 = tpu.memref_slice %arg3[%dma_start3A_349, %dma_start3A_350] : memref<10000x16xf32, #tpu.memory_space<hbm>> -> memref<10000x16xf32, #tpu.memory_space<hbm>>
        tpu.enqueue_indirect_dma source(%dma_start3A_351 : memref<10000x16xf32, #tpu.memory_space<hbm>>) target(%dma_start3A_345 : memref<128x16xf32, #tpu.memory_space<vmem>>) offsets(%dma_start3A_348 : memref<128xi32, #tpu.memory_space<vmem>>) semaphore(%arg19 : memref<!tpu.dma_semaphore, #tpu.memory_space<semaphore_mem>>)
      } else {
      }
      %dma_wait3A_179 = arith.constant 0 : i32
      %dma_wait3A_180 = arith.constant 0 : i32
      %dma_wait3A_181 = arith.constant 0 : i32
      %dma_wait3A_182 = arith.constant 0 : i32
      %dma_wait3A_183 = tpu.memref_slice %arg12[%dma_wait3A_180, %dma_wait3A_181, %dma_wait3A_182] : memref<2x128x128xf32, #tpu.memory_space<vmem>> -> memref<1x128x128xf32, #tpu.memory_space<vmem>>
      %dma_wait3A_184 = tpu.memref_squeeze %dma_wait3A_183 : memref<1x128x128xf32, #tpu.memory_space<vmem>> -> memref<128x128xf32, #tpu.memory_space<vmem>>
      %dma_wait3A_185 = arith.constant 0 : i32
      %dma_wait3A_186 = tpu.memref_slice %arg10[%dma_wait3A_179, %dma_wait3A_185] : memref<40x128xi32, #tpu.memory_space<vmem>> -> memref<1x128xi32, #tpu.memory_space<vmem>>
      %dma_wait3A_187 = tpu.memref_squeeze %dma_wait3A_186 : memref<1x128xi32, #tpu.memory_space<vmem>> -> memref<128xi32, #tpu.memory_space<vmem>>
      %dma_wait3A_188 = arith.constant 0 : i32
      %dma_wait3A_189 = arith.constant 0 : i32
      %dma_wait3A_190 = tpu.memref_slice %arg2[%dma_wait3A_188, %dma_wait3A_189] : memref<10000x128xf32, #tpu.memory_space<hbm>> -> memref<10000x128xf32, #tpu.memory_space<hbm>>
      tpu.wait_indirect_dma semaphore(%arg16 : memref<!tpu.dma_semaphore, #tpu.memory_space<semaphore_mem>>) src(%dma_wait3A_190 : memref<10000x128xf32, #tpu.memory_space<hbm>>) dst(%dma_wait3A_184 : memref<128x128xf32, #tpu.memory_space<vmem>>)
      %dma_wait3A_191 = arith.constant 0 : i32
      %dma_wait3A_192 = arith.constant 0 : i32
      %dma_wait3A_193 = arith.constant 0 : i32
      %dma_wait3A_194 = arith.constant 0 : i32
      %dma_wait3A_195 = tpu.memref_slice %arg13[%dma_wait3A_192, %dma_wait3A_193, %dma_wait3A_194] : memref<2x128x128xf32, #tpu.memory_space<vmem>> -> memref<1x128x128xf32, #tpu.memory_space<vmem>>
      %dma_wait3A_196 = tpu.memref_squeeze %dma_wait3A_195 : memref<1x128x128xf32, #tpu.memory_space<vmem>> -> memref<128x128xf32, #tpu.memory_space<vmem>>
      %dma_wait3A_197 = arith.constant 0 : i32
      %dma_wait3A_198 = tpu.memref_slice %arg11[%dma_wait3A_191, %dma_wait3A_197] : memref<40x128xi32, #tpu.memory_space<vmem>> -> memref<1x128xi32, #tpu.memory_space<vmem>>
      %dma_wait3A_199 = tpu.memref_squeeze %dma_wait3A_198 : memref<1x128xi32, #tpu.memory_space<vmem>> -> memref<128xi32, #tpu.memory_space<vmem>>
      %dma_wait3A_200 = arith.constant 0 : i32
      %dma_wait3A_201 = arith.constant 0 : i32
      %dma_wait3A_202 = tpu.memref_slice %arg2[%dma_wait3A_200, %dma_wait3A_201] : memref<10000x128xf32, #tpu.memory_space<hbm>> -> memref<10000x128xf32, #tpu.memory_space<hbm>>
      tpu.wait_indirect_dma semaphore(%arg17 : memref<!tpu.dma_semaphore, #tpu.memory_space<semaphore_mem>>) src(%dma_wait3A_202 : memref<10000x128xf32, #tpu.memory_space<hbm>>) dst(%dma_wait3A_196 : memref<128x128xf32, #tpu.memory_space<vmem>>)
      %dma_wait3A_203 = arith.constant 0 : i32
      %dma_wait3A_204 = arith.constant 0 : i32
      %dma_wait3A_205 = arith.constant 0 : i32
      %dma_wait3A_206 = arith.constant 0 : i32
      %dma_wait3A_207 = tpu.memref_slice %arg14[%dma_wait3A_204, %dma_wait3A_205, %dma_wait3A_206] : memref<2x128x16xf32, #tpu.memory_space<vmem>> -> memref<1x128x16xf32, #tpu.memory_space<vmem>>
      %dma_wait3A_208 = tpu.memref_squeeze %dma_wait3A_207 : memref<1x128x16xf32, #tpu.memory_space<vmem>> -> memref<128x16xf32, #tpu.memory_space<vmem>>
      %dma_wait3A_209 = arith.constant 0 : i32
      %dma_wait3A_210 = tpu.memref_slice %arg10[%dma_wait3A_203, %dma_wait3A_209] : memref<40x128xi32, #tpu.memory_space<vmem>> -> memref<1x128xi32, #tpu.memory_space<vmem>>
      %dma_wait3A_211 = tpu.memref_squeeze %dma_wait3A_210 : memref<1x128xi32, #tpu.memory_space<vmem>> -> memref<128xi32, #tpu.memory_space<vmem>>
      %dma_wait3A_212 = arith.constant 0 : i32
      %dma_wait3A_213 = arith.constant 0 : i32
      %dma_wait3A_214 = tpu.memref_slice %arg3[%dma_wait3A_212, %dma_wait3A_213] : memref<10000x16xf32, #tpu.memory_space<hbm>> -> memref<10000x16xf32, #tpu.memory_space<hbm>>
      tpu.wait_indirect_dma semaphore(%arg18 : memref<!tpu.dma_semaphore, #tpu.memory_space<semaphore_mem>>) src(%dma_wait3A_214 : memref<10000x16xf32, #tpu.memory_space<hbm>>) dst(%dma_wait3A_208 : memref<128x16xf32, #tpu.memory_space<vmem>>)
      %dma_wait3A_215 = arith.constant 0 : i32
      %dma_wait3A_216 = arith.constant 0 : i32
      %dma_wait3A_217 = arith.constant 0 : i32
      %dma_wait3A_218 = arith.constant 0 : i32
      %dma_wait3A_219 = tpu.memref_slice %arg15[%dma_wait3A_216, %dma_wait3A_217, %dma_wait3A_218] : memref<2x128x16xf32, #tpu.memory_space<vmem>> -> memref<1x128x16xf32, #tpu.memory_space<vmem>>
      %dma_wait3A_220 = tpu.memref_squeeze %dma_wait3A_219 : memref<1x128x16xf32, #tpu.memory_space<vmem>> -> memref<128x16xf32, #tpu.memory_space<vmem>>
      %dma_wait3A_221 = arith.constant 0 : i32
      %dma_wait3A_222 = tpu.memref_slice %arg11[%dma_wait3A_215, %dma_wait3A_221] : memref<40x128xi32, #tpu.memory_space<vmem>> -> memref<1x128xi32, #tpu.memory_space<vmem>>
      %dma_wait3A_223 = tpu.memref_squeeze %dma_wait3A_222 : memref<1x128xi32, #tpu.memory_space<vmem>> -> memref<128xi32, #tpu.memory_space<vmem>>
      %dma_wait3A_224 = arith.constant 0 : i32
      %dma_wait3A_225 = arith.constant 0 : i32
      %dma_wait3A_226 = tpu.memref_slice %arg3[%dma_wait3A_224, %dma_wait3A_225] : memref<10000x16xf32, #tpu.memory_space<hbm>> -> memref<10000x16xf32, #tpu.memory_space<hbm>>
      tpu.wait_indirect_dma semaphore(%arg19 : memref<!tpu.dma_semaphore, #tpu.memory_space<semaphore_mem>>) src(%dma_wait3A_226 : memref<10000x16xf32, #tpu.memory_space<hbm>>) dst(%dma_wait3A_220 : memref<128x16xf32, #tpu.memory_space<vmem>>)
      %jit3A = arith.constant 2 : i32
      %eq3A = arith.constant 0 : i32
      %eq3A_227 = arith.cmpi eq, %jit3A, %eq3A : i32
      %jit3A_228 = arith.constant 1 : i32
      %select_n3A = arith.select %eq3A_227, %jit3A_228, %jit3A : i32
      %rem3A = arith.remsi %scan3A_175, %select_n3A : i32
      %ne3A = arith.constant 0 : i32
      %ne3A_229 = arith.cmpi ne, %rem3A, %ne3A : i32
      %lt3A = arith.constant 0 : i32
      %lt3A_230 = arith.cmpi slt, %rem3A, %lt3A : i32
      %lt3A_231 = arith.constant 0 : i32
      %lt3A_232 = arith.cmpi slt, %select_n3A, %lt3A_231 : i32
      %ne3A_233 = arith.xori %lt3A_230, %lt3A_232 : i1
      %and3A = arith.andi %ne3A_233, %ne3A_229 : i1
      %add3A_234 = arith.addi %rem3A, %select_n3A : i32
      %select_n3A_235 = arith.select %and3A, %add3A_234, %rem3A : i32
      %add3A_236 = arith.addi %mul3A_2, %scan3A_175 : i32
      %mul3A_237 = arith.constant 128 : i32
      %mul3A_238 = arith.muli %add3A_236, %mul3A_237 : i32
      %dma_start3A_239 = arith.constant 0 : i32
      %dma_start3A_240 = arith.constant 0 : i32
      %dma_start3A_241 = tpu.memref_slice %arg12[%select_n3A_235, %dma_start3A_239, %dma_start3A_240] : memref<2x128x128xf32, #tpu.memory_space<vmem>> -> memref<1x128x128xf32, #tpu.memory_space<vmem>>
      %dma_start3A_242 = tpu.memref_squeeze %dma_start3A_241 : memref<1x128x128xf32, #tpu.memory_space<vmem>> -> memref<128x128xf32, #tpu.memory_space<vmem>>
      %dma_start3A_243 = arith.constant 0 : i32
      %dma_start3A_244 = tpu.memref_slice %arg6[%mul3A_238, %dma_start3A_243] : memref<163840x128xf32, #tpu.memory_space<hbm>> -> memref<128x128xf32, #tpu.memory_space<hbm>>
      %dma_start3A_245 = arith.constant 0 : i32
      %dma_start3A_246 = tpu.memref_slice %arg6[%mul3A_238, %dma_start3A_245] : memref<163840x128xf32, #tpu.memory_space<hbm>> -> memref<128x128xf32, #tpu.memory_space<hbm>>
      %dma_start3A_247 = arith.constant 0 : i32
      %dma_start3A_248 = arith.constant 0 : i32
      %dma_start3A_249 = tpu.memref_slice %arg12[%select_n3A_235, %dma_start3A_247, %dma_start3A_248] : memref<2x128x128xf32, #tpu.memory_space<vmem>> -> memref<1x128x128xf32, #tpu.memory_space<vmem>>
      %dma_start3A_250 = tpu.memref_squeeze %dma_start3A_249 : memref<1x128x128xf32, #tpu.memory_space<vmem>> -> memref<128x128xf32, #tpu.memory_space<vmem>>
      tpu.enqueue_dma source(%dma_start3A_250 : memref<128x128xf32, #tpu.memory_space<vmem>>) target(%dma_start3A_246 : memref<128x128xf32, #tpu.memory_space<hbm>>) target_semaphore(%arg20 : memref<!tpu.dma_semaphore, #tpu.memory_space<semaphore_mem>>)
      %dma_start3A_251 = arith.constant 0 : i32
      %dma_start3A_252 = arith.constant 0 : i32
      %dma_start3A_253 = tpu.memref_slice %arg13[%select_n3A_235, %dma_start3A_251, %dma_start3A_252] : memref<2x128x128xf32, #tpu.memory_space<vmem>> -> memref<1x128x128xf32, #tpu.memory_space<vmem>>
      %dma_start3A_254 = tpu.memref_squeeze %dma_start3A_253 : memref<1x128x128xf32, #tpu.memory_space<vmem>> -> memref<128x128xf32, #tpu.memory_space<vmem>>
      %dma_start3A_255 = arith.constant 0 : i32
      %dma_start3A_256 = tpu.memref_slice %arg7[%mul3A_238, %dma_start3A_255] : memref<163840x128xf32, #tpu.memory_space<hbm>> -> memref<128x128xf32, #tpu.memory_space<hbm>>
      %dma_start3A_257 = arith.constant 0 : i32
      %dma_start3A_258 = tpu.memref_slice %arg7[%mul3A_238, %dma_start3A_257] : memref<163840x128xf32, #tpu.memory_space<hbm>> -> memref<128x128xf32, #tpu.memory_space<hbm>>
      %dma_start3A_259 = arith.constant 0 : i32
      %dma_start3A_260 = arith.constant 0 : i32
      %dma_start3A_261 = tpu.memref_slice %arg13[%select_n3A_235, %dma_start3A_259, %dma_start3A_260] : memref<2x128x128xf32, #tpu.memory_space<vmem>> -> memref<1x128x128xf32, #tpu.memory_space<vmem>>
      %dma_start3A_262 = tpu.memref_squeeze %dma_start3A_261 : memref<1x128x128xf32, #tpu.memory_space<vmem>> -> memref<128x128xf32, #tpu.memory_space<vmem>>
      tpu.enqueue_dma source(%dma_start3A_262 : memref<128x128xf32, #tpu.memory_space<vmem>>) target(%dma_start3A_258 : memref<128x128xf32, #tpu.memory_space<hbm>>) target_semaphore(%arg21 : memref<!tpu.dma_semaphore, #tpu.memory_space<semaphore_mem>>)
      %dma_start3A_263 = arith.constant 0 : i32
      %dma_start3A_264 = arith.constant 0 : i32
      %dma_start3A_265 = tpu.memref_slice %arg14[%select_n3A_235, %dma_start3A_263, %dma_start3A_264] : memref<2x128x16xf32, #tpu.memory_space<vmem>> -> memref<1x128x16xf32, #tpu.memory_space<vmem>>
      %dma_start3A_266 = tpu.memref_squeeze %dma_start3A_265 : memref<1x128x16xf32, #tpu.memory_space<vmem>> -> memref<128x16xf32, #tpu.memory_space<vmem>>
      %dma_start3A_267 = arith.constant 0 : i32
      %dma_start3A_268 = tpu.memref_slice %arg8[%mul3A_238, %dma_start3A_267] : memref<163840x16xf32, #tpu.memory_space<hbm>> -> memref<128x16xf32, #tpu.memory_space<hbm>>
      %dma_start3A_269 = arith.constant 0 : i32
      %dma_start3A_270 = tpu.memref_slice %arg8[%mul3A_238, %dma_start3A_269] : memref<163840x16xf32, #tpu.memory_space<hbm>> -> memref<128x16xf32, #tpu.memory_space<hbm>>
      %dma_start3A_271 = arith.constant 0 : i32
      %dma_start3A_272 = arith.constant 0 : i32
      %dma_start3A_273 = tpu.memref_slice %arg14[%select_n3A_235, %dma_start3A_271, %dma_start3A_272] : memref<2x128x16xf32, #tpu.memory_space<vmem>> -> memref<1x128x16xf32, #tpu.memory_space<vmem>>
      %dma_start3A_274 = tpu.memref_squeeze %dma_start3A_273 : memref<1x128x16xf32, #tpu.memory_space<vmem>> -> memref<128x16xf32, #tpu.memory_space<vmem>>
      tpu.enqueue_dma source(%dma_start3A_274 : memref<128x16xf32, #tpu.memory_space<vmem>>) target(%dma_start3A_270 : memref<128x16xf32, #tpu.memory_space<hbm>>) target_semaphore(%arg22 : memref<!tpu.dma_semaphore, #tpu.memory_space<semaphore_mem>>)
      %dma_start3A_275 = arith.constant 0 : i32
      %dma_start3A_276 = arith.constant 0 : i32
      %dma_start3A_277 = tpu.memref_slice %arg15[%select_n3A_235, %dma_start3A_275, %dma_start3A_276] : memref<2x128x16xf32, #tpu.memory_space<vmem>> -> memref<1x128x16xf32, #tpu.memory_space<vmem>>
      %dma_start3A_278 = tpu.memref_squeeze %dma_start3A_277 : memref<1x128x16xf32, #tpu.memory_space<vmem>> -> memref<128x16xf32, #tpu.memory_space<vmem>>
      %dma_start3A_279 = arith.constant 0 : i32
      %dma_start3A_280 = tpu.memref_slice %arg9[%mul3A_238, %dma_start3A_279] : memref<163840x16xf32, #tpu.memory_space<hbm>> -> memref<128x16xf32, #tpu.memory_space<hbm>>
      %dma_start3A_281 = arith.constant 0 : i32
      %dma_start3A_282 = tpu.memref_slice %arg9[%mul3A_238, %dma_start3A_281] : memref<163840x16xf32, #tpu.memory_space<hbm>> -> memref<128x16xf32, #tpu.memory_space<hbm>>
      %dma_start3A_283 = arith.constant 0 : i32
      %dma_start3A_284 = arith.constant 0 : i32
      %dma_start3A_285 = tpu.memref_slice %arg15[%select_n3A_235, %dma_start3A_283, %dma_start3A_284] : memref<2x128x16xf32, #tpu.memory_space<vmem>> -> memref<1x128x16xf32, #tpu.memory_space<vmem>>
      %dma_start3A_286 = tpu.memref_squeeze %dma_start3A_285 : memref<1x128x16xf32, #tpu.memory_space<vmem>> -> memref<128x16xf32, #tpu.memory_space<vmem>>
      tpu.enqueue_dma source(%dma_start3A_286 : memref<128x16xf32, #tpu.memory_space<vmem>>) target(%dma_start3A_282 : memref<128x16xf32, #tpu.memory_space<hbm>>) target_semaphore(%arg23 : memref<!tpu.dma_semaphore, #tpu.memory_space<semaphore_mem>>)
      %scan3A_287 = arith.constant 0 : i32
      scf.yield %scan3A_287 : i32
    }
    %scan3A_55 = arith.constant 40 : i32
    %dma_wait3A = arith.constant 0 : i32
    %dma_wait3A_56 = arith.constant 0 : i32
    %dma_wait3A_57 = arith.constant 0 : i32
    %dma_wait3A_58 = tpu.memref_slice %arg12[%dma_wait3A, %dma_wait3A_56, %dma_wait3A_57] : memref<2x128x128xf32, #tpu.memory_space<vmem>> -> memref<1x128x128xf32, #tpu.memory_space<vmem>>
    %dma_wait3A_59 = tpu.memref_squeeze %dma_wait3A_58 : memref<1x128x128xf32, #tpu.memory_space<vmem>> -> memref<128x128xf32, #tpu.memory_space<vmem>>
    %dma_wait3A_60 = arith.constant 0 : i32
    %dma_wait3A_61 = arith.constant 0 : i32
    %dma_wait3A_62 = tpu.memref_slice %arg6[%dma_wait3A_60, %dma_wait3A_61] : memref<163840x128xf32, #tpu.memory_space<hbm>> -> memref<128x128xf32, #tpu.memory_space<hbm>>
    %dma_wait3A_63 = arith.constant 0 : i32
    %dma_wait3A_64 = arith.constant 0 : i32
    %dma_wait3A_65 = tpu.memref_slice %arg6[%dma_wait3A_63, %dma_wait3A_64] : memref<163840x128xf32, #tpu.memory_space<hbm>> -> memref<128x128xf32, #tpu.memory_space<hbm>>
    %dma_wait3A_66 = arith.constant 0 : i32
    %dma_wait3A_67 = arith.constant 0 : i32
    %dma_wait3A_68 = tpu.memref_slice %arg12[%dma_wait3A, %dma_wait3A_66, %dma_wait3A_67] : memref<2x128x128xf32, #tpu.memory_space<vmem>> -> memref<1x128x128xf32, #tpu.memory_space<vmem>>
    %dma_wait3A_69 = tpu.memref_squeeze %dma_wait3A_68 : memref<1x128x128xf32, #tpu.memory_space<vmem>> -> memref<128x128xf32, #tpu.memory_space<vmem>>
    tpu.wait_dma2 semaphore(%arg20 : memref<!tpu.dma_semaphore, #tpu.memory_space<semaphore_mem>>) src(%dma_wait3A_69 : memref<128x128xf32, #tpu.memory_space<vmem>>) dst(%dma_wait3A_65 : memref<128x128xf32, #tpu.memory_space<hbm>>)
    %dma_wait3A_70 = arith.constant 0 : i32
    %dma_wait3A_71 = arith.constant 0 : i32
    %dma_wait3A_72 = arith.constant 0 : i32
    %dma_wait3A_73 = tpu.memref_slice %arg13[%dma_wait3A_70, %dma_wait3A_71, %dma_wait3A_72] : memref<2x128x128xf32, #tpu.memory_space<vmem>> -> memref<1x128x128xf32, #tpu.memory_space<vmem>>
    %dma_wait3A_74 = tpu.memref_squeeze %dma_wait3A_73 : memref<1x128x128xf32, #tpu.memory_space<vmem>> -> memref<128x128xf32, #tpu.memory_space<vmem>>
    %dma_wait3A_75 = arith.constant 0 : i32
    %dma_wait3A_76 = arith.constant 0 : i32
    %dma_wait3A_77 = tpu.memref_slice %arg7[%dma_wait3A_75, %dma_wait3A_76] : memref<163840x128xf32, #tpu.memory_space<hbm>> -> memref<128x128xf32, #tpu.memory_space<hbm>>
    %dma_wait3A_78 = arith.constant 0 : i32
    %dma_wait3A_79 = arith.constant 0 : i32
    %dma_wait3A_80 = tpu.memref_slice %arg7[%dma_wait3A_78, %dma_wait3A_79] : memref<163840x128xf32, #tpu.memory_space<hbm>> -> memref<128x128xf32, #tpu.memory_space<hbm>>
    %dma_wait3A_81 = arith.constant 0 : i32
    %dma_wait3A_82 = arith.constant 0 : i32
    %dma_wait3A_83 = tpu.memref_slice %arg13[%dma_wait3A_70, %dma_wait3A_81, %dma_wait3A_82] : memref<2x128x128xf32, #tpu.memory_space<vmem>> -> memref<1x128x128xf32, #tpu.memory_space<vmem>>
    %dma_wait3A_84 = tpu.memref_squeeze %dma_wait3A_83 : memref<1x128x128xf32, #tpu.memory_space<vmem>> -> memref<128x128xf32, #tpu.memory_space<vmem>>
    tpu.wait_dma2 semaphore(%arg21 : memref<!tpu.dma_semaphore, #tpu.memory_space<semaphore_mem>>) src(%dma_wait3A_84 : memref<128x128xf32, #tpu.memory_space<vmem>>) dst(%dma_wait3A_80 : memref<128x128xf32, #tpu.memory_space<hbm>>)
    %dma_wait3A_85 = arith.constant 0 : i32
    %dma_wait3A_86 = arith.constant 0 : i32
    %dma_wait3A_87 = arith.constant 0 : i32
    %dma_wait3A_88 = tpu.memref_slice %arg14[%dma_wait3A_85, %dma_wait3A_86, %dma_wait3A_87] : memref<2x128x16xf32, #tpu.memory_space<vmem>> -> memref<1x128x16xf32, #tpu.memory_space<vmem>>
    %dma_wait3A_89 = tpu.memref_squeeze %dma_wait3A_88 : memref<1x128x16xf32, #tpu.memory_space<vmem>> -> memref<128x16xf32, #tpu.memory_space<vmem>>
    %dma_wait3A_90 = arith.constant 0 : i32
    %dma_wait3A_91 = arith.constant 0 : i32
    %dma_wait3A_92 = tpu.memref_slice %arg8[%dma_wait3A_90, %dma_wait3A_91] : memref<163840x16xf32, #tpu.memory_space<hbm>> -> memref<128x16xf32, #tpu.memory_space<hbm>>
    %dma_wait3A_93 = arith.constant 0 : i32
    %dma_wait3A_94 = arith.constant 0 : i32
    %dma_wait3A_95 = tpu.memref_slice %arg8[%dma_wait3A_93, %dma_wait3A_94] : memref<163840x16xf32, #tpu.memory_space<hbm>> -> memref<128x16xf32, #tpu.memory_space<hbm>>
    %dma_wait3A_96 = arith.constant 0 : i32
    %dma_wait3A_97 = arith.constant 0 : i32
    %dma_wait3A_98 = tpu.memref_slice %arg14[%dma_wait3A_85, %dma_wait3A_96, %dma_wait3A_97] : memref<2x128x16xf32, #tpu.memory_space<vmem>> -> memref<1x128x16xf32, #tpu.memory_space<vmem>>
    %dma_wait3A_99 = tpu.memref_squeeze %dma_wait3A_98 : memref<1x128x16xf32, #tpu.memory_space<vmem>> -> memref<128x16xf32, #tpu.memory_space<vmem>>
    tpu.wait_dma2 semaphore(%arg22 : memref<!tpu.dma_semaphore, #tpu.memory_space<semaphore_mem>>) src(%dma_wait3A_99 : memref<128x16xf32, #tpu.memory_space<vmem>>) dst(%dma_wait3A_95 : memref<128x16xf32, #tpu.memory_space<hbm>>)
    %dma_wait3A_100 = arith.constant 0 : i32
    %dma_wait3A_101 = arith.constant 0 : i32
    %dma_wait3A_102 = arith.constant 0 : i32
    %dma_wait3A_103 = tpu.memref_slice %arg15[%dma_wait3A_100, %dma_wait3A_101, %dma_wait3A_102] : memref<2x128x16xf32, #tpu.memory_space<vmem>> -> memref<1x128x16xf32, #tpu.memory_space<vmem>>
    %dma_wait3A_104 = tpu.memref_squeeze %dma_wait3A_103 : memref<1x128x16xf32, #tpu.memory_space<vmem>> -> memref<128x16xf32, #tpu.memory_space<vmem>>
    %dma_wait3A_105 = arith.constant 0 : i32
    %dma_wait3A_106 = arith.constant 0 : i32
    %dma_wait3A_107 = tpu.memref_slice %arg9[%dma_wait3A_105, %dma_wait3A_106] : memref<163840x16xf32, #tpu.memory_space<hbm>> -> memref<128x16xf32, #tpu.memory_space<hbm>>
    %dma_wait3A_108 = arith.constant 0 : i32
    %dma_wait3A_109 = arith.constant 0 : i32
    %dma_wait3A_110 = tpu.memref_slice %arg9[%dma_wait3A_108, %dma_wait3A_109] : memref<163840x16xf32, #tpu.memory_space<hbm>> -> memref<128x16xf32, #tpu.memory_space<hbm>>
    %dma_wait3A_111 = arith.constant 0 : i32
    %dma_wait3A_112 = arith.constant 0 : i32
    %dma_wait3A_113 = tpu.memref_slice %arg15[%dma_wait3A_100, %dma_wait3A_111, %dma_wait3A_112] : memref<2x128x16xf32, #tpu.memory_space<vmem>> -> memref<1x128x16xf32, #tpu.memory_space<vmem>>
    %dma_wait3A_114 = tpu.memref_squeeze %dma_wait3A_113 : memref<1x128x16xf32, #tpu.memory_space<vmem>> -> memref<128x16xf32, #tpu.memory_space<vmem>>
    tpu.wait_dma2 semaphore(%arg23 : memref<!tpu.dma_semaphore, #tpu.memory_space<semaphore_mem>>) src(%dma_wait3A_114 : memref<128x16xf32, #tpu.memory_space<vmem>>) dst(%dma_wait3A_110 : memref<128x16xf32, #tpu.memory_space<hbm>>)
    %dma_wait3A_115 = arith.constant 0 : i32
    %dma_wait3A_116 = arith.constant 0 : i32
    %dma_wait3A_117 = arith.constant 0 : i32
    %dma_wait3A_118 = tpu.memref_slice %arg12[%dma_wait3A_115, %dma_wait3A_116, %dma_wait3A_117] : memref<2x128x128xf32, #tpu.memory_space<vmem>> -> memref<1x128x128xf32, #tpu.memory_space<vmem>>
    %dma_wait3A_119 = tpu.memref_squeeze %dma_wait3A_118 : memref<1x128x128xf32, #tpu.memory_space<vmem>> -> memref<128x128xf32, #tpu.memory_space<vmem>>
    %dma_wait3A_120 = arith.constant 0 : i32
    %dma_wait3A_121 = arith.constant 0 : i32
    %dma_wait3A_122 = tpu.memref_slice %arg6[%dma_wait3A_120, %dma_wait3A_121] : memref<163840x128xf32, #tpu.memory_space<hbm>> -> memref<128x128xf32, #tpu.memory_space<hbm>>
    %dma_wait3A_123 = arith.constant 0 : i32
    %dma_wait3A_124 = arith.constant 0 : i32
    %dma_wait3A_125 = tpu.memref_slice %arg6[%dma_wait3A_123, %dma_wait3A_124] : memref<163840x128xf32, #tpu.memory_space<hbm>> -> memref<128x128xf32, #tpu.memory_space<hbm>>
    %dma_wait3A_126 = arith.constant 0 : i32
    %dma_wait3A_127 = arith.constant 0 : i32
    %dma_wait3A_128 = tpu.memref_slice %arg12[%dma_wait3A_115, %dma_wait3A_126, %dma_wait3A_127] : memref<2x128x128xf32, #tpu.memory_space<vmem>> -> memref<1x128x128xf32, #tpu.memory_space<vmem>>
    %dma_wait3A_129 = tpu.memref_squeeze %dma_wait3A_128 : memref<1x128x128xf32, #tpu.memory_space<vmem>> -> memref<128x128xf32, #tpu.memory_space<vmem>>
    tpu.wait_dma2 semaphore(%arg20 : memref<!tpu.dma_semaphore, #tpu.memory_space<semaphore_mem>>) src(%dma_wait3A_129 : memref<128x128xf32, #tpu.memory_space<vmem>>) dst(%dma_wait3A_125 : memref<128x128xf32, #tpu.memory_space<hbm>>)
    %dma_wait3A_130 = arith.constant 0 : i32
    %dma_wait3A_131 = arith.constant 0 : i32
    %dma_wait3A_132 = arith.constant 0 : i32
    %dma_wait3A_133 = tpu.memref_slice %arg13[%dma_wait3A_130, %dma_wait3A_131, %dma_wait3A_132] : memref<2x128x128xf32, #tpu.memory_space<vmem>> -> memref<1x128x128xf32, #tpu.memory_space<vmem>>
    %dma_wait3A_134 = tpu.memref_squeeze %dma_wait3A_133 : memref<1x128x128xf32, #tpu.memory_space<vmem>> -> memref<128x128xf32, #tpu.memory_space<vmem>>
    %dma_wait3A_135 = arith.constant 0 : i32
    %dma_wait3A_136 = arith.constant 0 : i32
    %dma_wait3A_137 = tpu.memref_slice %arg7[%dma_wait3A_135, %dma_wait3A_136] : memref<163840x128xf32, #tpu.memory_space<hbm>> -> memref<128x128xf32, #tpu.memory_space<hbm>>
    %dma_wait3A_138 = arith.constant 0 : i32
    %dma_wait3A_139 = arith.constant 0 : i32
    %dma_wait3A_140 = tpu.memref_slice %arg7[%dma_wait3A_138, %dma_wait3A_139] : memref<163840x128xf32, #tpu.memory_space<hbm>> -> memref<128x128xf32, #tpu.memory_space<hbm>>
    %dma_wait3A_141 = arith.constant 0 : i32
    %dma_wait3A_142 = arith.constant 0 : i32
    %dma_wait3A_143 = tpu.memref_slice %arg13[%dma_wait3A_130, %dma_wait3A_141, %dma_wait3A_142] : memref<2x128x128xf32, #tpu.memory_space<vmem>> -> memref<1x128x128xf32, #tpu.memory_space<vmem>>
    %dma_wait3A_144 = tpu.memref_squeeze %dma_wait3A_143 : memref<1x128x128xf32, #tpu.memory_space<vmem>> -> memref<128x128xf32, #tpu.memory_space<vmem>>
    tpu.wait_dma2 semaphore(%arg21 : memref<!tpu.dma_semaphore, #tpu.memory_space<semaphore_mem>>) src(%dma_wait3A_144 : memref<128x128xf32, #tpu.memory_space<vmem>>) dst(%dma_wait3A_140 : memref<128x128xf32, #tpu.memory_space<hbm>>)
    %dma_wait3A_145 = arith.constant 0 : i32
    %dma_wait3A_146 = arith.constant 0 : i32
    %dma_wait3A_147 = arith.constant 0 : i32
    %dma_wait3A_148 = tpu.memref_slice %arg14[%dma_wait3A_145, %dma_wait3A_146, %dma_wait3A_147] : memref<2x128x16xf32, #tpu.memory_space<vmem>> -> memref<1x128x16xf32, #tpu.memory_space<vmem>>
    %dma_wait3A_149 = tpu.memref_squeeze %dma_wait3A_148 : memref<1x128x16xf32, #tpu.memory_space<vmem>> -> memref<128x16xf32, #tpu.memory_space<vmem>>
    %dma_wait3A_150 = arith.constant 0 : i32
    %dma_wait3A_151 = arith.constant 0 : i32
    %dma_wait3A_152 = tpu.memref_slice %arg8[%dma_wait3A_150, %dma_wait3A_151] : memref<163840x16xf32, #tpu.memory_space<hbm>> -> memref<128x16xf32, #tpu.memory_space<hbm>>
    %dma_wait3A_153 = arith.constant 0 : i32
    %dma_wait3A_154 = arith.constant 0 : i32
    %dma_wait3A_155 = tpu.memref_slice %arg8[%dma_wait3A_153, %dma_wait3A_154] : memref<163840x16xf32, #tpu.memory_space<hbm>> -> memref<128x16xf32, #tpu.memory_space<hbm>>
    %dma_wait3A_156 = arith.constant 0 : i32
    %dma_wait3A_157 = arith.constant 0 : i32
    %dma_wait3A_158 = tpu.memref_slice %arg14[%dma_wait3A_145, %dma_wait3A_156, %dma_wait3A_157] : memref<2x128x16xf32, #tpu.memory_space<vmem>> -> memref<1x128x16xf32, #tpu.memory_space<vmem>>
    %dma_wait3A_159 = tpu.memref_squeeze %dma_wait3A_158 : memref<1x128x16xf32, #tpu.memory_space<vmem>> -> memref<128x16xf32, #tpu.memory_space<vmem>>
    tpu.wait_dma2 semaphore(%arg22 : memref<!tpu.dma_semaphore, #tpu.memory_space<semaphore_mem>>) src(%dma_wait3A_159 : memref<128x16xf32, #tpu.memory_space<vmem>>) dst(%dma_wait3A_155 : memref<128x16xf32, #tpu.memory_space<hbm>>)
    %dma_wait3A_160 = arith.constant 0 : i32
    %dma_wait3A_161 = arith.constant 0 : i32
    %dma_wait3A_162 = arith.constant 0 : i32
    %dma_wait3A_163 = tpu.memref_slice %arg15[%dma_wait3A_160, %dma_wait3A_161, %dma_wait3A_162] : memref<2x128x16xf32, #tpu.memory_space<vmem>> -> memref<1x128x16xf32, #tpu.memory_space<vmem>>
    %dma_wait3A_164 = tpu.memref_squeeze %dma_wait3A_163 : memref<1x128x16xf32, #tpu.memory_space<vmem>> -> memref<128x16xf32, #tpu.memory_space<vmem>>
    %dma_wait3A_165 = arith.constant 0 : i32
    %dma_wait3A_166 = arith.constant 0 : i32
    %dma_wait3A_167 = tpu.memref_slice %arg9[%dma_wait3A_165, %dma_wait3A_166] : memref<163840x16xf32, #tpu.memory_space<hbm>> -> memref<128x16xf32, #tpu.memory_space<hbm>>
    %dma_wait3A_168 = arith.constant 0 : i32
    %dma_wait3A_169 = arith.constant 0 : i32
    %dma_wait3A_170 = tpu.memref_slice %arg9[%dma_wait3A_168, %dma_wait3A_169] : memref<163840x16xf32, #tpu.memory_space<hbm>> -> memref<128x16xf32, #tpu.memory_space<hbm>>
    %dma_wait3A_171 = arith.constant 0 : i32
    %dma_wait3A_172 = arith.constant 0 : i32
    %dma_wait3A_173 = tpu.memref_slice %arg15[%dma_wait3A_160, %dma_wait3A_171, %dma_wait3A_172] : memref<2x128x16xf32, #tpu.memory_space<vmem>> -> memref<1x128x16xf32, #tpu.memory_space<vmem>>
    %dma_wait3A_174 = tpu.memref_squeeze %dma_wait3A_173 : memref<1x128x16xf32, #tpu.memory_space<vmem>> -> memref<128x16xf32, #tpu.memory_space<vmem>>
    tpu.wait_dma2 semaphore(%arg23 : memref<!tpu.dma_semaphore, #tpu.memory_space<semaphore_mem>>) src(%dma_wait3A_174 : memref<128x16xf32, #tpu.memory_space<vmem>>) dst(%dma_wait3A_170 : memref<128x16xf32, #tpu.memory_space<hbm>>)
    return
  }
}

module attributes {stable_mosaic.version = 14 : i64} {
  func.func @_edge_body(%arg0: i32, %arg1: memref<640x128xf32, #tpu.memory_space<vmem>>, %arg2: memref<640x128xf32, #tpu.memory_space<vmem>>, %arg3: memref<640x16xf32, #tpu.memory_space<vmem>>, %arg4: memref<640x16xf32, #tpu.memory_space<vmem>>, %arg5: memref<640x16xf32, #tpu.memory_space<vmem>>, %arg6: memref<128x546xbf16, #tpu.memory_space<vmem>>, %arg7: memref<128x546xbf16, #tpu.memory_space<vmem>>, %arg8: memref<16x546xf32, #tpu.memory_space<vmem>>, %arg9: memref<1x546xf32, #tpu.memory_space<vmem>>, %arg10: memref<1x546xf32, #tpu.memory_space<vmem>>, %arg11: memref<546x16xbf16, #tpu.memory_space<vmem>>, %arg12: memref<1x16xf32, #tpu.memory_space<vmem>>, %arg13: memref<16x64xf32, #tpu.memory_space<vmem>>, %arg14: memref<1x64xf32, #tpu.memory_space<vmem>>, %arg15: memref<64x1xf32, #tpu.memory_space<vmem>>, %arg16: memref<1x1xf32, #tpu.memory_space<vmem>>, %arg17: memref<640x32xf32, #tpu.memory_space<vmem>>) attributes {dimension_semantics = [#tpu.dimension_semantics<arbitrary>], iteration_bounds = array<i64: 256>, scalar_prefetch = 0 : i64, scratch_operands = 0 : i64, tpu.core_type = #tpu.core_type<tc>, window_params = [{transform_indices = @transform_0, window_bounds = array<i64: 640, 128>}, {transform_indices = @transform_1, window_bounds = array<i64: 640, 128>}, {transform_indices = @transform_2, window_bounds = array<i64: 640, 16>}, {transform_indices = @transform_3, window_bounds = array<i64: 640, 16>}, {transform_indices = @transform_4, window_bounds = array<i64: 640, 16>}, {pipeline_mode = #tpu.pipeline_mode<synchronous>, transform_indices = @transform_5, window_bounds = array<i64: 128, 546>}, {pipeline_mode = #tpu.pipeline_mode<synchronous>, transform_indices = @transform_6, window_bounds = array<i64: 128, 546>}, {pipeline_mode = #tpu.pipeline_mode<synchronous>, transform_indices = @transform_7, window_bounds = array<i64: 16, 546>}, {pipeline_mode = #tpu.pipeline_mode<synchronous>, transform_indices = @transform_8, window_bounds = array<i64: 1, 546>}, {pipeline_mode = #tpu.pipeline_mode<synchronous>, transform_indices = @transform_9, window_bounds = array<i64: 1, 546>}, {pipeline_mode = #tpu.pipeline_mode<synchronous>, transform_indices = @transform_10, window_bounds = array<i64: 546, 16>}, {pipeline_mode = #tpu.pipeline_mode<synchronous>, transform_indices = @transform_11, window_bounds = array<i64: 1, 16>}, {pipeline_mode = #tpu.pipeline_mode<synchronous>, transform_indices = @transform_12, window_bounds = array<i64: 16, 64>}, {pipeline_mode = #tpu.pipeline_mode<synchronous>, transform_indices = @transform_13, window_bounds = array<i64: 1, 64>}, {pipeline_mode = #tpu.pipeline_mode<synchronous>, transform_indices = @transform_14, window_bounds = array<i64: 64, 1>}, {pipeline_mode = #tpu.pipeline_mode<synchronous>, transform_indices = @transform_15, window_bounds = array<i64: 1, 1>}, {transform_indices = @transform_16, window_bounds = array<i64: 640, 32>}]} {
    %get3A = arith.constant 0 : index
    %get3A_0 = arith.constant 0 : index
    %get3A_1 = vector.load %arg3[%get3A, %get3A_0] : memref<640x16xf32, #tpu.memory_space<vmem>>, vector<640x16xf32>
    %get3A_2 = arith.constant 0 : index
    %get3A_3 = arith.constant 0 : index
    %get3A_4 = vector.load %arg4[%get3A_2, %get3A_3] : memref<640x16xf32, #tpu.memory_space<vmem>>, vector<640x16xf32>
    %sub3A = arith.subf %get3A_1, %get3A_4 : vector<640x16xf32>
    %mul3A = arith.mulf %sub3A, %sub3A : vector<640x16xf32>
    %reduce_sum3A = arith.constant dense<0.000000e+00> : vector<640xf32>
    %reduce_sum3A_5 = vector.multi_reduction <add>, %mul3A, %reduce_sum3A [1] : vector<640x16xf32> to vector<640xf32>
    %broadcast_in_dim3A = vector.shape_cast %reduce_sum3A_5 : vector<640xf32> to vector<640x1xf32>
    %sqrt3A = math.sqrt %broadcast_in_dim3A : vector<640x1xf32>
    %get3A_6 = arith.constant 0 : index
    %get3A_7 = arith.constant 0 : index
    %get3A_8 = vector.load %arg2[%get3A_6, %get3A_7] : memref<640x128xf32, #tpu.memory_space<vmem>>, vector<640x128xf32>
    %convert_element_type3A = arith.truncf %get3A_8 : vector<640x128xf32> to vector<640x128xbf16>
    %get3A_9 = arith.constant 0 : index
    %get3A_10 = arith.constant 0 : index
    %get3A_11 = vector.load %arg6[%get3A_9, %get3A_10] : memref<128x546xbf16, #tpu.memory_space<vmem>>, vector<128x546xbf16>
    %dot_general3A = arith.constant dense<0.000000e+00> : vector<640x546xf32>
    %dot_general3A_12 = tpu.matmul %convert_element_type3A, %get3A_11, %dot_general3A {dimension_numbers = #tpu.dot_dimension_numbers<[1], [0], [0], [1], [0, 0, 1, 1], [], []>, transpose_lhs_hint = false} : vector<640x128xbf16>, vector<128x546xbf16>, vector<640x546xf32> -> vector<640x546xf32>
    %get3A_13 = arith.constant 0 : index
    %get3A_14 = arith.constant 0 : index
    %get3A_15 = vector.load %arg1[%get3A_13, %get3A_14] : memref<640x128xf32, #tpu.memory_space<vmem>>, vector<640x128xf32>
    %convert_element_type3A_16 = arith.truncf %get3A_15 : vector<640x128xf32> to vector<640x128xbf16>
    %get3A_17 = arith.constant 0 : index
    %get3A_18 = arith.constant 0 : index
    %get3A_19 = vector.load %arg7[%get3A_17, %get3A_18] : memref<128x546xbf16, #tpu.memory_space<vmem>>, vector<128x546xbf16>
    %dot_general3A_20 = arith.constant dense<0.000000e+00> : vector<640x546xf32>
    %dot_general3A_21 = tpu.matmul %convert_element_type3A_16, %get3A_19, %dot_general3A_20 {dimension_numbers = #tpu.dot_dimension_numbers<[1], [0], [0], [1], [0, 0, 1, 1], [], []>, transpose_lhs_hint = false} : vector<640x128xbf16>, vector<128x546xbf16>, vector<640x546xf32> -> vector<640x546xf32>
    %add3A = arith.addf %dot_general3A_12, %dot_general3A_21 : vector<640x546xf32>
    %get3A_22 = arith.constant 0 : index
    %get3A_23 = arith.constant 0 : index
    %get3A_24 = vector.load %arg5[%get3A_22, %get3A_23] : memref<640x16xf32, #tpu.memory_space<vmem>>, vector<640x16xf32>
    %get3A_25 = arith.constant 0 : index
    %get3A_26 = arith.constant 0 : index
    %get3A_27 = vector.load %arg8[%get3A_25, %get3A_26] : memref<16x546xf32, #tpu.memory_space<vmem>>, vector<16x546xf32>
    %dot_general3A_28 = arith.constant dense<0.000000e+00> : vector<640x546xf32>
    %dot_general3A_29 = tpu.matmul %get3A_24, %get3A_27, %dot_general3A_28 {dimension_numbers = #tpu.dot_dimension_numbers<[1], [0], [0], [1], [0, 0, 1, 1], [], []>, transpose_lhs_hint = false} : vector<640x16xf32>, vector<16x546xf32>, vector<640x546xf32> -> vector<640x546xf32>
    %add3A_30 = arith.addf %add3A, %dot_general3A_29 : vector<640x546xf32>
    %get3A_31 = arith.constant 0 : index
    %get3A_32 = arith.constant 0 : index
    %get3A_33 = vector.load %arg9[%get3A_31, %get3A_32] : memref<1x546xf32, #tpu.memory_space<vmem>>, vector<1x546xf32>
    %mul3A_34 = vector.broadcast %sqrt3A : vector<640x1xf32> to vector<640x546xf32>
    %mul3A_35 = vector.broadcast %get3A_33 : vector<1x546xf32> to vector<640x546xf32>
    %mul3A_36 = arith.mulf %mul3A_34, %mul3A_35 : vector<640x546xf32>
    %add3A_37 = arith.addf %add3A_30, %mul3A_36 : vector<640x546xf32>
    %get3A_38 = arith.constant 0 : index
    %get3A_39 = arith.constant 0 : index
    %get3A_40 = vector.load %arg10[%get3A_38, %get3A_39] : memref<1x546xf32, #tpu.memory_space<vmem>>, vector<1x546xf32>
    %add3A_41 = vector.broadcast %get3A_40 : vector<1x546xf32> to vector<640x546xf32>
    %add3A_42 = arith.addf %add3A_37, %add3A_41 : vector<640x546xf32>
    %logistic3A = arith.negf %add3A_42 : vector<640x546xf32>
    %logistic3A_43 = math.exp %logistic3A : vector<640x546xf32>
    %logistic3A_44 = arith.constant 1.000000e+00 : f32
    %logistic3A_45 = vector.broadcast %logistic3A_44 : f32 to vector<640x546xf32>
    %logistic3A_46 = arith.addf %logistic3A_45, %logistic3A_43 : vector<640x546xf32>
    %logistic3A_47 = arith.divf %logistic3A_45, %logistic3A_46 : vector<640x546xf32>
    %mul3A_48 = arith.mulf %add3A_42, %logistic3A_47 : vector<640x546xf32>
    %convert_element_type3A_49 = arith.truncf %mul3A_48 : vector<640x546xf32> to vector<640x546xbf16>
    %get3A_50 = arith.constant 0 : index
    %get3A_51 = arith.constant 0 : index
    %get3A_52 = vector.load %arg11[%get3A_50, %get3A_51] : memref<546x16xbf16, #tpu.memory_space<vmem>>, vector<546x16xbf16>
    %dot_general3A_53 = arith.constant dense<0.000000e+00> : vector<640x16xf32>
    %dot_general3A_54 = tpu.matmul %convert_element_type3A_49, %get3A_52, %dot_general3A_53 {dimension_numbers = #tpu.dot_dimension_numbers<[1], [0], [0], [1], [0, 0, 1, 1], [], []>, transpose_lhs_hint = false} : vector<640x546xbf16>, vector<546x16xbf16>, vector<640x16xf32> -> vector<640x16xf32>
    %get3A_55 = arith.constant 0 : index
    %get3A_56 = arith.constant 0 : index
    %get3A_57 = vector.load %arg12[%get3A_55, %get3A_56] : memref<1x16xf32, #tpu.memory_space<vmem>>, vector<1x16xf32>
    %add3A_58 = vector.broadcast %get3A_57 : vector<1x16xf32> to vector<640x16xf32>
    %add3A_59 = arith.addf %dot_general3A_54, %add3A_58 : vector<640x16xf32>
    %logistic3A_60 = arith.negf %add3A_59 : vector<640x16xf32>
    %logistic3A_61 = math.exp %logistic3A_60 : vector<640x16xf32>
    %logistic3A_62 = arith.constant 1.000000e+00 : f32
    %logistic3A_63 = vector.broadcast %logistic3A_62 : f32 to vector<640x16xf32>
    %logistic3A_64 = arith.addf %logistic3A_63, %logistic3A_61 : vector<640x16xf32>
    %logistic3A_65 = arith.divf %logistic3A_63, %logistic3A_64 : vector<640x16xf32>
    %mul3A_66 = arith.mulf %add3A_59, %logistic3A_65 : vector<640x16xf32>
    %get3A_67 = arith.constant 0 : index
    %get3A_68 = arith.constant 0 : index
    %get3A_69 = vector.load %arg13[%get3A_67, %get3A_68] : memref<16x64xf32, #tpu.memory_space<vmem>>, vector<16x64xf32>
    %dot_general3A_70 = arith.constant dense<0.000000e+00> : vector<640x64xf32>
    %dot_general3A_71 = tpu.matmul %mul3A_66, %get3A_69, %dot_general3A_70 {dimension_numbers = #tpu.dot_dimension_numbers<[1], [0], [0], [1], [0, 0, 1, 1], [], []>, transpose_lhs_hint = false} : vector<640x16xf32>, vector<16x64xf32>, vector<640x64xf32> -> vector<640x64xf32>
    %get3A_72 = arith.constant 0 : index
    %get3A_73 = arith.constant 0 : index
    %get3A_74 = vector.load %arg14[%get3A_72, %get3A_73] : memref<1x64xf32, #tpu.memory_space<vmem>>, vector<1x64xf32>
    %add3A_75 = vector.broadcast %get3A_74 : vector<1x64xf32> to vector<640x64xf32>
    %add3A_76 = arith.addf %dot_general3A_71, %add3A_75 : vector<640x64xf32>
    %logistic3A_77 = arith.negf %add3A_76 : vector<640x64xf32>
    %logistic3A_78 = math.exp %logistic3A_77 : vector<640x64xf32>
    %logistic3A_79 = arith.constant 1.000000e+00 : f32
    %logistic3A_80 = vector.broadcast %logistic3A_79 : f32 to vector<640x64xf32>
    %logistic3A_81 = arith.addf %logistic3A_80, %logistic3A_78 : vector<640x64xf32>
    %logistic3A_82 = arith.divf %logistic3A_80, %logistic3A_81 : vector<640x64xf32>
    %mul3A_83 = arith.mulf %add3A_76, %logistic3A_82 : vector<640x64xf32>
    %get3A_84 = arith.constant 0 : index
    %get3A_85 = arith.constant 0 : index
    %get3A_86 = vector.load %arg15[%get3A_84, %get3A_85] : memref<64x1xf32, #tpu.memory_space<vmem>>, vector<64x1xf32>
    %dot_general3A_87 = arith.constant dense<0.000000e+00> : vector<640x1xf32>
    %dot_general3A_88 = tpu.matmul %mul3A_83, %get3A_86, %dot_general3A_87 {dimension_numbers = #tpu.dot_dimension_numbers<[1], [0], [0], [1], [0, 0, 1, 1], [], []>, transpose_lhs_hint = false} : vector<640x64xf32>, vector<64x1xf32>, vector<640x1xf32> -> vector<640x1xf32>
    %get3A_89 = arith.constant 0 : index
    %get3A_90 = arith.constant 0 : index
    %get3A_91 = vector.load %arg16[%get3A_89, %get3A_90] : memref<1x1xf32, #tpu.memory_space<vmem>>, vector<1x1xf32>
    %add3A_92 = vector.broadcast %get3A_91 : vector<1x1xf32> to vector<640x1xf32>
    %add3A_93 = arith.addf %dot_general3A_88, %add3A_92 : vector<640x1xf32>
    %slice3A = vector.extract_strided_slice %sub3A {offsets = [0, 0], sizes = [640, 3], strides = [1, 1]} : vector<640x16xf32> to vector<640x3xf32>
    %broadcast_in_dim3A_94 = arith.constant 0.000000e+00 : f32
    %broadcast_in_dim3A_95 = vector.broadcast %broadcast_in_dim3A_94 : f32 to vector<640x12xf32>
    %concatenate3A = tpu.concatenate %mul3A_66, %add3A_93, %slice3A, %broadcast_in_dim3A_95 in 1 : vector<640x16xf32>, vector<640x1xf32>, vector<640x3xf32>, vector<640x12xf32> -> vector<640x32xf32>
    %mul3A_96 = arith.constant 640 : i32
    %mul3A_97 = arith.muli %arg0, %mul3A_96 : i32
    %iota3A = tpu.iota {dimensions = array<i32: 0>} : vector<640x1xi32>
    %add3A_98 = vector.broadcast %mul3A_97 : i32 to vector<640x1xi32>
    %add3A_99 = arith.addi %add3A_98, %iota3A : vector<640x1xi32>
    %lt3A = arith.constant 160000 : i32
    %lt3A_100 = vector.broadcast %lt3A : i32 to vector<640x1xi32>
    %lt3A_101 = arith.cmpi slt, %add3A_99, %lt3A_100 : vector<640x1xi32>
    %jit3A = arith.constant 0.000000e+00 : f32
    %broadcast_in_dim3A_102 = vector.shape_cast %lt3A_101 : vector<640x1xi1> to vector<640x1xi1>
    %broadcast_in_dim3A_103 = vector.broadcast %broadcast_in_dim3A_102 : vector<640x1xi1> to vector<640x32xi1>
    %broadcast_in_dim3A_104 = vector.broadcast %jit3A : f32 to vector<640x32xf32>
    %select_n3A = arith.select %broadcast_in_dim3A_103, %concatenate3A, %broadcast_in_dim3A_104 : vector<640x32xi1>, vector<640x32xf32>
    %swap3A = arith.constant 0 : index
    %swap3A_105 = arith.constant 0 : index
    %swap3A_106 = vector.load %arg17[%swap3A, %swap3A_105] : memref<640x32xf32, #tpu.memory_space<vmem>>, vector<640x32xf32>
    tpu.vector_store %arg17[%swap3A, %swap3A_105], %select_n3A {strides = array<i32>} : memref<640x32xf32, #tpu.memory_space<vmem>>, vector<640x32xf32>,
    return
  }
  func.func @transform_0(%arg0: i32) -> (i32, i32) {
    %c0_i32 = arith.constant 0 : i32
    %c0_i32_0 = arith.constant 0 : i32
    return %arg0, %c0_i32 : i32, i32
  }
  func.func @transform_1(%arg0: i32) -> (i32, i32) {
    %c0_i32 = arith.constant 0 : i32
    %c0_i32_0 = arith.constant 0 : i32
    return %arg0, %c0_i32 : i32, i32
  }
  func.func @transform_2(%arg0: i32) -> (i32, i32) {
    %c0_i32 = arith.constant 0 : i32
    %c0_i32_0 = arith.constant 0 : i32
    return %arg0, %c0_i32 : i32, i32
  }
  func.func @transform_3(%arg0: i32) -> (i32, i32) {
    %c0_i32 = arith.constant 0 : i32
    %c0_i32_0 = arith.constant 0 : i32
    return %arg0, %c0_i32 : i32, i32
  }
  func.func @transform_4(%arg0: i32) -> (i32, i32) {
    %c0_i32 = arith.constant 0 : i32
    %c0_i32_0 = arith.constant 0 : i32
    return %arg0, %c0_i32 : i32, i32
  }
  func.func @transform_5(%arg0: i32) -> (i32, i32) {
    %c0_i32 = arith.constant 0 : i32
    %c0_i32_0 = arith.constant 0 : i32
    %c0_i32_1 = arith.constant 0 : i32
    return %c0_i32, %c0_i32_0 : i32, i32
  }
  func.func @transform_6(%arg0: i32) -> (i32, i32) {
    %c0_i32 = arith.constant 0 : i32
    %c0_i32_0 = arith.constant 0 : i32
    %c0_i32_1 = arith.constant 0 : i32
    return %c0_i32, %c0_i32_0 : i32, i32
  }
  func.func @transform_7(%arg0: i32) -> (i32, i32) {
    %c0_i32 = arith.constant 0 : i32
    %c0_i32_0 = arith.constant 0 : i32
    %c0_i32_1 = arith.constant 0 : i32
    return %c0_i32, %c0_i32_0 : i32, i32
  }
  func.func @transform_8(%arg0: i32) -> (i32, i32) {
    %c0_i32 = arith.constant 0 : i32
    %c0_i32_0 = arith.constant 0 : i32
    %c0_i32_1 = arith.constant 0 : i32
    return %c0_i32, %c0_i32_0 : i32, i32
  }
  func.func @transform_9(%arg0: i32) -> (i32, i32) {
    %c0_i32 = arith.constant 0 : i32
    %c0_i32_0 = arith.constant 0 : i32
    %c0_i32_1 = arith.constant 0 : i32
    return %c0_i32, %c0_i32_0 : i32, i32
  }
  func.func @transform_10(%arg0: i32) -> (i32, i32) {
    %c0_i32 = arith.constant 0 : i32
    %c0_i32_0 = arith.constant 0 : i32
    %c0_i32_1 = arith.constant 0 : i32
    return %c0_i32, %c0_i32_0 : i32, i32
  }
  func.func @transform_11(%arg0: i32) -> (i32, i32) {
    %c0_i32 = arith.constant 0 : i32
    %c0_i32_0 = arith.constant 0 : i32
    %c0_i32_1 = arith.constant 0 : i32
    return %c0_i32, %c0_i32_0 : i32, i32
  }
  func.func @transform_12(%arg0: i32) -> (i32, i32) {
    %c0_i32 = arith.constant 0 : i32
    %c0_i32_0 = arith.constant 0 : i32
    %c0_i32_1 = arith.constant 0 : i32
    return %c0_i32, %c0_i32_0 : i32, i32
  }
  func.func @transform_13(%arg0: i32) -> (i32, i32) {
    %c0_i32 = arith.constant 0 : i32
    %c0_i32_0 = arith.constant 0 : i32
    %c0_i32_1 = arith.constant 0 : i32
    return %c0_i32, %c0_i32_0 : i32, i32
  }
  func.func @transform_14(%arg0: i32) -> (i32, i32) {
    %c0_i32 = arith.constant 0 : i32
    %c0_i32_0 = arith.constant 0 : i32
    %c0_i32_1 = arith.constant 0 : i32
    return %c0_i32, %c0_i32_0 : i32, i32
  }
  func.func @transform_15(%arg0: i32) -> (i32, i32) {
    %c0_i32 = arith.constant 0 : i32
    %c0_i32_0 = arith.constant 0 : i32
    %c0_i32_1 = arith.constant 0 : i32
    return %c0_i32, %c0_i32_0 : i32, i32
  }
  func.func @transform_16(%arg0: i32) -> (i32, i32) {
    %c0_i32 = arith.constant 0 : i32
    %c0_i32_0 = arith.constant 0 : i32
    return %arg0, %c0_i32 : i32, i32
  }
}

module attributes {stable_mosaic.version = 14 : i64} {
  func.func @_node_body(%arg0: i32, %arg1: memref<1000x128xf32, #tpu.memory_space<vmem>>, %arg2: memref<1000x16xf32, #tpu.memory_space<vmem>>, %arg3: memref<1000x32xf32, #tpu.memory_space<vmem>>, %arg4: memref<1000x32xf32, #tpu.memory_space<vmem>>, %arg5: memref<128x256xf32, #tpu.memory_space<vmem>>, %arg6: memref<16x256xf32, #tpu.memory_space<vmem>>, %arg7: memref<1x256xf32, #tpu.memory_space<vmem>>, %arg8: memref<256x128xf32, #tpu.memory_space<vmem>>, %arg9: memref<1x128xf32, #tpu.memory_space<vmem>>, %arg10: memref<1x1xf32, #tpu.memory_space<vmem>>, %arg11: memref<1000x16xf32, #tpu.memory_space<vmem>>, %arg12: memref<1000x128xf32, #tpu.memory_space<vmem>>) attributes {dimension_semantics = [#tpu.dimension_semantics<arbitrary>], iteration_bounds = array<i64: 10>, scalar_prefetch = 0 : i64, scratch_operands = 0 : i64, tpu.core_type = #tpu.core_type<tc>, window_params = [{transform_indices = @transform_0, window_bounds = array<i64: 1000, 128>}, {transform_indices = @transform_1, window_bounds = array<i64: 1000, 16>}, {transform_indices = @transform_2, window_bounds = array<i64: 1000, 32>}, {transform_indices = @transform_3, window_bounds = array<i64: 1000, 32>}, {pipeline_mode = #tpu.pipeline_mode<synchronous>, transform_indices = @transform_4, window_bounds = array<i64: 128, 256>}, {pipeline_mode = #tpu.pipeline_mode<synchronous>, transform_indices = @transform_5, window_bounds = array<i64: 16, 256>}, {pipeline_mode = #tpu.pipeline_mode<synchronous>, transform_indices = @transform_6, window_bounds = array<i64: 1, 256>}, {pipeline_mode = #tpu.pipeline_mode<synchronous>, transform_indices = @transform_7, window_bounds = array<i64: 256, 128>}, {pipeline_mode = #tpu.pipeline_mode<synchronous>, transform_indices = @transform_8, window_bounds = array<i64: 1, 128>}, {pipeline_mode = #tpu.pipeline_mode<synchronous>, transform_indices = @transform_9, window_bounds = array<i64: 1, 1>}, {transform_indices = @transform_10, window_bounds = array<i64: 1000, 16>}, {transform_indices = @transform_11, window_bounds = array<i64: 1000, 128>}]} {
    %get3A = arith.constant 0 : index
    %get3A_0 = arith.constant 0 : index
    %get3A_1 = vector.load %arg3[%get3A, %get3A_0] : memref<1000x32xf32, #tpu.memory_space<vmem>>, vector<1000x16xf32>
    %get3A_2 = arith.constant 0 : index
    %get3A_3 = arith.constant 0 : index
    %get3A_4 = vector.load %arg4[%get3A_2, %get3A_3] : memref<1000x32xf32, #tpu.memory_space<vmem>>, vector<1000x16xf32>
    %add3A = arith.addf %get3A_1, %get3A_4 : vector<1000x16xf32>
    %get3A_5 = arith.constant 0 : index
    %get3A_6 = arith.constant 16 : index
    %get3A_7 = vector.load %arg3[%get3A_5, %get3A_6] : memref<1000x32xf32, #tpu.memory_space<vmem>>, vector<1000x1xf32>
    %get3A_8 = arith.constant 0 : index
    %get3A_9 = arith.constant 16 : index
    %get3A_10 = vector.load %arg4[%get3A_8, %get3A_9] : memref<1000x32xf32, #tpu.memory_space<vmem>>, vector<1000x1xf32>
    %add3A_11 = arith.addf %get3A_7, %get3A_10 : vector<1000x1xf32>
    %get3A_12 = arith.constant 0 : index
    %get3A_13 = arith.constant 17 : index
    %get3A_14 = vector.load %arg3[%get3A_12, %get3A_13] : memref<1000x32xf32, #tpu.memory_space<vmem>>, vector<1000x3xf32>
    %get3A_15 = arith.constant 0 : index
    %get3A_16 = arith.constant 17 : index
    %get3A_17 = vector.load %arg4[%get3A_15, %get3A_16] : memref<1000x32xf32, #tpu.memory_space<vmem>>, vector<1000x3xf32>
    %add3A_18 = arith.addf %get3A_14, %get3A_17 : vector<1000x3xf32>
    %tanh3A = math.tanh %add3A_11 : vector<1000x1xf32>
    %mul3A = arith.mulf %add3A_18, %add3A_18 : vector<1000x3xf32>
    %reduce_sum3A = arith.constant dense<0.000000e+00> : vector<1000xf32>
    %reduce_sum3A_19 = vector.multi_reduction <add>, %mul3A, %reduce_sum3A [1] : vector<1000x3xf32> to vector<1000xf32>
    %broadcast_in_dim3A = vector.shape_cast %reduce_sum3A_19 : vector<1000xf32> to vector<1000x1xf32>
    %sqrt3A = math.sqrt %broadcast_in_dim3A : vector<1000x1xf32>
    %max3A = arith.constant 9.99999996E-13 : f32
    %max3A_20 = vector.broadcast %max3A : f32 to vector<1000x1xf32>
    %max3A_21 = arith.maximumf %sqrt3A, %max3A_20 : vector<1000x1xf32>
    %div3A = vector.broadcast %max3A_21 : vector<1000x1xf32> to vector<1000x3xf32>
    %div3A_22 = arith.divf %add3A_18, %div3A : vector<1000x3xf32>
    %get3A_23 = arith.constant 0 : index
    %get3A_24 = arith.constant 0 : index
    %get3A_25 = vector.load %arg10[%get3A_23, %get3A_24] : memref<1x1xf32, #tpu.memory_space<vmem>>, vector<1x1xf32>
    %get3A_26 = vector.extract %get3A_25[0, 0] : f32 from vector<1x1xf32>
    %mul3A_27 = vector.broadcast %get3A_26 : f32 to vector<1000x3xf32>
    %mul3A_28 = arith.mulf %div3A_22, %mul3A_27 : vector<1000x3xf32>
    %mul3A_29 = vector.broadcast %tanh3A : vector<1000x1xf32> to vector<1000x3xf32>
    %mul3A_30 = arith.mulf %mul3A_29, %mul3A_28 : vector<1000x3xf32>
    %broadcast_in_dim3A_31 = arith.constant 0.000000e+00 : f32
    %broadcast_in_dim3A_32 = vector.broadcast %broadcast_in_dim3A_31 : f32 to vector<1000x13xf32>
    %concatenate3A = tpu.concatenate %mul3A_30, %broadcast_in_dim3A_32 in 1 : vector<1000x3xf32>, vector<1000x13xf32> -> vector<1000x16xf32>
    %get3A_33 = arith.constant 0 : index
    %get3A_34 = arith.constant 0 : index
    %get3A_35 = vector.load %arg2[%get3A_33, %get3A_34] : memref<1000x16xf32, #tpu.memory_space<vmem>>, vector<1000x16xf32>
    %add3A_36 = arith.addf %get3A_35, %concatenate3A : vector<1000x16xf32>
    %swap3A = arith.constant 0 : index
    %swap3A_37 = arith.constant 0 : index
    %swap3A_38 = vector.load %arg11[%swap3A, %swap3A_37] : memref<1000x16xf32, #tpu.memory_space<vmem>>, vector<1000x16xf32>
    tpu.vector_store %arg11[%swap3A, %swap3A_37], %add3A_36 {strides = array<i32>} : memref<1000x16xf32, #tpu.memory_space<vmem>>, vector<1000x16xf32>,
    %get3A_39 = arith.constant 0 : index
    %get3A_40 = arith.constant 0 : index
    %get3A_41 = vector.load %arg1[%get3A_39, %get3A_40] : memref<1000x128xf32, #tpu.memory_space<vmem>>, vector<1000x128xf32>
    %get3A_42 = arith.constant 0 : index
    %get3A_43 = arith.constant 0 : index
    %get3A_44 = vector.load %arg5[%get3A_42, %get3A_43] : memref<128x256xf32, #tpu.memory_space<vmem>>, vector<128x256xf32>
    %dot_general3A = arith.constant dense<0.000000e+00> : vector<1000x256xf32>
    %dot_general3A_45 = tpu.matmul %get3A_41, %get3A_44, %dot_general3A {dimension_numbers = #tpu.dot_dimension_numbers<[1], [0], [0], [1], [0, 0, 1, 1], [], []>, transpose_lhs_hint = false} : vector<1000x128xf32>, vector<128x256xf32>, vector<1000x256xf32> -> vector<1000x256xf32>
    %get3A_46 = arith.constant 0 : index
    %get3A_47 = arith.constant 0 : index
    %get3A_48 = vector.load %arg6[%get3A_46, %get3A_47] : memref<16x256xf32, #tpu.memory_space<vmem>>, vector<16x256xf32>
    %dot_general3A_49 = arith.constant dense<0.000000e+00> : vector<1000x256xf32>
    %dot_general3A_50 = tpu.matmul %add3A, %get3A_48, %dot_general3A_49 {dimension_numbers = #tpu.dot_dimension_numbers<[1], [0], [0], [1], [0, 0, 1, 1], [], []>, transpose_lhs_hint = false} : vector<1000x16xf32>, vector<16x256xf32>, vector<1000x256xf32> -> vector<1000x256xf32>
    %add3A_51 = arith.addf %dot_general3A_45, %dot_general3A_50 : vector<1000x256xf32>
    %get3A_52 = arith.constant 0 : index
    %get3A_53 = arith.constant 0 : index
    %get3A_54 = vector.load %arg7[%get3A_52, %get3A_53] : memref<1x256xf32, #tpu.memory_space<vmem>>, vector<1x256xf32>
    %add3A_55 = vector.broadcast %get3A_54 : vector<1x256xf32> to vector<1000x256xf32>
    %add3A_56 = arith.addf %add3A_51, %add3A_55 : vector<1000x256xf32>
    %logistic3A = arith.negf %add3A_56 : vector<1000x256xf32>
    %logistic3A_57 = math.exp %logistic3A : vector<1000x256xf32>
    %logistic3A_58 = arith.constant 1.000000e+00 : f32
    %logistic3A_59 = vector.broadcast %logistic3A_58 : f32 to vector<1000x256xf32>
    %logistic3A_60 = arith.addf %logistic3A_59, %logistic3A_57 : vector<1000x256xf32>
    %logistic3A_61 = arith.divf %logistic3A_59, %logistic3A_60 : vector<1000x256xf32>
    %mul3A_62 = arith.mulf %add3A_56, %logistic3A_61 : vector<1000x256xf32>
    %get3A_63 = arith.constant 0 : index
    %get3A_64 = arith.constant 0 : index
    %get3A_65 = vector.load %arg8[%get3A_63, %get3A_64] : memref<256x128xf32, #tpu.memory_space<vmem>>, vector<256x128xf32>
    %dot_general3A_66 = arith.constant dense<0.000000e+00> : vector<1000x128xf32>
    %dot_general3A_67 = tpu.matmul %mul3A_62, %get3A_65, %dot_general3A_66 {dimension_numbers = #tpu.dot_dimension_numbers<[1], [0], [0], [1], [0, 0, 1, 1], [], []>, transpose_lhs_hint = false} : vector<1000x256xf32>, vector<256x128xf32>, vector<1000x128xf32> -> vector<1000x128xf32>
    %get3A_68 = arith.constant 0 : index
    %get3A_69 = arith.constant 0 : index
    %get3A_70 = vector.load %arg9[%get3A_68, %get3A_69] : memref<1x128xf32, #tpu.memory_space<vmem>>, vector<1x128xf32>
    %add3A_71 = vector.broadcast %get3A_70 : vector<1x128xf32> to vector<1000x128xf32>
    %add3A_72 = arith.addf %dot_general3A_67, %add3A_71 : vector<1000x128xf32>
    %get3A_73 = arith.constant 0 : index
    %get3A_74 = arith.constant 0 : index
    %get3A_75 = vector.load %arg1[%get3A_73, %get3A_74] : memref<1000x128xf32, #tpu.memory_space<vmem>>, vector<1000x128xf32>
    %add3A_76 = arith.addf %add3A_72, %get3A_75 : vector<1000x128xf32>
    %swap3A_77 = arith.constant 0 : index
    %swap3A_78 = arith.constant 0 : index
    %swap3A_79 = vector.load %arg12[%swap3A_77, %swap3A_78] : memref<1000x128xf32, #tpu.memory_space<vmem>>, vector<1000x128xf32>
    tpu.vector_store %arg12[%swap3A_77, %swap3A_78], %add3A_76 {strides = array<i32>} : memref<1000x128xf32, #tpu.memory_space<vmem>>, vector<1000x128xf32>,
    return
  }
  func.func @transform_0(%arg0: i32) -> (i32, i32) {
    %c0_i32 = arith.constant 0 : i32
    %c0_i32_0 = arith.constant 0 : i32
    return %arg0, %c0_i32 : i32, i32
  }
  func.func @transform_1(%arg0: i32) -> (i32, i32) {
    %c0_i32 = arith.constant 0 : i32
    %c0_i32_0 = arith.constant 0 : i32
    return %arg0, %c0_i32 : i32, i32
  }
  func.func @transform_2(%arg0: i32) -> (i32, i32) {
    %c0_i32 = arith.constant 0 : i32
    %c0_i32_0 = arith.constant 0 : i32
    return %arg0, %c0_i32 : i32, i32
  }
  func.func @transform_3(%arg0: i32) -> (i32, i32) {
    %c0_i32 = arith.constant 0 : i32
    %c0_i32_0 = arith.constant 0 : i32
    return %arg0, %c0_i32 : i32, i32
  }
  func.func @transform_4(%arg0: i32) -> (i32, i32) {
    %c0_i32 = arith.constant 0 : i32
    %c0_i32_0 = arith.constant 0 : i32
    %c0_i32_1 = arith.constant 0 : i32
    return %c0_i32, %c0_i32_0 : i32, i32
  }
  func.func @transform_5(%arg0: i32) -> (i32, i32) {
    %c0_i32 = arith.constant 0 : i32
    %c0_i32_0 = arith.constant 0 : i32
    %c0_i32_1 = arith.constant 0 : i32
    return %c0_i32, %c0_i32_0 : i32, i32
  }
  func.func @transform_6(%arg0: i32) -> (i32, i32) {
    %c0_i32 = arith.constant 0 : i32
    %c0_i32_0 = arith.constant 0 : i32
    %c0_i32_1 = arith.constant 0 : i32
    return %c0_i32, %c0_i32_0 : i32, i32
  }
  func.func @transform_7(%arg0: i32) -> (i32, i32) {
    %c0_i32 = arith.constant 0 : i32
    %c0_i32_0 = arith.constant 0 : i32
    %c0_i32_1 = arith.constant 0 : i32
    return %c0_i32, %c0_i32_0 : i32, i32
  }
  func.func @transform_8(%arg0: i32) -> (i32, i32) {
    %c0_i32 = arith.constant 0 : i32
    %c0_i32_0 = arith.constant 0 : i32
    %c0_i32_1 = arith.constant 0 : i32
    return %c0_i32, %c0_i32_0 : i32, i32
  }
  func.func @transform_9(%arg0: i32) -> (i32, i32) {
    %c0_i32 = arith.constant 0 : i32
    %c0_i32_0 = arith.constant 0 : i32
    %c0_i32_1 = arith.constant 0 : i32
    return %c0_i32, %c0_i32_0 : i32, i32
  }
  func.func @transform_10(%arg0: i32) -> (i32, i32) {
    %c0_i32 = arith.constant 0 : i32
    %c0_i32_0 = arith.constant 0 : i32
    return %arg0, %c0_i32 : i32, i32
  }
  func.func @transform_11(%arg0: i32) -> (i32, i32) {
    %c0_i32 = arith.constant 0 : i32
    %c0_i32_0 = arith.constant 0 : i32
    return %arg0, %c0_i32 : i32, i32
  }
}

</mosaic_0001>

<sc_bundles>
// kernel: kernel.10.cloned.1.call-start
scs
__scs_entry_jumppad:
0x0: {  	(pc) =	sbr.rel $0x88, $3  }
0x1: {  	(tag) =	ssettag $0x0;
	lr =	simm.s32 $0x1  }
0x2: {  	[smem:$0x3F91] =	sst lr;
	_ =	strace $0xD0000000  }
0x3: {  	_ = 	snop  }
0x4: {  	_ = 	snop  }
0x5: {  	_ = 	snop  }
0x6: {  	_ = 	snop  }
0x7: {  	_ = 	snop  }
__scs_overlays_trampoline_lowered:
0x8: {  	[smem:$0x3FA0] =	sst s0  }
0x9: {  	[smem:$0x3FA1] =	sst s1  }
0xa: {  	[smem:$0x3FA2] =	sst s2  }
0xb: {  	[smem:$0x3FA3] =	sst s3  }
0xc: {  	[smem:$0x3FA4] =	sst s4  }
0xd: {  	[smem:$0x3FA5] =	sst s5  }
0xe: {  	[smem:$0x3FA6] =	sst s6  }
0xf: {  	[smem:$0x3FA7] =	sst s7  }
0x10: {  	[smem:$0x3FA8] =	sst s8  }
0x11: {  	[smem:$0x3FA9] =	sst s9;
	s0 =	simm.s32 @!p0 $0x0  }
0x12: {  	s1 =	sld [smem:$0x3F8F];
	s0 =	simm.s32 @p0 $0x1  }
0x13: {  	[smem:$0x3FAA] =	sst s0;
	s0 =	simm.s32 @!p1 $0x0  }
0x14: {  	s2 =	sld [smem:$0x3F8E];
	s0 =	simm.s32 @p1 $0x1  }
0x15: {  	[smem:$0x3FAB] =	sst s0;
	s0 =	simm.s32 @!p2 $0x0  }
0x16: {  	s3 =	sld [smem:$0x3FDB];
	s0 =	simm.s32 @p2 $0x1  }
0x17: {  	s4 =	simm.s32 $0x1BF5;
	[smem:$0x3FAD] =	sst s0  }
0x18: {  	s0 =	sld [smem:$0x3F90];
	_ =	swait.ge [sflag:s4], $0x0  }
0x19: {  	s7 =	sld [smem:$0x3F91]  }
0x1a: {  	s8 =	sadd.s32 $0xFFFFE003, lr  }
0x1b: {  	s9 =	sadd.s32 $0xFFFFFEF7, lr;
	s5 =	simm.s32 $0xFFFFFFFF;
	p2 =	slt.u32 s8, $0xFFFFF086  }
0x1c: {  	p1 =	slt.u32 s9, $0xF7A;
	s5 =	simm.s32 @!p2 $0x0  }
0x1d: {  	s5 =	simm.s32 @p1 $0x1;
	p0 =	seq.s32 s7, s2  }
0x1e: {  	s7 =	smul.u32 @!p0 $0xF7A, s2;
	p2 =	seq.s32 @!p0 s5, $0x0  }
0x1f: {  	s9 =	smul.u32 $0xF7A, s1;
	s8 =	simm.s32 @!p0 $0x1BF5;
	p2 =	por !p2, p0  }
0x20: {  	[sflag:s8] =	ssyncset.s32 @!p0 $0xFFFFF086;
	s6 =	sadd.s32 @!p0 s3, s7;
	s7 =	simm.s32 @!p0 $0x108  }
0x21: {  	s3 =	sadd.s32 s3, s9;
	s6 =	sadd.s32 @!p0 $0x88, s6;
	s7 =	simm.s32 @p2 $0x1082  }
0x22: {  	[simem:s7], [sflag:s8] =	dma.local @!p0 [hbm:s6], $0xF7A  }
0x23: {  	s9 =	sor.u32 $0xD0000000, s2;
	s6 =	simm.s32 $0x108;
	_ =	swait.ge @!p0 [sflag:s8], $0x0  }
0x24: {  	s3 =	sadd.s32 $0x88, s3;
	s6 =	simm.s32 @!p1 $0x1082;
	[sflag:s4] =	ssyncset.s32 $0xFFFFF086  }
0x25: {  	[simem:s6], [sflag:s4] =	dma.local [hbm:s3], $0xF7A  }
0x26: {  	[smem:$0x3F91] =	sst s1;
	(tag) =	ssettag s2;
	_ =	strace s9  }
0x27: {  	s1 =	sld [smem:$0x3FA1]  }
0x28: {  	s2 =	sld [smem:$0x3FA2]  }
0x29: {  	s4 =	sld [smem:$0x3FA4]  }
0x2a: {  	p0 =	seq.s32 s5, $0x0;
	s5 =	sld [smem:$0x3FA5]  }
0x2b: {  	s6 =	sld [smem:$0x3FA6]  }
0x2c: {  	s7 =	sld [smem:$0x3FA7]  }
0x2d: {  	s3 =	simm.s32 $0x108;
	s8 =	sld [smem:$0x3FA8]  }
0x2e: {  	s3 =	simm.s32 @!p0 $0x1082;
	s9 =	sld [smem:$0x3FA9]  }
0x2f: {  	lr =	sadd.s32 s0, s3;
	s0 =	sld [smem:$0x3FA0]  }
0x30: {  	s3 =	sld [smem:$0x3FA3]  }
0x31: {  	[smem:$0x3FAC] =	sst s10  }
0x32: {  	s10 =	sld [smem:$0x3FAA];
	_ =	sdelay $0x3  }
0x33: {  	p0 =	seq.s32 s10, $0x1;
	s10 =	sld [smem:$0x3FAC];
	_ =	sdelay $0x3  }
0x34: {  	[smem:$0x3FAC] =	sst s10  }
0x35: {  	s10 =	sld [smem:$0x3FAB];
	_ =	sdelay $0x3  }
0x36: {  	p1 =	seq.s32 s10, $0x1;
	s10 =	sld [smem:$0x3FAC];
	_ =	sdelay $0x3  }
0x37: {  	[smem:$0x3FAC] =	sst s10  }
0x38: {  	s10 =	sld [smem:$0x3FAD]  }
0x39: {  	_ = 	snop;
	(pc) =	sbr.ind lr, $3  }
0x3a: {  	_ = 	snop  }
0x3b: {  	_ = 	snop  }
0x3c: {  	p2 =	seq.s32 s10, $0x1;
	s10 =	sld [smem:$0x3FAC]  }
0x3d: {  	_ =	shalt  }
0x3e: {  	_ =	shalt  }
0x3f: {  	_ =	shalt  }
0x40: {  	_ =	shalt  }
0x41: {  	_ =	shalt  }
0x42: {  	_ =	shalt  }
0x43: {  	_ =	shalt  }
0x44: {  	_ =	shalt  }
0x45: {  	_ =	shalt  }
0x46: {  	_ =	shalt  }
0x47: {  	_ =	shalt  }
0x48: {  	_ =	shalt  }
0x49: {  	_ =	shalt  }
0x4a: {  	_ =	shalt  }
0x4b: {  	_ =	shalt  }
0x4c: {  	_ =	shalt  }
0x4d: {  	_ =	shalt  }
0x4e: {  	_ =	shalt  }
0x4f: {  	_ =	shalt  }
0x50: {  	_ =	shalt  }
0x51: {  	_ =	shalt  }
0x52: {  	_ =	shalt  }
0x53: {  	_ =	shalt  }
0x54: {  	_ =	shalt  }
0x55: {  	_ =	shalt  }
0x56: {  	_ =	shalt  }
0x57: {  	_ =	shalt  }
0x58: {  	_ =	shalt  }
0x59: {  	_ =	shalt  }
0x5a: {  	_ =	shalt  }
0x5b: {  	_ =	shalt  }
0x5c: {  	_ =	shalt  }
0x5d: {  	_ =	shalt  }
0x5e: {  	_ =	shalt  }
0x5f: {  	_ =	shalt  }
0x60: {  	_ =	shalt  }
0x61: {  	_ =	shalt  }
0x62: {  	_ =	shalt  }
0x63: {  	_ =	shalt  }
0x64: {  	_ =	shalt  }
0x65: {  	_ =	shalt  }
0x66: {  	_ =	shalt  }
0x67: {  	_ =	shalt  }
0x68: {  	_ =	shalt  }
0x69: {  	_ =	shalt  }
0x6a: {  	_ =	shalt  }
0x6b: {  	_ =	shalt  }
0x6c: {  	_ =	shalt  }
0x6d: {  	_ =	shalt  }
0x6e: {  	_ =	shalt  }
0x6f: {  	_ =	shalt  }
0x70: {  	_ =	shalt  }
0x71: {  	_ =	shalt  }
0x72: {  	_ =	shalt  }
0x73: {  	_ =	shalt  }
0x74: {  	_ =	shalt  }
0x75: {  	_ =	shalt  }
0x76: {  	_ =	shalt  }
0x77: {  	_ =	shalt  }
0x78: {  	_ =	shalt  }
0x79: {  	_ =	shalt  }
0x7a: {  	_ =	shalt  }
0x7b: {  	_ =	shalt  }
0x7c: {  	_ =	shalt  }
0x7d: {  	_ =	shalt  }
0x7e: {  	_ =	shalt  }
0x7f: {  	_ =	shalt  }
0x80: {  	_ =	shalt  }
0x81: {  	_ =	shalt  }
0x82: {  	_ =	shalt  }
0x83: {  	_ =	shalt  }
0x84: {  	_ =	shalt  }
0x85: {  	_ =	shalt  }
0x86: {  	_ =	shalt  }
0x87: {  	_ =	shalt  }
.Lfunc_end0:
.L_simem_size_0:
called_computation_lowered:
.L_overlay_start_0:
0x88: {  	s2 =	sld [smem:$0x3FD9]  }
0x89: {  	s3 =	sld [smem:$0x3FFE];
	_ =	sdelay $0x1  }
0x8a: {  	s1 =	srdreg.scid  }
0x8b: {  	s0 =	sand.u32 $0x1, s1  }
0x8c: {  	s17 =	sshll.u32 s0, $0xA;
	s2 =	sadd.s32 s3, s2  }
0x8d: {  	s2 =	sadd.s32 s2, s17  }
0x8e: {  	[smem:$0x3FB8] =	sst s2  }
0x8f: {  	_ = 	snop  }
0x90: {  	s2 =	sld [smem:$0x3FD0];
	(tm) =	ssettm $0x1  }
0x91: {  	s18 =	sld [smem:$0x3FFB];
	_ =	sdelay $0x3  }
0x92: {  	_ =	strace s18  }
0x93: {  	s3 =	sld [smem:$0x3FFC];
	_ =	sdelay $0x3  }
0x94: {  	_ =	strace s3  }
0x95: {  	s3 =	sld [smem:$0x3FFD];
	_ =	sdelay $0x3  }
0x96: {  	_ =	strace s3  }
0x97: {  	_ =	strace $0x8FFFFFFF  }
0x98: {  	s19 =	sld [smem:$0x3FDB];
	_ =	sdelay $0x1  }
0x99: {  	s4 =	simm.s32 $_scs_section_size  }
0x9a: {  	s5 =	simm.s32 $_size__tile_overlayer_lowered;
	s6 =	simm.s32 $_tile_overlayer_lowered  }
0x9b: {  	s22 =	simm.s32 $0x1BFF;
	s21 =	sshll.u32 s6, $0x1;
	s3 =	sadd.s32 s4, s19  }
0x9c: {  	s7 =	simm.s32 $0x0;
	s20 =	sshll.u32 s5, $0x1;
	s5 =	sadd.s32 s21, s3  }
0x9d: {  	[timem:s7], [sflag:s22] =	dma.local [hbm:s5], s20  }
0x9e: {  	_ =	swait.ge [sflag:s22], s20  }
0x9f: {  	s4 =	ssub.s32 $0x0, s20;
	[sflag:s22] =	ssyncset.done $0x0  }
0xa0: {  	[sflag:s22] =	ssyncadd.s32 s4;
	_ =	sdelay $0x1  }
0xa1: {  	s23 =	simm.s32 $0x1B8B  }
0xa2: {  	_ =	swait.ge [sflag:s23], $0x1  }
0xa3: {  	[sflag:s23] =	ssyncset.done $0x0  }
0xa4: {  	s25 =	simm.s32 $0x1B8E;
	s24 =	sld [smem:$0x3FFE];
	[sflag:s23] =	ssyncadd.s32 $0xFFFFFFFF  }
0xa5: {  	s26 =	simm.s32 $execute0_lowered;
	[smem:$0x3FD2] =	sst s25  }
0xa6: {  	s5 =	sshll.u32 s26, $0x1;
	_ =	strace $0x80000046;
	[dreg:$0x1] =	wrdreg $0xFFFFFFFF  }
0xa7: {  	s28 =	simm.s32 $_size_execute0_lowered;
	s3 =	sadd.s32 s3, s5;
	[dreg:$0x0] =	wrdreg $0x0  }
0xa8: {  	s5 =	sshll.u32 s28, $0x1;
	[dreg:$0x2] =	wrdreg s3  }
0xa9: {  	[dreg:$0x3] =	wrdreg s5  }
0xaa: {  	[dreg:$0x4] =	wrdreg $0xC0  }
0xab: {  	_ =	task [dreg:s7], $0x5FFFF  }
0xac: {  	[dreg:$0x1] =	wrdreg $0xFFFFFFFF  }
0xad: {  	[dreg:$0x0] =	wrdreg $0x60  }
0xae: {  	[dreg:$0x2] =	wrdreg s24  }
0xaf: {  	[dreg:$0x3] =	wrdreg s2  }
0xb0: {  	[dreg:$0x4] =	wrdreg $0x9  }
0xb1: {  	_ =	task.clear_ibuf [dreg:s7], $0x5FFFF;
	_ =	strace $0x90000046  }
0xb2: {  	s29 =	simm.s32 $0x9;
	_ =	strace $0x80000048  }
0xb3: {  	_ =	swait.ge [sflag:s29], $0x1  }
0xb4: {  	[sflag:s29] =	ssyncadd.s32 $0xFFFFFFFF  }
0xb5: {  	_ =	strace $0x90000048  }
0xb6: {  	_ =	sfence  }
0xb7: {  	s30 =	sld [smem:$0x0];
	_ =	sdelay $0x2  }
0xb8: {  	s31 =	sshll.u32 s1, $0xD;
	s1 =	sshrl.u32 s1, $0x2  }
0xb9: {  	s3 =	sand.u32 $0x4000, s31;
	s1 =	sadd.s32 s1, s30  }
0xba: {  	s0 =	sor.u32 s3, s0;
	s1 =	sshll.u32 s1, $0x11  }
0xbb: {  	s0 =	sor.u32 s1, s0  }
0xbc: {  	s0 =	sadd.s32 $0x8F2B, s0  }
0xbd: {  	[sflag:s0] =	ssyncadd.remote.s32 $0x1  }
0xbe: {  	_ =	sfence.sel $0xFFFF  }
0xbf: {  	[dreg:$0x0] =	wrdreg $0xFFFFFFFF;
	(pc) =	sbr.abs _section_cstart, $3  }
0xc0: {  	[dreg:$0x1] =	wrdreg $0xFFFFFFFF  }
0xc1: {  	_ =	task.clear_ibuf [dreg:s7], $0x2FFFF;
	_ =	strace $0x9FFFFFFF  }
0xc2: {  	(tm) =	ssettm $0x7FFFFFFF  }
0xc3: {  	_ =	shalt  }
tec
execute0_lowered:
.L_overlay_start_1:
0x0: {  	(tag) =	ssettag $0x1  }
0x1: {  	s1 =	srdreg.scid;
	s8 =	rddreg [dreg:$0x0]  }
0x2: {  	s0 =	stileid.u32;
	s2 =	rddreg [dreg:$0x1];
	s3 =	simm.s32 $0x0  }
0x3: {  	s13 =	simm.s32 $0x9;
	s14 =	simm.s32 $0x1400;
	s15 =	simm.s32 $0x80  }
0x4: {  	s19 =	simm.s32 $0x13800;
	s20 =	simm.s32 $0x1;
	s21 =	simm.s32 $0x2  }
0x5: {  	s22 =	simm.s32 $0x3;
	s23 =	simm.s32 $0x4;
	s24 =	simm.s32 $0x5  }
0x6: {  	s25 =	simm.s32 $0x6;
	s26 =	simm.s32 $0x7;
	s28 =	simm.s32 $0x8  }
0x7: {  	s29 =	simm.s32 $0x0;
	s7 =	sand.u32 $0x1, s1;
	s31 =	sshll.u32 s0, $0x1  }
0x8: {  	[smem:$0x7FF] =	sst s3;
	s4 =	sadd.s32 $0x3A600, s8;
	s6 =	sadd.s32 $0x381800, s8  }
.Ltmp0:
0x9: {  	s9 =	sor.u32 s7, s31;
	s10 =	ssub.s32 $0x2, s7;
	(pc) =	sbr.rel .LBB2_1-.Ltmp0, $4  }
0xa: {  	_ =	strace $0x80000047;
	s5 =	smul.u32 $0x280, s9;
	s12 =	sshrl.u32 s10, $0x1  }
0xb: {  	s7 =	sadd.s32 $0xB1800, s8;
	s9 =	smul.u32 $0x28, s9;
	s12 =	ssub.s32 s10, s12  }
0xc: {  	s11 =	sadd.s32 s5, s8;
	s5 =	sadd.s32 $0x101800, s8;
	s8 =	sadd.s32 $0x61800, s8  }
0xd: {  	s12 =	smax.u32 s12, $0x1;
	s10 =	sadd.s32 $0xE400, s11;
	s11 =	sadd.s32 $0x9400, s11  }
.LBB2_7:
0xe: {  	_ =	swait.ge [sflag:s24], $0x4000  }
0xf: {  	[sflag:s24] =	ssyncset.done $0x0  }
0x10: {  	[sflag:s24] =	ssyncadd.s32 $0xFFFFC000  }
0x11: {  	_ =	swait.ge [sflag:s25], $0x4000  }
0x12: {  	[sflag:s25] =	ssyncset.done $0x0  }
0x13: {  	[sflag:s25] =	ssyncadd.s32 $0xFFFFC000  }
0x14: {  	_ =	swait.ge [sflag:s26], $0x800  }
0x15: {  	[sflag:s26] =	ssyncset.done $0x0  }
0x16: {  	[sflag:s26] =	ssyncadd.s32 $0xFFFFF800  }
0x17: {  	_ =	swait.ge [sflag:s28], $0x800  }
0x18: {  	[sflag:s28] =	ssyncset.done $0x0  }
0x19: {  	[sflag:s28] =	ssyncadd.s32 $0xFFFFF800  }
0x1a: {  	_ =	swait.ge [sflag:s24], $0x4000  }
0x1b: {  	[sflag:s24] =	ssyncset.done $0x0  }
0x1c: {  	[sflag:s24] =	ssyncadd.s32 $0xFFFFC000  }
0x1d: {  	_ =	swait.ge [sflag:s25], $0x4000  }
0x1e: {  	[sflag:s25] =	ssyncset.done $0x0  }
0x1f: {  	s29 =	sadd.s32 $0x1, s29;
	[sflag:s25] =	ssyncadd.s32 $0xFFFFC000  }
0x20: {  	p0 =	sne.s32 s29, s12;
	_ =	swait.ge [sflag:s26], $0x800  }
.Ltmp1:
0x21: {  	[sflag:s26] =	ssyncset.done $0x0;
	(pc) =	sbr.rel @!p0 .LBB2_8-.Ltmp1, $4  }
0x22: {  	[sflag:s26] =	ssyncadd.s32 $0xFFFFF800  }
0x23: {  	_ =	swait.ge [sflag:s28], $0x800  }
0x24: {  	[sflag:s28] =	ssyncset.done $0x0  }
0x25: {  	[sflag:s28] =	ssyncadd.s32 $0xFFFFF800  }
.LBB2_1:
0x26: {  	[tilespmem:s3], [sflag:$0x9] =	stream.linear.gather [hbm4b:s10+s3], $0x1400, $0x38;
	[tilespmem:$0x14800] =	vst v63  }
0x27: {  	_ =	swait.ge [sflag:s13], $0x1400  }
0x28: {  	[sflag:s13] =	ssyncset.done $0x0  }
0x29: {  	[sflag:s13] =	ssyncadd.s32 $0xFFFFEC00  }
0x2a: {  	[tilespmem:s14], [sflag:$0x9] =	stream.linear.gather [hbm4b:s11+s3], $0x1400, $0x38;
	[tilespmem:$0x14800] =	vst v63  }
0x2b: {  	_ =	swait.ge [sflag:s13], $0x1400  }
0x2c: {  	[sflag:s13] =	ssyncset.done $0x0  }
0x2d: {  	s0 =	simm.s32 $0x2800;
	[sflag:s13] =	ssyncadd.s32 $0xFFFFEC00  }
0x2e: {  	[tilespmem:s0], [sflag:$0x1] =	stream.indirect.gather [hbm4b:s4+s15], $0x80, s3, s15, $0xb8;
	[tilespmem:$0x14800] =	vst v63  }
0x2f: {  	s18 =	simm.s32 $0xA800  }
0x30: {  	[tilespmem:s18], [sflag:$0x2] =	stream.indirect.gather [hbm4b:s4+s15], $0x80, s14, s15, $0xb8;
	[tilespmem:$0x14800] =	vst v63  }
.Ltmp2:
0x31: {  	_ = 	snop;
	(pc) =	sbr.rel .LBB2_2-.Ltmp2, $4  }
0x32: {  	s31 =	simm.s32 $0x12800  }
0x33: {  	[tilespmem:s31], [sflag:$0x3] =	stream.indirect.gather [hbm4b:s2+s15], $0x10, s3, s15, $0xb8;
	[tilespmem:$0x14800] =	vst v63  }
0x34: {  	s30 =	simm.s32 $0x0  }
0x35: {  	[tilespmem:s19], [sflag:$0x4] =	stream.indirect.gather [hbm4b:s2+s15], $0x10, s14, s15, $0xb8;
	[tilespmem:$0x14800] =	vst v63  }
.LBB2_5:
0x36: {  	s31 =	sadd.s32 $0x1, s30  }
0x37: {  	s1 =	sand.u32 $0x1, s31  }
0x38: {  	s0 =	sshll.u32 s1, $0xE  }
0x39: {  	s17 =	sshll.u32 s31, $0x7;
	s16 =	sor.u32 $0x2800, s0  }
0x3a: {  	[tilespmem:s16], [sflag:$0x1] =	stream.indirect.gather [hbm4b:s4+s15], $0x80, s17, s15, $0xb8;
	[tilespmem:$0x14800] =	vst v63  }
0x3b: {  	s18 =	sshll.u32 s1, $0xB;
	s0 =	sor.u32 $0xA800, s0;
	s16 =	sadd.s32 $0x1400, s17  }
0x3c: {  	[tilespmem:s0], [sflag:$0x2] =	stream.indirect.gather [hbm4b:s4+s15], $0x80, s16, s15, $0xb8;
	[tilespmem:$0x14800] =	vst v63  }
0x3d: {  	s1 =	sadd.s32 $0x12800, s18  }
0x3e: {  	[tilespmem:s1], [sflag:$0x3] =	stream.indirect.gather [hbm4b:s2+s15], $0x10, s17, s15, $0xb8;
	[tilespmem:$0x14800] =	vst v63  }
0x3f: {  	s0 =	sadd.s32 $0x13800, s18  }
0x40: {  	[tilespmem:s0], [sflag:$0x4] =	stream.indirect.gather [hbm4b:s2+s15], $0x10, s16, s15, $0xb8;
	[tilespmem:$0x14800] =	vst v63  }
.LBB2_6:
0x41: {  	_ =	swait.ge [sflag:s20], $0x4000  }
0x42: {  	[sflag:s20] =	ssyncset.done $0x0  }
0x43: {  	[sflag:s20] =	ssyncadd.s32 $0xFFFFC000  }
0x44: {  	_ =	swait.ge [sflag:s21], $0x4000  }
0x45: {  	[sflag:s21] =	ssyncset.done $0x0  }
0x46: {  	[sflag:s21] =	ssyncadd.s32 $0xFFFFC000  }
0x47: {  	_ =	swait.ge [sflag:s22], $0x800  }
0x48: {  	[sflag:s22] =	ssyncset.done $0x0  }
0x49: {  	[sflag:s22] =	ssyncadd.s32 $0xFFFFF800  }
0x4a: {  	s0 =	sand.u32 $0x1, s30;
	s1 =	sadd.s32 s9, s30;
	_ =	swait.ge [sflag:s23], $0x800  }
0x4b: {  	s16 =	sshll.u32 s1, $0xB;
	s17 =	sshll.u32 s0, $0xE;
	[sflag:s23] =	ssyncset.done $0x0  }
0x4c: {  	s30 =	sadd.s32 s5, s16;
	s18 =	sor.u32 $0x2800, s17;
	[sflag:s23] =	ssyncadd.s32 $0xFFFFF800  }
0x4d: {  	[hbm4b:s30+s3] =	stream.linear.scatter [tilespmem:s18], [sflag:$0x5], $0x4000, $0x38;
	[tilespmem:$0x14800] =	vst v63  }
0x4e: {  	p0 =	sne.s32 s31, $0x28;
	s16 =	sadd.s32 s6, s16;
	s17 =	sor.u32 $0xA800, s17  }
0x4f: {  	[hbm4b:s16+s3] =	stream.linear.scatter [tilespmem:s17], [sflag:$0x6], $0x4000, $0x38;
	[tilespmem:$0x14800] =	vst v63  }
.Ltmp3:
0x50: {  	s1 =	sshll.u32 s1, $0x8;
	s0 =	sshll.u32 s0, $0xB;
	(pc) =	sbr.rel @!p0 .LBB2_7-.Ltmp3, $4  }
0x51: {  	s18 =	sadd.s32 $0x12800, s0;
	s17 =	sadd.s32 s7, s1  }
0x52: {  	[hbm4b:s17+s3] =	stream.linear.scatter [tilespmem:s18], [sflag:$0x7], $0x800, $0x38;
	[tilespmem:$0x14800] =	vst v63  }
0x53: {  	s0 =	sadd.s32 $0x13800, s0;
	s30 =	smov.u32 s31;
	s1 =	sadd.s32 s8, s1  }
0x54: {  	[hbm4b:s1+s3] =	stream.linear.scatter [tilespmem:s0], [sflag:$0x8], $0x800, $0x38;
	[tilespmem:$0x14800] =	vst v63  }
.LBB2_2:
0x55: {  	p0 =	seq.s32 s30, $0x0  }
.Ltmp4:
0x56: {  	_ = 	snop;
	(pc) =	sbr.rel @p0 .LBB2_5-.Ltmp4, $1  }
0x57: {  	_ =	sdelay $0x3  }
0x58: {  	p0 =	seq.s32 s30, $0x27  }
.Ltmp5:
0x59: {  	_ = 	snop;
	(pc) =	sbr.rel @p0 .LBB2_6-.Ltmp5, $2  }
0x5a: {  	_ =	sdelay $0x2  }
0x5b: {  	s31 =	simm.s32 $0x28  }
0x5c: {  	_ =	swait.ge [sflag:s24], $0x4000  }
0x5d: {  	[sflag:s24] =	ssyncset.done $0x0  }
0x5e: {  	[sflag:s24] =	ssyncadd.s32 $0xFFFFC000  }
0x5f: {  	_ =	swait.ge [sflag:s25], $0x4000  }
0x60: {  	[sflag:s25] =	ssyncset.done $0x0  }
0x61: {  	[sflag:s25] =	ssyncadd.s32 $0xFFFFC000  }
0x62: {  	_ =	swait.ge [sflag:s26], $0x800  }
.Ltmp6:
0x63: {  	[sflag:s26] =	ssyncset.done $0x0;
	(pc) =	sbr.rel .LBB2_5-.Ltmp6, $4  }
0x64: {  	[sflag:s26] =	ssyncadd.s32 $0xFFFFF800  }
0x65: {  	_ =	swait.ge [sflag:s28], $0x800  }
0x66: {  	[sflag:s28] =	ssyncset.done $0x0  }
0x67: {  	[sflag:s28] =	ssyncadd.s32 $0xFFFFF800  }
.LBB2_8:
0x68: {  	_ =	sfence.sel $0x180000  }
0x69: {  	[bflag:$0x0] =	sbarrier.arrive $0xFFFF  }
0x6a: {  	_ =	strace $0x90000047  }
0x6b: {  	s0 =	stileid.u32;
	[bflag:$0x2] =	sbarrier.arrive $0xFFFF  }
0x6c: {  	p0 =	sne.s32 s0, $0x0;
	s0 =	rddreg [dreg:$0x2]  }
0x6d: {  	s0 =	sadd.s32 @!p0 $0x100000, s0  }
0x6e: {  	[sflag:s0] =	ssyncadd.tile.s32 @!p0 $0x1;
	_ =	shalt  }
.Lfunc_end2:
_tile_overlayer_lowered:
.L_overlay_start_2:
0x6f: {  	(tag) =	ssettag $0x2  }
0x70: {  	s0 =	rddreg [dreg:$0x0];
	s2 =	stileid.u32  }
0x71: {  	s1 =	rddreg [dreg:$0x1];
	p0 =	sne.s32 s2, $0x0  }
0x72: {  	s3 =	rddreg [dreg:$0x2];
	[bflag:$0x3] =	sbarrier.arrive $0xFFFF;
	s2 =	simm.s32 @!p0 $0x1C09  }
0x73: {  	[timem:s3], [sflag:s2] =	dma.local @!p0 [hbm:s0], s1  }
0x74: {  	s0 =	simm.s32 @!p0 $0x9  }
0x75: {  	_ =	swait.ge @!p0 [sflag:s0], s1  }
0x76: {  	s1 =	ssub.s32 @!p0 $0x0, s1;
	[sflag:s0] =	ssyncset.done @!p0 $0x0  }
0x77: {  	[sflag:s0] =	ssyncadd.s32 @!p0 s1  }
0x78: {  	[bflag:$0x3] =	sbarrier.arrive $0xFFFF  }
0x79: {  	_ =	shalt  }

// kernel: kernel.13.cloned.1.call-start
scs
__scs_entry_jumppad:
0x0: {  	(pc) =	sbr.rel $0x88, $3  }
0x1: {  	(tag) =	ssettag $0x0;
	lr =	simm.s32 $0x1  }
0x2: {  	[smem:$0x3F91] =	sst lr;
	_ =	strace $0xD0000000  }
0x3: {  	_ = 	snop  }
0x4: {  	_ = 	snop  }
0x5: {  	_ = 	snop  }
0x6: {  	_ = 	snop  }
0x7: {  	_ = 	snop  }
__scs_overlays_trampoline_lowered:
0x8: {  	[smem:$0x3FA0] =	sst s0  }
0x9: {  	[smem:$0x3FA1] =	sst s1  }
0xa: {  	[smem:$0x3FA2] =	sst s2  }
0xb: {  	[smem:$0x3FA3] =	sst s3  }
0xc: {  	[smem:$0x3FA4] =	sst s4  }
0xd: {  	[smem:$0x3FA5] =	sst s5  }
0xe: {  	[smem:$0x3FA6] =	sst s6  }
0xf: {  	[smem:$0x3FA7] =	sst s7  }
0x10: {  	[smem:$0x3FA8] =	sst s8  }
0x11: {  	[smem:$0x3FA9] =	sst s9;
	s0 =	simm.s32 @!p0 $0x0  }
0x12: {  	s1 =	sld [smem:$0x3F8F];
	s0 =	simm.s32 @p0 $0x1  }
0x13: {  	[smem:$0x3FAA] =	sst s0;
	s0 =	simm.s32 @!p1 $0x0  }
0x14: {  	s2 =	sld [smem:$0x3F8E];
	s0 =	simm.s32 @p1 $0x1  }
0x15: {  	[smem:$0x3FAB] =	sst s0;
	s0 =	simm.s32 @!p2 $0x0  }
0x16: {  	s3 =	sld [smem:$0x3FDB];
	s0 =	simm.s32 @p2 $0x1  }
0x17: {  	s4 =	simm.s32 $0x1BF5;
	[smem:$0x3FAD] =	sst s0  }
0x18: {  	s0 =	sld [smem:$0x3F90];
	_ =	swait.ge [sflag:s4], $0x0  }
0x19: {  	s7 =	sld [smem:$0x3F91]  }
0x1a: {  	s8 =	sadd.s32 $0xFFFFE003, lr  }
0x1b: {  	s9 =	sadd.s32 $0xFFFFFEF7, lr;
	s5 =	simm.s32 $0xFFFFFFFF;
	p2 =	slt.u32 s8, $0xFFFFF086  }
0x1c: {  	p1 =	slt.u32 s9, $0xF7A;
	s5 =	simm.s32 @!p2 $0x0  }
0x1d: {  	s5 =	simm.s32 @p1 $0x1;
	p0 =	seq.s32 s7, s2  }
0x1e: {  	s7 =	smul.u32 @!p0 $0xF7A, s2;
	p2 =	seq.s32 @!p0 s5, $0x0  }
0x1f: {  	s9 =	smul.u32 $0xF7A, s1;
	s8 =	simm.s32 @!p0 $0x1BF5;
	p2 =	por !p2, p0  }
0x20: {  	[sflag:s8] =	ssyncset.s32 @!p0 $0xFFFFF086;
	s6 =	sadd.s32 @!p0 s3, s7;
	s7 =	simm.s32 @!p0 $0x108  }
0x21: {  	s3 =	sadd.s32 s3, s9;
	s6 =	sadd.s32 @!p0 $0x88, s6;
	s7 =	simm.s32 @p2 $0x1082  }
0x22: {  	[simem:s7], [sflag:s8] =	dma.local @!p0 [hbm:s6], $0xF7A  }
0x23: {  	s9 =	sor.u32 $0xD0000000, s2;
	s6 =	simm.s32 $0x108;
	_ =	swait.ge @!p0 [sflag:s8], $0x0  }
0x24: {  	s3 =	sadd.s32 $0x88, s3;
	s6 =	simm.s32 @!p1 $0x1082;
	[sflag:s4] =	ssyncset.s32 $0xFFFFF086  }
0x25: {  	[simem:s6], [sflag:s4] =	dma.local [hbm:s3], $0xF7A  }
0x26: {  	[smem:$0x3F91] =	sst s1;
	(tag) =	ssettag s2;
	_ =	strace s9  }
0x27: {  	s1 =	sld [smem:$0x3FA1]  }
0x28: {  	s2 =	sld [smem:$0x3FA2]  }
0x29: {  	s4 =	sld [smem:$0x3FA4]  }
0x2a: {  	p0 =	seq.s32 s5, $0x0;
	s5 =	sld [smem:$0x3FA5]  }
0x2b: {  	s6 =	sld [smem:$0x3FA6]  }
0x2c: {  	s7 =	sld [smem:$0x3FA7]  }
0x2d: {  	s3 =	simm.s32 $0x108;
	s8 =	sld [smem:$0x3FA8]  }
0x2e: {  	s3 =	simm.s32 @!p0 $0x1082;
	s9 =	sld [smem:$0x3FA9]  }
0x2f: {  	lr =	sadd.s32 s0, s3;
	s0 =	sld [smem:$0x3FA0]  }
0x30: {  	s3 =	sld [smem:$0x3FA3]  }
0x31: {  	[smem:$0x3FAC] =	sst s10  }
0x32: {  	s10 =	sld [smem:$0x3FAA];
	_ =	sdelay $0x3  }
0x33: {  	p0 =	seq.s32 s10, $0x1;
	s10 =	sld [smem:$0x3FAC];
	_ =	sdelay $0x3  }
0x34: {  	[smem:$0x3FAC] =	sst s10  }
0x35: {  	s10 =	sld [smem:$0x3FAB];
	_ =	sdelay $0x3  }
0x36: {  	p1 =	seq.s32 s10, $0x1;
	s10 =	sld [smem:$0x3FAC];
	_ =	sdelay $0x3  }
0x37: {  	[smem:$0x3FAC] =	sst s10  }
0x38: {  	s10 =	sld [smem:$0x3FAD]  }
0x39: {  	_ = 	snop;
	(pc) =	sbr.ind lr, $3  }
0x3a: {  	_ = 	snop  }
0x3b: {  	_ = 	snop  }
0x3c: {  	p2 =	seq.s32 s10, $0x1;
	s10 =	sld [smem:$0x3FAC]  }
0x3d: {  	_ =	shalt  }
0x3e: {  	_ =	shalt  }
0x3f: {  	_ =	shalt  }
0x40: {  	_ =	shalt  }
0x41: {  	_ =	shalt  }
0x42: {  	_ =	shalt  }
0x43: {  	_ =	shalt  }
0x44: {  	_ =	shalt  }
0x45: {  	_ =	shalt  }
0x46: {  	_ =	shalt  }
0x47: {  	_ =	shalt  }
0x48: {  	_ =	shalt  }
0x49: {  	_ =	shalt  }
0x4a: {  	_ =	shalt  }
0x4b: {  	_ =	shalt  }
0x4c: {  	_ =	shalt  }
0x4d: {  	_ =	shalt  }
0x4e: {  	_ =	shalt  }
0x4f: {  	_ =	shalt  }
0x50: {  	_ =	shalt  }
0x51: {  	_ =	shalt  }
0x52: {  	_ =	shalt  }
0x53: {  	_ =	shalt  }
0x54: {  	_ =	shalt  }
0x55: {  	_ =	shalt  }
0x56: {  	_ =	shalt  }
0x57: {  	_ =	shalt  }
0x58: {  	_ =	shalt  }
0x59: {  	_ =	shalt  }
0x5a: {  	_ =	shalt  }
0x5b: {  	_ =	shalt  }
0x5c: {  	_ =	shalt  }
0x5d: {  	_ =	shalt  }
0x5e: {  	_ =	shalt  }
0x5f: {  	_ =	shalt  }
0x60: {  	_ =	shalt  }
0x61: {  	_ =	shalt  }
0x62: {  	_ =	shalt  }
0x63: {  	_ =	shalt  }
0x64: {  	_ =	shalt  }
0x65: {  	_ =	shalt  }
0x66: {  	_ =	shalt  }
0x67: {  	_ =	shalt  }
0x68: {  	_ =	shalt  }
0x69: {  	_ =	shalt  }
0x6a: {  	_ =	shalt  }
0x6b: {  	_ =	shalt  }
0x6c: {  	_ =	shalt  }
0x6d: {  	_ =	shalt  }
0x6e: {  	_ =	shalt  }
0x6f: {  	_ =	shalt  }
0x70: {  	_ =	shalt  }
0x71: {  	_ =	shalt  }
0x72: {  	_ =	shalt  }
0x73: {  	_ =	shalt  }
0x74: {  	_ =	shalt  }
0x75: {  	_ =	shalt  }
0x76: {  	_ =	shalt  }
0x77: {  	_ =	shalt  }
0x78: {  	_ =	shalt  }
0x79: {  	_ =	shalt  }
0x7a: {  	_ =	shalt  }
0x7b: {  	_ =	shalt  }
0x7c: {  	_ =	shalt  }
0x7d: {  	_ =	shalt  }
0x7e: {  	_ =	shalt  }
0x7f: {  	_ =	shalt  }
0x80: {  	_ =	shalt  }
0x81: {  	_ =	shalt  }
0x82: {  	_ =	shalt  }
0x83: {  	_ =	shalt  }
0x84: {  	_ =	shalt  }
0x85: {  	_ =	shalt  }
0x86: {  	_ =	shalt  }
0x87: {  	_ =	shalt  }
.Lfunc_end0:
.L_simem_size_0:
called_computation.1_lowered:
.L_overlay_start_0:
0x88: {  	s2 =	sld [smem:$0x3FD9]  }
0x89: {  	s3 =	sld [smem:$0x3FFE];
	_ =	sdelay $0x1  }
0x8a: {  	s1 =	srdreg.scid  }
0x8b: {  	s0 =	sand.u32 $0x1, s1  }
0x8c: {  	s17 =	sshll.u32 s0, $0xA;
	s2 =	sadd.s32 s3, s2  }
0x8d: {  	s2 =	sadd.s32 s2, s17  }
0x8e: {  	[smem:$0x3FB8] =	sst s2  }
0x8f: {  	_ = 	snop  }
0x90: {  	s2 =	sld [smem:$0x3FD0];
	(tm) =	ssettm $0x1  }
0x91: {  	s18 =	sld [smem:$0x3FFB];
	_ =	sdelay $0x3  }
0x92: {  	_ =	strace s18  }
0x93: {  	s3 =	sld [smem:$0x3FFC];
	_ =	sdelay $0x3  }
0x94: {  	_ =	strace s3  }
0x95: {  	s3 =	sld [smem:$0x3FFD];
	_ =	sdelay $0x3  }
0x96: {  	_ =	strace s3  }
0x97: {  	_ =	strace $0x8FFFFFFF  }
0x98: {  	s19 =	sld [smem:$0x3FDB];
	_ =	sdelay $0x1  }
0x99: {  	s4 =	simm.s32 $_scs_section_size  }
0x9a: {  	s5 =	simm.s32 $_size__tile_overlayer_lowered;
	s6 =	simm.s32 $_tile_overlayer_lowered  }
0x9b: {  	s22 =	simm.s32 $0x1BFF;
	s21 =	sshll.u32 s6, $0x1;
	s3 =	sadd.s32 s4, s19  }
0x9c: {  	s7 =	simm.s32 $0x0;
	s20 =	sshll.u32 s5, $0x1;
	s5 =	sadd.s32 s21, s3  }
0x9d: {  	[timem:s7], [sflag:s22] =	dma.local [hbm:s5], s20  }
0x9e: {  	_ =	swait.ge [sflag:s22], s20  }
0x9f: {  	s4 =	ssub.s32 $0x0, s20;
	[sflag:s22] =	ssyncset.done $0x0  }
0xa0: {  	[sflag:s22] =	ssyncadd.s32 s4;
	_ =	sdelay $0x1  }
0xa1: {  	s23 =	simm.s32 $0x1B8B  }
0xa2: {  	_ =	swait.ge [sflag:s23], $0x1  }
0xa3: {  	[sflag:s23] =	ssyncset.done $0x0  }
0xa4: {  	s25 =	simm.s32 $0x1B8E;
	s24 =	sld [smem:$0x3FFE];
	[sflag:s23] =	ssyncadd.s32 $0xFFFFFFFF  }
0xa5: {  	s26 =	simm.s32 $execute0_lowered;
	[smem:$0x3FD2] =	sst s25  }
0xa6: {  	s5 =	sshll.u32 s26, $0x1;
	_ =	strace $0x80000049;
	[dreg:$0x1] =	wrdreg $0xFFFFFFFF  }
0xa7: {  	s28 =	simm.s32 $_size_execute0_lowered;
	s3 =	sadd.s32 s3, s5;
	[dreg:$0x0] =	wrdreg $0x0  }
0xa8: {  	s5 =	sshll.u32 s28, $0x1;
	[dreg:$0x2] =	wrdreg s3  }
0xa9: {  	[dreg:$0x3] =	wrdreg s5  }
0xaa: {  	[dreg:$0x4] =	wrdreg $0xC0  }
0xab: {  	_ =	task [dreg:s7], $0x5FFFF  }
0xac: {  	[dreg:$0x1] =	wrdreg $0xFFFFFFFF  }
0xad: {  	[dreg:$0x0] =	wrdreg $0x60  }
0xae: {  	[dreg:$0x2] =	wrdreg s24  }
0xaf: {  	[dreg:$0x3] =	wrdreg s2  }
0xb0: {  	[dreg:$0x4] =	wrdreg $0x42000  }
0xb1: {  	[dreg:$0x5] =	wrdreg $0x9  }
0xb2: {  	_ =	task.clear_ibuf [dreg:s7], $0x6FFFF;
	_ =	strace $0x90000049  }
0xb3: {  	s29 =	simm.s32 $0x9;
	_ =	strace $0x8000004B  }
0xb4: {  	_ =	swait.ge [sflag:s29], $0x1  }
0xb5: {  	[sflag:s29] =	ssyncadd.s32 $0xFFFFFFFF  }
0xb6: {  	_ =	strace $0x9000004B  }
0xb7: {  	_ =	sfence  }
0xb8: {  	s30 =	sld [smem:$0x0];
	_ =	sdelay $0x2  }
0xb9: {  	s31 =	sshll.u32 s1, $0xD;
	s1 =	sshrl.u32 s1, $0x2  }
0xba: {  	s3 =	sand.u32 $0x4000, s31;
	s1 =	sadd.s32 s1, s30  }
0xbb: {  	s0 =	sor.u32 s3, s0;
	s1 =	sshll.u32 s1, $0x11  }
0xbc: {  	s0 =	sor.u32 s1, s0  }
0xbd: {  	s0 =	sadd.s32 $0x8F2B, s0  }
0xbe: {  	[sflag:s0] =	ssyncadd.remote.s32 $0x1  }
0xbf: {  	_ =	sfence.sel $0xFFFF  }
0xc0: {  	[dreg:$0x0] =	wrdreg $0xFFFFFFFF;
	(pc) =	sbr.abs _section_cstart, $3  }
0xc1: {  	[dreg:$0x1] =	wrdreg $0xFFFFFFFF  }
0xc2: {  	_ =	task.clear_ibuf [dreg:s7], $0x2FFFF;
	_ =	strace $0x9FFFFFFF  }
0xc3: {  	(tm) =	ssettm $0x7FFFFFFF  }
tec
execute0_lowered:
.L_overlay_start_1:
0x0: {  	(tag) =	ssettag $0x1  }
0x1: {  	s4 =	rddreg [dreg:$0x0]  }
0x2: {  	s7 =	rddreg [dreg:$0x1];
	s0 =	srdreg.scid  }
0x3: {  	s2 =	rddreg [dreg:$0x2];
	s1 =	stileid.u32;
	s3 =	simm.s32 $0x0  }
0x4: {  	s16 =	simm.s32 $0x2200;
	s17 =	simm.s32 $0x180;
	s18 =	simm.s32 $0x3200  }
0x5: {  	s5 =	sand.u32 $0x1, s0;
	s0 =	rddreg [dreg:$0x3];
	s8 =	smul.u32 $0x28, s1  }
0x6: {  	s19 =	simm.s32 $0x0;
	[smem:$0x7FF] =	sst s3;
	s29 =	smul.u32 $0x5000, s1  }
0x7: {  	s14 =	sadd.s32 $0x6B4200, s4;
	s15 =	sshll.u32 s1, $0x6;
	s6 =	smul.u32 $0x280, s5  }
0x8: {  	s9 =	smul.u32 $0x50000, s5;
	_ =	strace $0x8000004A;
	s10 =	ssub.s32 $0x2, s5  }
0x9: {  	p0 =	seq.s32 s5, $0x1;
	s5 =	sor.u32 $0x1C01, s15;
	s15 =	simm.s32 $0x100  }
0xa: {  	s12 =	sshrl.u32 s29, $0x3;
	s30 =	sshrl.u32 s10, $0x1;
	s31 =	sadd.s32 s29, s2  }
0xb: {  	s7 =	smov.u32 @p0 s14;
	s14 =	simm.s32 $0x1200;
	s6 =	sadd.s32 s8, s6  }
0xc: {  	s9 =	sadd.s32 s9, s4;
	s13 =	sadd.s32 s12, s4;
	s7 =	sadd.s32 s7, s12  }
0xd: {  	s12 =	simm.s32 $0x200;
	s6 =	sshll.u32 s6, $0x4;
	s8 =	sadd.s32 s29, s9  }
0xe: {  	s11 =	sadd.s32 s6, s4;
	s6 =	ssub.s32 s10, s30;
	s4 =	sadd.s32 $0x6AA200, s13  }
0xf: {  	s8 =	sadd.s32 $0x60A200, s8;
	s10 =	sshrl.u32 s31, $0x3;
	s13 =	simm.s32 $0x80  }
0x10: {  	s6 =	smax.u32 s6, $0x1;
	s9 =	sadd.s32 $0x9400, s11;
	s11 =	simm.s32 $0x1  }
.LBB2_1:
0x11: {  	[spmem:s10], [sflag:s5] =	dma.local [hbm:s4], $0xA00  }
0x12: {  	_ =	swait.ge [sflag:s11], $0xA00  }
0x13: {  	[sflag:s11] =	ssyncset.done $0x0  }
0x14: {  	[sflag:s11] =	ssyncadd.s32 $0xFFFFF600  }
0x15: {  	s20 =	sadd.s32 $0x0, s9;
	[bflag:$0x0] =	sbarrier.arrive $0xFFFF  }
0x16: {  	[tilespmem:s3], [sflag:$0x1] =	stream.linear.gather [hbm4b:s20+s3], $0x200, $0x38;
	[tilespmem:$0x9200] =	vst v63  }
0x17: {  	_ =	swait.ge [sflag:s11], $0x200  }
0x18: {  	[sflag:s11] =	ssyncset.done $0x0  }
0x19: {  	[sflag:s11] =	ssyncadd.s32 $0xFFFFFE00  }
0x1a: {  	[tilespmem:s12], [sflag:$0x1] =	stream.linear.gather [hbm4b:s8+s3], $0x4000, $0x38;
	[tilespmem:$0x9200] =	vst v63  }
0x1b: {  	_ =	swait.ge [sflag:s11], $0x4000  }
0x1c: {  	[sflag:s11] =	ssyncset.done $0x0  }
0x1d: {  	[sflag:s11] =	ssyncadd.s32 $0xFFFFC000  }
0x1e: {  	[spmem:s2] =	stream.indirect.scatter.add.f32 [tilespmem:s12], [sflag:$0x1], $0x20, s3, s13, $0xb8;
	[tilespmem:$0x9200] =	vst v63  }
0x1f: {  	_ =	swait.ge [sflag:s11], $0x1000  }
0x20: {  	[sflag:s11] =	ssyncset.done $0x0  }
0x21: {  	[sflag:s11] =	ssyncadd.s32 $0xFFFFF000  }
0x22: {  	[spmem:s2] =	stream.indirect.scatter.add.f32 [tilespmem:s14], [sflag:$0x1], $0x20, s13, s13, $0xb8;
	[tilespmem:$0x9200] =	vst v63  }
0x23: {  	_ =	swait.ge [sflag:s11], $0x1000  }
0x24: {  	[sflag:s11] =	ssyncset.done $0x0  }
0x25: {  	[sflag:s11] =	ssyncadd.s32 $0xFFFFF000  }
0x26: {  	[spmem:s2] =	stream.indirect.scatter.add.f32 [tilespmem:s16], [sflag:$0x1], $0x20, s15, s13, $0xb8;
	[tilespmem:$0x9200] =	vst v63  }
0x27: {  	_ =	swait.ge [sflag:s11], $0x1000  }
0x28: {  	[sflag:s11] =	ssyncset.done $0x0  }
0x29: {  	[sflag:s11] =	ssyncadd.s32 $0xFFFFF000  }
0x2a: {  	[spmem:s2] =	stream.indirect.scatter.add.f32 [tilespmem:s18], [sflag:$0x1], $0x20, s17, s13, $0xb8;
	[tilespmem:$0x9200] =	vst v63  }
0x2b: {  	s21 =	simm.s32 $0x40;
	_ =	swait.ge [sflag:s11], $0x1000  }
0x2c: {  	s22 =	simm.s32 $0x80;
	s20 =	sadd.s32 $0x800, s8;
	[sflag:s11] =	ssyncset.done $0x0  }
.LBB2_2:
0x2d: {  	s23 =	sadd.s32 s21, s9  }
0x2e: {  	[sflag:s11] =	ssyncadd.s32 $0xFFFFF000;
	s21 =	smov.u32 s22;
	s24 =	sadd.s32 $0x40, s22  }
0x2f: {  	[tilespmem:s3], [sflag:$0x1] =	stream.linear.gather [hbm4b:s23+s3], $0x200, $0x38;
	[tilespmem:$0x9200] =	vst v63  }
0x30: {  	p0 =	sne.s32 s22, $0x240;
	_ =	swait.ge [sflag:s11], $0x200  }
0x31: {  	[sflag:s11] =	ssyncset.done $0x0  }
0x32: {  	[sflag:s11] =	ssyncadd.s32 $0xFFFFFE00  }
0x33: {  	[tilespmem:s12], [sflag:$0x1] =	stream.linear.gather [hbm4b:s20+s3], $0x4000, $0x38;
	[tilespmem:$0x9200] =	vst v63  }
0x34: {  	_ =	swait.ge [sflag:s11], $0x4000  }
0x35: {  	[sflag:s11] =	ssyncset.done $0x0  }
0x36: {  	[sflag:s11] =	ssyncadd.s32 $0xFFFFC000  }
0x37: {  	[spmem:s2] =	stream.indirect.scatter.add.f32 [tilespmem:s12], [sflag:$0x1], $0x20, s3, s13, $0xb8;
	[tilespmem:$0x9200] =	vst v63  }
0x38: {  	_ =	swait.ge [sflag:s11], $0x1000  }
0x39: {  	[sflag:s11] =	ssyncset.done $0x0  }
0x3a: {  	[sflag:s11] =	ssyncadd.s32 $0xFFFFF000  }
0x3b: {  	[spmem:s2] =	stream.indirect.scatter.add.f32 [tilespmem:s14], [sflag:$0x1], $0x20, s13, s13, $0xb8;
	[tilespmem:$0x9200] =	vst v63  }
0x3c: {  	_ =	swait.ge [sflag:s11], $0x1000  }
0x3d: {  	[sflag:s11] =	ssyncset.done $0x0  }
0x3e: {  	[sflag:s11] =	ssyncadd.s32 $0xFFFFF000  }
0x3f: {  	[spmem:s2] =	stream.indirect.scatter.add.f32 [tilespmem:s16], [sflag:$0x1], $0x20, s15, s13, $0xb8;
	[tilespmem:$0x9200] =	vst v63  }
0x40: {  	_ =	swait.ge [sflag:s11], $0x1000  }
.Ltmp0:
0x41: {  	[sflag:s11] =	ssyncset.done $0x0;
	(pc) =	sbr.rel @p0 .LBB2_2-.Ltmp0, $4  }
0x42: {  	[sflag:s11] =	ssyncadd.s32 $0xFFFFF000  }
0x43: {  	[spmem:s2] =	stream.indirect.scatter.add.f32 [tilespmem:s18], [sflag:$0x1], $0x20, s17, s13, $0xb8;
	[tilespmem:$0x9200] =	vst v63  }
0x44: {  	_ =	swait.ge [sflag:s11], $0x1000  }
0x45: {  	s22 =	smov.u32 s24;
	s20 =	sadd.s32 $0x800, s20;
	[sflag:s11] =	ssyncset.done $0x0  }
0x46: {  	s21 =	sadd.s32 s21, s9;
	[sflag:s11] =	ssyncadd.s32 $0xFFFFF000  }
0x47: {  	[tilespmem:s3], [sflag:$0x1] =	stream.linear.gather [hbm4b:s21+s3], $0x200, $0x38;
	[tilespmem:$0x9200] =	vst v63  }
0x48: {  	_ =	swait.ge [sflag:s11], $0x200  }
0x49: {  	[sflag:s11] =	ssyncset.done $0x0  }
0x4a: {  	[sflag:s11] =	ssyncadd.s32 $0xFFFFFE00  }
0x4b: {  	[tilespmem:s12], [sflag:$0x1] =	stream.linear.gather [hbm4b:s20+s3], $0x4000, $0x38;
	[tilespmem:$0x9200] =	vst v63  }
0x4c: {  	_ =	swait.ge [sflag:s11], $0x4000  }
0x4d: {  	[sflag:s11] =	ssyncset.done $0x0  }
0x4e: {  	[sflag:s11] =	ssyncadd.s32 $0xFFFFC000  }
0x4f: {  	[spmem:s2] =	stream.indirect.scatter.add.f32 [tilespmem:s12], [sflag:$0x1], $0x20, s3, s13, $0xb8;
	[tilespmem:$0x9200] =	vst v63  }
0x50: {  	_ =	swait.ge [sflag:s11], $0x1000  }
0x51: {  	[sflag:s11] =	ssyncset.done $0x0  }
0x52: {  	[sflag:s11] =	ssyncadd.s32 $0xFFFFF000  }
0x53: {  	[spmem:s2] =	stream.indirect.scatter.add.f32 [tilespmem:s14], [sflag:$0x1], $0x20, s13, s13, $0xb8;
	[tilespmem:$0x9200] =	vst v63  }
0x54: {  	_ =	swait.ge [sflag:s11], $0x1000  }
0x55: {  	[sflag:s11] =	ssyncset.done $0x0  }
0x56: {  	[sflag:s11] =	ssyncadd.s32 $0xFFFFF000  }
0x57: {  	[spmem:s2] =	stream.indirect.scatter.add.f32 [tilespmem:s16], [sflag:$0x1], $0x20, s15, s13, $0xb8;
	[tilespmem:$0x9200] =	vst v63  }
0x58: {  	_ =	swait.ge [sflag:s11], $0x1000  }
0x59: {  	[sflag:s11] =	ssyncset.done $0x0  }
0x5a: {  	[sflag:s11] =	ssyncadd.s32 $0xFFFFF000  }
0x5b: {  	[spmem:s2] =	stream.indirect.scatter.add.f32 [tilespmem:s18], [sflag:$0x1], $0x20, s17, s13, $0xb8;
	[tilespmem:$0x9200] =	vst v63  }
0x5c: {  	_ =	swait.ge [sflag:s11], $0x1000  }
0x5d: {  	s19 =	sadd.s32 $0x1, s19;
	[sflag:s11] =	ssyncset.done $0x0  }
0x5e: {  	p0 =	sne.s32 s19, s6;
	[sflag:s11] =	ssyncadd.s32 $0xFFFFF000  }
.Ltmp1:
0x5f: {  	[bflag:$0x0] =	sbarrier.arrive $0xFFFF;
	(pc) =	sbr.rel @p0 .LBB2_1-.Ltmp1, $4  }
0x60: {  	[hbm:s7], [sflag:s5] =	dma.local [spmem:s10], $0xA00  }
0x61: {  	_ =	swait.ge [sflag:s11], $0xA00  }
0x62: {  	[sflag:s11] =	ssyncset.done $0x0  }
0x63: {  	[sflag:s11] =	ssyncadd.s32 $0xFFFFF600  }
0x64: {  	_ =	sfence.sel $0x180000  }
0x65: {  	[bflag:$0x0] =	sbarrier.arrive $0xFFFF  }
0x66: {  	p0 =	sne.s32 s1, $0x0;
	_ =	strace $0x9000004A  }
0x67: {  	s0 =	sadd.s32 @!p0 $0x100000, s0;
	[bflag:$0x2] =	sbarrier.arrive $0xFFFF  }
0x68: {  	[sflag:s0] =	ssyncadd.tile.s32 @!p0 $0x1;
	_ =	shalt  }
.Lfunc_end2:
_tile_overlayer_lowered:
.L_overlay_start_2:
0x69: {  	(tag) =	ssettag $0x2  }
0x6a: {  	s0 =	rddreg [dreg:$0x0];
	s2 =	stileid.u32  }
0x6b: {  	s1 =	rddreg [dreg:$0x1];
	p0 =	sne.s32 s2, $0x0  }
0x6c: {  	s3 =	rddreg [dreg:$0x2];
	[bflag:$0x3] =	sbarrier.arrive $0xFFFF;
	s2 =	simm.s32 @!p0 $0x1C01  }
0x6d: {  	[timem:s3], [sflag:s2] =	dma.local @!p0 [hbm:s0], s1  }
0x6e: {  	s0 =	simm.s32 @!p0 $0x1  }
0x6f: {  	_ =	swait.ge @!p0 [sflag:s0], s1  }
0x70: {  	s1 =	ssub.s32 @!p0 $0x0, s1;
	[sflag:s0] =	ssyncset.done @!p0 $0x0  }
0x71: {  	[sflag:s0] =	ssyncadd.s32 @!p0 s1  }
0x72: {  	[bflag:$0x3] =	sbarrier.arrive $0xFFFF  }
0x73: {  	_ =	shalt  }

// kernel: kernel.16.cloned.1.call-start
scs
__scs_entry_jumppad:
0x0: {  	(pc) =	sbr.rel $0x88, $3  }
0x1: {  	(tag) =	ssettag $0x0;
	lr =	simm.s32 $0x1  }
0x2: {  	[smem:$0x3F91] =	sst lr;
	_ =	strace $0xD0000000  }
0x3: {  	_ = 	snop  }
0x4: {  	_ = 	snop  }
0x5: {  	_ = 	snop  }
0x6: {  	_ = 	snop  }
0x7: {  	_ = 	snop  }
__scs_overlays_trampoline_lowered:
0x8: {  	[smem:$0x3FA0] =	sst s0  }
0x9: {  	[smem:$0x3FA1] =	sst s1  }
0xa: {  	[smem:$0x3FA2] =	sst s2  }
0xb: {  	[smem:$0x3FA3] =	sst s3  }
0xc: {  	[smem:$0x3FA4] =	sst s4  }
0xd: {  	[smem:$0x3FA5] =	sst s5  }
0xe: {  	[smem:$0x3FA6] =	sst s6  }
0xf: {  	[smem:$0x3FA7] =	sst s7  }
0x10: {  	[smem:$0x3FA8] =	sst s8  }
0x11: {  	[smem:$0x3FA9] =	sst s9;
	s0 =	simm.s32 @!p0 $0x0  }
0x12: {  	s1 =	sld [smem:$0x3F8F];
	s0 =	simm.s32 @p0 $0x1  }
0x13: {  	[smem:$0x3FAA] =	sst s0;
	s0 =	simm.s32 @!p1 $0x0  }
0x14: {  	s2 =	sld [smem:$0x3F8E];
	s0 =	simm.s32 @p1 $0x1  }
0x15: {  	[smem:$0x3FAB] =	sst s0;
	s0 =	simm.s32 @!p2 $0x0  }
0x16: {  	s3 =	sld [smem:$0x3FDB];
	s0 =	simm.s32 @p2 $0x1  }
0x17: {  	s4 =	simm.s32 $0x1BF5;
	[smem:$0x3FAD] =	sst s0  }
0x18: {  	s0 =	sld [smem:$0x3F90];
	_ =	swait.ge [sflag:s4], $0x0  }
0x19: {  	s7 =	sld [smem:$0x3F91]  }
0x1a: {  	s8 =	sadd.s32 $0xFFFFE003, lr  }
0x1b: {  	s9 =	sadd.s32 $0xFFFFFEF7, lr;
	s5 =	simm.s32 $0xFFFFFFFF;
	p2 =	slt.u32 s8, $0xFFFFF086  }
0x1c: {  	p1 =	slt.u32 s9, $0xF7A;
	s5 =	simm.s32 @!p2 $0x0  }
0x1d: {  	s5 =	simm.s32 @p1 $0x1;
	p0 =	seq.s32 s7, s2  }
0x1e: {  	s7 =	smul.u32 @!p0 $0xF7A, s2;
	p2 =	seq.s32 @!p0 s5, $0x0  }
0x1f: {  	s9 =	smul.u32 $0xF7A, s1;
	s8 =	simm.s32 @!p0 $0x1BF5;
	p2 =	por !p2, p0  }
0x20: {  	[sflag:s8] =	ssyncset.s32 @!p0 $0xFFFFF086;
	s6 =	sadd.s32 @!p0 s3, s7;
	s7 =	simm.s32 @!p0 $0x108  }
0x21: {  	s3 =	sadd.s32 s3, s9;
	s6 =	sadd.s32 @!p0 $0x88, s6;
	s7 =	simm.s32 @p2 $0x1082  }
0x22: {  	[simem:s7], [sflag:s8] =	dma.local @!p0 [hbm:s6], $0xF7A  }
0x23: {  	s9 =	sor.u32 $0xD0000000, s2;
	s6 =	simm.s32 $0x108;
	_ =	swait.ge @!p0 [sflag:s8], $0x0  }
0x24: {  	s3 =	sadd.s32 $0x88, s3;
	s6 =	simm.s32 @!p1 $0x1082;
	[sflag:s4] =	ssyncset.s32 $0xFFFFF086  }
0x25: {  	[simem:s6], [sflag:s4] =	dma.local [hbm:s3], $0xF7A  }
0x26: {  	[smem:$0x3F91] =	sst s1;
	(tag) =	ssettag s2;
	_ =	strace s9  }
0x27: {  	s1 =	sld [smem:$0x3FA1]  }
0x28: {  	s2 =	sld [smem:$0x3FA2]  }
0x29: {  	s4 =	sld [smem:$0x3FA4]  }
0x2a: {  	p0 =	seq.s32 s5, $0x0;
	s5 =	sld [smem:$0x3FA5]  }
0x2b: {  	s6 =	sld [smem:$0x3FA6]  }
0x2c: {  	s7 =	sld [smem:$0x3FA7]  }
0x2d: {  	s3 =	simm.s32 $0x108;
	s8 =	sld [smem:$0x3FA8]  }
0x2e: {  	s3 =	simm.s32 @!p0 $0x1082;
	s9 =	sld [smem:$0x3FA9]  }
0x2f: {  	lr =	sadd.s32 s0, s3;
	s0 =	sld [smem:$0x3FA0]  }
0x30: {  	s3 =	sld [smem:$0x3FA3]  }
0x31: {  	[smem:$0x3FAC] =	sst s10  }
0x32: {  	s10 =	sld [smem:$0x3FAA];
	_ =	sdelay $0x3  }
0x33: {  	p0 =	seq.s32 s10, $0x1;
	s10 =	sld [smem:$0x3FAC];
	_ =	sdelay $0x3  }
0x34: {  	[smem:$0x3FAC] =	sst s10  }
0x35: {  	s10 =	sld [smem:$0x3FAB];
	_ =	sdelay $0x3  }
0x36: {  	p1 =	seq.s32 s10, $0x1;
	s10 =	sld [smem:$0x3FAC];
	_ =	sdelay $0x3  }
0x37: {  	[smem:$0x3FAC] =	sst s10  }
0x38: {  	s10 =	sld [smem:$0x3FAD]  }
0x39: {  	_ = 	snop;
	(pc) =	sbr.ind lr, $3  }
0x3a: {  	_ = 	snop  }
0x3b: {  	_ = 	snop  }
0x3c: {  	p2 =	seq.s32 s10, $0x1;
	s10 =	sld [smem:$0x3FAC]  }
0x3d: {  	_ =	shalt  }
0x3e: {  	_ =	shalt  }
0x3f: {  	_ =	shalt  }
0x40: {  	_ =	shalt  }
0x41: {  	_ =	shalt  }
0x42: {  	_ =	shalt  }
0x43: {  	_ =	shalt  }
0x44: {  	_ =	shalt  }
0x45: {  	_ =	shalt  }
0x46: {  	_ =	shalt  }
0x47: {  	_ =	shalt  }
0x48: {  	_ =	shalt  }
0x49: {  	_ =	shalt  }
0x4a: {  	_ =	shalt  }
0x4b: {  	_ =	shalt  }
0x4c: {  	_ =	shalt  }
0x4d: {  	_ =	shalt  }
0x4e: {  	_ =	shalt  }
0x4f: {  	_ =	shalt  }
0x50: {  	_ =	shalt  }
0x51: {  	_ =	shalt  }
0x52: {  	_ =	shalt  }
0x53: {  	_ =	shalt  }
0x54: {  	_ =	shalt  }
0x55: {  	_ =	shalt  }
0x56: {  	_ =	shalt  }
0x57: {  	_ =	shalt  }
0x58: {  	_ =	shalt  }
0x59: {  	_ =	shalt  }
0x5a: {  	_ =	shalt  }
0x5b: {  	_ =	shalt  }
0x5c: {  	_ =	shalt  }
0x5d: {  	_ =	shalt  }
0x5e: {  	_ =	shalt  }
0x5f: {  	_ =	shalt  }
0x60: {  	_ =	shalt  }
0x61: {  	_ =	shalt  }
0x62: {  	_ =	shalt  }
0x63: {  	_ =	shalt  }
0x64: {  	_ =	shalt  }
0x65: {  	_ =	shalt  }
0x66: {  	_ =	shalt  }
0x67: {  	_ =	shalt  }
0x68: {  	_ =	shalt  }
0x69: {  	_ =	shalt  }
0x6a: {  	_ =	shalt  }
0x6b: {  	_ =	shalt  }
0x6c: {  	_ =	shalt  }
0x6d: {  	_ =	shalt  }
0x6e: {  	_ =	shalt  }
0x6f: {  	_ =	shalt  }
0x70: {  	_ =	shalt  }
0x71: {  	_ =	shalt  }
0x72: {  	_ =	shalt  }
0x73: {  	_ =	shalt  }
0x74: {  	_ =	shalt  }
0x75: {  	_ =	shalt  }
0x76: {  	_ =	shalt  }
0x77: {  	_ =	shalt  }
0x78: {  	_ =	shalt  }
0x79: {  	_ =	shalt  }
0x7a: {  	_ =	shalt  }
0x7b: {  	_ =	shalt  }
0x7c: {  	_ =	shalt  }
0x7d: {  	_ =	shalt  }
0x7e: {  	_ =	shalt  }
0x7f: {  	_ =	shalt  }
0x80: {  	_ =	shalt  }
0x81: {  	_ =	shalt  }
0x82: {  	_ =	shalt  }
0x83: {  	_ =	shalt  }
0x84: {  	_ =	shalt  }
0x85: {  	_ =	shalt  }
0x86: {  	_ =	shalt  }
0x87: {  	_ =	shalt  }
.Lfunc_end0:
.L_simem_size_0:
called_computation.2_lowered:
.L_overlay_start_0:
0x88: {  	s2 =	sld [smem:$0x3FD9]  }
0x89: {  	s3 =	sld [smem:$0x3FFE];
	_ =	sdelay $0x1  }
0x8a: {  	s1 =	srdreg.scid  }
0x8b: {  	s0 =	sand.u32 $0x1, s1  }
0x8c: {  	s17 =	sshll.u32 s0, $0xA;
	s2 =	sadd.s32 s3, s2  }
0x8d: {  	s2 =	sadd.s32 s2, s17  }
0x8e: {  	[smem:$0x3FB8] =	sst s2  }
0x8f: {  	_ = 	snop  }
0x90: {  	s2 =	sld [smem:$0x3FD0];
	(tm) =	ssettm $0x1  }
0x91: {  	s18 =	sld [smem:$0x3FFB];
	_ =	sdelay $0x3  }
0x92: {  	_ =	strace s18  }
0x93: {  	s3 =	sld [smem:$0x3FFC];
	_ =	sdelay $0x3  }
0x94: {  	_ =	strace s3  }
0x95: {  	s3 =	sld [smem:$0x3FFD];
	_ =	sdelay $0x3  }
0x96: {  	_ =	strace s3  }
0x97: {  	_ =	strace $0x8FFFFFFF  }
0x98: {  	s19 =	sld [smem:$0x3FDB];
	_ =	sdelay $0x1  }
0x99: {  	s4 =	simm.s32 $_scs_section_size  }
0x9a: {  	s5 =	simm.s32 $_size__tile_overlayer_lowered;
	s6 =	simm.s32 $_tile_overlayer_lowered  }
0x9b: {  	s22 =	simm.s32 $0x1BFF;
	s21 =	sshll.u32 s6, $0x1;
	s3 =	sadd.s32 s4, s19  }
0x9c: {  	s7 =	simm.s32 $0x0;
	s20 =	sshll.u32 s5, $0x1;
	s5 =	sadd.s32 s21, s3  }
0x9d: {  	[timem:s7], [sflag:s22] =	dma.local [hbm:s5], s20  }
0x9e: {  	_ =	swait.ge [sflag:s22], s20  }
0x9f: {  	s4 =	ssub.s32 $0x0, s20;
	[sflag:s22] =	ssyncset.done $0x0  }
0xa0: {  	[sflag:s22] =	ssyncadd.s32 s4;
	_ =	sdelay $0x1  }
0xa1: {  	s23 =	simm.s32 $0x1B8B  }
0xa2: {  	_ =	swait.ge [sflag:s23], $0x1  }
0xa3: {  	[sflag:s23] =	ssyncset.done $0x0  }
0xa4: {  	s25 =	simm.s32 $0x1B8E;
	s24 =	sld [smem:$0x3FFE];
	[sflag:s23] =	ssyncadd.s32 $0xFFFFFFFF  }
0xa5: {  	s26 =	simm.s32 $execute0_lowered;
	[smem:$0x3FD2] =	sst s25  }
0xa6: {  	s5 =	sshll.u32 s26, $0x1;
	_ =	strace $0x8000004C;
	[dreg:$0x1] =	wrdreg $0xFFFFFFFF  }
0xa7: {  	s28 =	simm.s32 $_size_execute0_lowered;
	s3 =	sadd.s32 s3, s5;
	[dreg:$0x0] =	wrdreg $0x0  }
0xa8: {  	s5 =	sshll.u32 s28, $0x1;
	[dreg:$0x2] =	wrdreg s3  }
0xa9: {  	[dreg:$0x3] =	wrdreg s5  }
0xaa: {  	[dreg:$0x4] =	wrdreg $0xC0  }
0xab: {  	_ =	task [dreg:s7], $0x5FFFF  }
0xac: {  	[dreg:$0x1] =	wrdreg $0xFFFFFFFF  }
0xad: {  	[dreg:$0x0] =	wrdreg $0x60  }
0xae: {  	[dreg:$0x2] =	wrdreg s24  }
0xaf: {  	[dreg:$0x3] =	wrdreg s2  }
0xb0: {  	[dreg:$0x4] =	wrdreg $0x9  }
0xb1: {  	_ =	task.clear_ibuf [dreg:s7], $0x5FFFF;
	_ =	strace $0x9000004C  }
0xb2: {  	s29 =	simm.s32 $0x9;
	_ =	strace $0x8000004E  }
0xb3: {  	_ =	swait.ge [sflag:s29], $0x1  }
0xb4: {  	[sflag:s29] =	ssyncadd.s32 $0xFFFFFFFF  }
0xb5: {  	_ =	strace $0x9000004E  }
0xb6: {  	_ =	sfence  }
0xb7: {  	s30 =	sld [smem:$0x0];
	_ =	sdelay $0x2  }
0xb8: {  	s31 =	sshll.u32 s1, $0xD;
	s1 =	sshrl.u32 s1, $0x2  }
0xb9: {  	s3 =	sand.u32 $0x4000, s31;
	s1 =	sadd.s32 s1, s30  }
0xba: {  	s0 =	sor.u32 s3, s0;
	s1 =	sshll.u32 s1, $0x11  }
0xbb: {  	s0 =	sor.u32 s1, s0  }
0xbc: {  	s0 =	sadd.s32 $0x8F2B, s0  }
0xbd: {  	[sflag:s0] =	ssyncadd.remote.s32 $0x1  }
0xbe: {  	_ =	sfence.sel $0xFFFF  }
0xbf: {  	[dreg:$0x0] =	wrdreg $0xFFFFFFFF;
	(pc) =	sbr.abs _section_cstart, $3  }
0xc0: {  	[dreg:$0x1] =	wrdreg $0xFFFFFFFF  }
0xc1: {  	_ =	task.clear_ibuf [dreg:s7], $0x2FFFF;
	_ =	strace $0x9FFFFFFF  }
0xc2: {  	(tm) =	ssettm $0x7FFFFFFF  }
0xc3: {  	_ =	shalt  }
tec
execute0_lowered:
.L_overlay_start_1:
0x0: {  	(tag) =	ssettag $0x1  }
0x1: {  	s1 =	srdreg.scid;
	s8 =	rddreg [dreg:$0x0]  }
0x2: {  	s0 =	stileid.u32;
	s2 =	rddreg [dreg:$0x1];
	s3 =	simm.s32 $0x0  }
0x3: {  	s13 =	simm.s32 $0x9;
	s14 =	simm.s32 $0x1400;
	s15 =	simm.s32 $0x80  }
0x4: {  	s19 =	simm.s32 $0x13800;
	s20 =	simm.s32 $0x1;
	s21 =	simm.s32 $0x2  }
0x5: {  	s22 =	simm.s32 $0x3;
	s23 =	simm.s32 $0x4;
	s24 =	simm.s32 $0x5  }
0x6: {  	s25 =	simm.s32 $0x6;
	s26 =	simm.s32 $0x7;
	s28 =	simm.s32 $0x8  }
0x7: {  	s29 =	simm.s32 $0x0;
	s7 =	sand.u32 $0x1, s1;
	[smem:$0x7FF] =	sst s3  }
0x8: {  	s31 =	sshll.u32 s0, $0x1;
	s4 =	sadd.s32 $0x60A200, s8;
	s6 =	sadd.s32 $0x293400, s8  }
.Ltmp0:
0x9: {  	s9 =	sor.u32 s7, s31;
	s10 =	ssub.s32 $0x2, s7;
	(pc) =	sbr.rel .LBB2_1-.Ltmp0, $4  }
0xa: {  	_ =	strace $0x8000004D;
	s5 =	smul.u32 $0x280, s9;
	s12 =	sshrl.u32 s10, $0x1  }
0xb: {  	s7 =	sadd.s32 $0x6C1A00, s8;
	s9 =	smul.u32 $0x28, s9;
	s12 =	ssub.s32 s10, s12  }
0xc: {  	s11 =	sadd.s32 s5, s8;
	s5 =	sadd.s32 $0x13400, s8;
	s8 =	sadd.s32 $0x658600, s8  }
0xd: {  	s12 =	smax.u32 s12, $0x1;
	s10 =	sadd.s32 $0xE400, s11;
	s11 =	sadd.s32 $0x9400, s11  }
.LBB2_7:
0xe: {  	_ =	swait.ge [sflag:s24], $0x4000  }
0xf: {  	[sflag:s24] =	ssyncset.done $0x0  }
0x10: {  	[sflag:s24] =	ssyncadd.s32 $0xFFFFC000  }
0x11: {  	_ =	swait.ge [sflag:s25], $0x4000  }
0x12: {  	[sflag:s25] =	ssyncset.done $0x0  }
0x13: {  	[sflag:s25] =	ssyncadd.s32 $0xFFFFC000  }
0x14: {  	_ =	swait.ge [sflag:s26], $0x800  }
0x15: {  	[sflag:s26] =	ssyncset.done $0x0  }
0x16: {  	[sflag:s26] =	ssyncadd.s32 $0xFFFFF800  }
0x17: {  	_ =	swait.ge [sflag:s28], $0x800  }
0x18: {  	[sflag:s28] =	ssyncset.done $0x0  }
0x19: {  	[sflag:s28] =	ssyncadd.s32 $0xFFFFF800  }
0x1a: {  	_ =	swait.ge [sflag:s24], $0x4000  }
0x1b: {  	[sflag:s24] =	ssyncset.done $0x0  }
0x1c: {  	[sflag:s24] =	ssyncadd.s32 $0xFFFFC000  }
0x1d: {  	_ =	swait.ge [sflag:s25], $0x4000  }
0x1e: {  	[sflag:s25] =	ssyncset.done $0x0  }
0x1f: {  	s29 =	sadd.s32 $0x1, s29;
	[sflag:s25] =	ssyncadd.s32 $0xFFFFC000  }
0x20: {  	p0 =	sne.s32 s29, s12;
	_ =	swait.ge [sflag:s26], $0x800  }
.Ltmp1:
0x21: {  	[sflag:s26] =	ssyncset.done $0x0;
	(pc) =	sbr.rel @!p0 .LBB2_8-.Ltmp1, $4  }
0x22: {  	[sflag:s26] =	ssyncadd.s32 $0xFFFFF800  }
0x23: {  	_ =	swait.ge [sflag:s28], $0x800  }
0x24: {  	[sflag:s28] =	ssyncset.done $0x0  }
0x25: {  	[sflag:s28] =	ssyncadd.s32 $0xFFFFF800  }
.LBB2_1:
0x26: {  	[tilespmem:s3], [sflag:$0x9] =	stream.linear.gather [hbm4b:s10+s3], $0x1400, $0x38;
	[tilespmem:$0x14800] =	vst v63  }
0x27: {  	_ =	swait.ge [sflag:s13], $0x1400  }
0x28: {  	[sflag:s13] =	ssyncset.done $0x0  }
0x29: {  	[sflag:s13] =	ssyncadd.s32 $0xFFFFEC00  }
0x2a: {  	[tilespmem:s14], [sflag:$0x9] =	stream.linear.gather [hbm4b:s11+s3], $0x1400, $0x38;
	[tilespmem:$0x14800] =	vst v63  }
0x2b: {  	_ =	swait.ge [sflag:s13], $0x1400  }
0x2c: {  	[sflag:s13] =	ssyncset.done $0x0  }
0x2d: {  	s0 =	simm.s32 $0x2800;
	[sflag:s13] =	ssyncadd.s32 $0xFFFFEC00  }
0x2e: {  	[tilespmem:s0], [sflag:$0x1] =	stream.indirect.gather [hbm4b:s4+s15], $0x80, s3, s15, $0xb8;
	[tilespmem:$0x14800] =	vst v63  }
0x2f: {  	s18 =	simm.s32 $0xA800  }
0x30: {  	[tilespmem:s18], [sflag:$0x2] =	stream.indirect.gather [hbm4b:s4+s15], $0x80, s14, s15, $0xb8;
	[tilespmem:$0x14800] =	vst v63  }
.Ltmp2:
0x31: {  	_ = 	snop;
	(pc) =	sbr.rel .LBB2_2-.Ltmp2, $4  }
0x32: {  	s31 =	simm.s32 $0x12800  }
0x33: {  	[tilespmem:s31], [sflag:$0x3] =	stream.indirect.gather [hbm4b:s2+s15], $0x10, s3, s15, $0xb8;
	[tilespmem:$0x14800] =	vst v63  }
0x34: {  	s30 =	simm.s32 $0x0  }
0x35: {  	[tilespmem:s19], [sflag:$0x4] =	stream.indirect.gather [hbm4b:s2+s15], $0x10, s14, s15, $0xb8;
	[tilespmem:$0x14800] =	vst v63  }
.LBB2_5:
0x36: {  	s31 =	sadd.s32 $0x1, s30  }
0x37: {  	s1 =	sand.u32 $0x1, s31  }
0x38: {  	s0 =	sshll.u32 s1, $0xE  }
0x39: {  	s17 =	sshll.u32 s31, $0x7;
	s16 =	sor.u32 $0x2800, s0  }
0x3a: {  	[tilespmem:s16], [sflag:$0x1] =	stream.indirect.gather [hbm4b:s4+s15], $0x80, s17, s15, $0xb8;
	[tilespmem:$0x14800] =	vst v63  }
0x3b: {  	s18 =	sshll.u32 s1, $0xB;
	s0 =	sor.u32 $0xA800, s0;
	s16 =	sadd.s32 $0x1400, s17  }
0x3c: {  	[tilespmem:s0], [sflag:$0x2] =	stream.indirect.gather [hbm4b:s4+s15], $0x80, s16, s15, $0xb8;
	[tilespmem:$0x14800] =	vst v63  }
0x3d: {  	s1 =	sadd.s32 $0x12800, s18  }
0x3e: {  	[tilespmem:s1], [sflag:$0x3] =	stream.indirect.gather [hbm4b:s2+s15], $0x10, s17, s15, $0xb8;
	[tilespmem:$0x14800] =	vst v63  }
0x3f: {  	s0 =	sadd.s32 $0x13800, s18  }
0x40: {  	[tilespmem:s0], [sflag:$0x4] =	stream.indirect.gather [hbm4b:s2+s15], $0x10, s16, s15, $0xb8;
	[tilespmem:$0x14800] =	vst v63  }
.LBB2_6:
0x41: {  	_ =	swait.ge [sflag:s20], $0x4000  }
0x42: {  	[sflag:s20] =	ssyncset.done $0x0  }
0x43: {  	[sflag:s20] =	ssyncadd.s32 $0xFFFFC000  }
0x44: {  	_ =	swait.ge [sflag:s21], $0x4000  }
0x45: {  	[sflag:s21] =	ssyncset.done $0x0  }
0x46: {  	[sflag:s21] =	ssyncadd.s32 $0xFFFFC000  }
0x47: {  	_ =	swait.ge [sflag:s22], $0x800  }
0x48: {  	[sflag:s22] =	ssyncset.done $0x0  }
0x49: {  	[sflag:s22] =	ssyncadd.s32 $0xFFFFF800  }
0x4a: {  	s0 =	sand.u32 $0x1, s30;
	s1 =	sadd.s32 s9, s30;
	_ =	swait.ge [sflag:s23], $0x800  }
0x4b: {  	s16 =	sshll.u32 s1, $0xB;
	s17 =	sshll.u32 s0, $0xE;
	[sflag:s23] =	ssyncset.done $0x0  }
0x4c: {  	s30 =	sadd.s32 s5, s16;
	s18 =	sor.u32 $0x2800, s17;
	[sflag:s23] =	ssyncadd.s32 $0xFFFFF800  }
0x4d: {  	[hbm4b:s30+s3] =	stream.linear.scatter [tilespmem:s18], [sflag:$0x5], $0x4000, $0x38;
	[tilespmem:$0x14800] =	vst v63  }
0x4e: {  	p0 =	sne.s32 s31, $0x28;
	s16 =	sadd.s32 s6, s16;
	s17 =	sor.u32 $0xA800, s17  }
0x4f: {  	[hbm4b:s16+s3] =	stream.linear.scatter [tilespmem:s17], [sflag:$0x6], $0x4000, $0x38;
	[tilespmem:$0x14800] =	vst v63  }
.Ltmp3:
0x50: {  	s1 =	sshll.u32 s1, $0x8;
	s0 =	sshll.u32 s0, $0xB;
	(pc) =	sbr.rel @!p0 .LBB2_7-.Ltmp3, $4  }
0x51: {  	s18 =	sadd.s32 $0x12800, s0;
	s17 =	sadd.s32 s7, s1  }
0x52: {  	[hbm4b:s17+s3] =	stream.linear.scatter [tilespmem:s18], [sflag:$0x7], $0x800, $0x38;
	[tilespmem:$0x14800] =	vst v63  }
0x53: {  	s0 =	sadd.s32 $0x13800, s0;
	s30 =	smov.u32 s31;
	s1 =	sadd.s32 s8, s1  }
0x54: {  	[hbm4b:s1+s3] =	stream.linear.scatter [tilespmem:s0], [sflag:$0x8], $0x800, $0x38;
	[tilespmem:$0x14800] =	vst v63  }
.LBB2_2:
0x55: {  	p0 =	seq.s32 s30, $0x0  }
.Ltmp4:
0x56: {  	_ = 	snop;
	(pc) =	sbr.rel @p0 .LBB2_5-.Ltmp4, $1  }
0x57: {  	_ =	sdelay $0x3  }
0x58: {  	p0 =	seq.s32 s30, $0x27  }
.Ltmp5:
0x59: {  	_ = 	snop;
	(pc) =	sbr.rel @p0 .LBB2_6-.Ltmp5, $2  }
0x5a: {  	_ =	sdelay $0x2  }
0x5b: {  	s31 =	simm.s32 $0x28  }
0x5c: {  	_ =	swait.ge [sflag:s24], $0x4000  }
0x5d: {  	[sflag:s24] =	ssyncset.done $0x0  }
0x5e: {  	[sflag:s24] =	ssyncadd.s32 $0xFFFFC000  }
0x5f: {  	_ =	swait.ge [sflag:s25], $0x4000  }
0x60: {  	[sflag:s25] =	ssyncset.done $0x0  }
0x61: {  	[sflag:s25] =	ssyncadd.s32 $0xFFFFC000  }
0x62: {  	_ =	swait.ge [sflag:s26], $0x800  }
.Ltmp6:
0x63: {  	[sflag:s26] =	ssyncset.done $0x0;
	(pc) =	sbr.rel .LBB2_5-.Ltmp6, $4  }
0x64: {  	[sflag:s26] =	ssyncadd.s32 $0xFFFFF800  }
0x65: {  	_ =	swait.ge [sflag:s28], $0x800  }
0x66: {  	[sflag:s28] =	ssyncset.done $0x0  }
0x67: {  	[sflag:s28] =	ssyncadd.s32 $0xFFFFF800  }
.LBB2_8:
0x68: {  	_ =	sfence.sel $0x180000  }
0x69: {  	[bflag:$0x0] =	sbarrier.arrive $0xFFFF  }
0x6a: {  	_ =	strace $0x9000004D  }
0x6b: {  	s0 =	stileid.u32;
	[bflag:$0x2] =	sbarrier.arrive $0xFFFF  }
0x6c: {  	p0 =	sne.s32 s0, $0x0;
	s0 =	rddreg [dreg:$0x2]  }
0x6d: {  	s0 =	sadd.s32 @!p0 $0x100000, s0  }
0x6e: {  	[sflag:s0] =	ssyncadd.tile.s32 @!p0 $0x1;
	_ =	shalt  }
.Lfunc_end2:
_tile_overlayer_lowered:
.L_overlay_start_2:
0x6f: {  	(tag) =	ssettag $0x2  }
0x70: {  	s0 =	rddreg [dreg:$0x0];
	s2 =	stileid.u32  }
0x71: {  	s1 =	rddreg [dreg:$0x1];
	p0 =	sne.s32 s2, $0x0  }
0x72: {  	s3 =	rddreg [dreg:$0x2];
	[bflag:$0x3] =	sbarrier.arrive $0xFFFF;
	s2 =	simm.s32 @!p0 $0x1C09  }
0x73: {  	[timem:s3], [sflag:s2] =	dma.local @!p0 [hbm:s0], s1  }
0x74: {  	s0 =	simm.s32 @!p0 $0x9  }
0x75: {  	_ =	swait.ge @!p0 [sflag:s0], s1  }
0x76: {  	s1 =	ssub.s32 @!p0 $0x0, s1;
	[sflag:s0] =	ssyncset.done @!p0 $0x0  }
0x77: {  	[sflag:s0] =	ssyncadd.s32 @!p0 s1  }
0x78: {  	[bflag:$0x3] =	sbarrier.arrive $0xFFFF  }
0x79: {  	_ =	shalt  }

// kernel: kernel.19.cloned.1.call-start
scs
__scs_entry_jumppad:
0x0: {  	(pc) =	sbr.rel $0x88, $3  }
0x1: {  	(tag) =	ssettag $0x0;
	lr =	simm.s32 $0x1  }
0x2: {  	[smem:$0x3F91] =	sst lr;
	_ =	strace $0xD0000000  }
0x3: {  	_ = 	snop  }
0x4: {  	_ = 	snop  }
0x5: {  	_ = 	snop  }
0x6: {  	_ = 	snop  }
0x7: {  	_ = 	snop  }
__scs_overlays_trampoline_lowered:
0x8: {  	[smem:$0x3FA0] =	sst s0  }
0x9: {  	[smem:$0x3FA1] =	sst s1  }
0xa: {  	[smem:$0x3FA2] =	sst s2  }
0xb: {  	[smem:$0x3FA3] =	sst s3  }
0xc: {  	[smem:$0x3FA4] =	sst s4  }
0xd: {  	[smem:$0x3FA5] =	sst s5  }
0xe: {  	[smem:$0x3FA6] =	sst s6  }
0xf: {  	[smem:$0x3FA7] =	sst s7  }
0x10: {  	[smem:$0x3FA8] =	sst s8  }
0x11: {  	[smem:$0x3FA9] =	sst s9;
	s0 =	simm.s32 @!p0 $0x0  }
0x12: {  	s1 =	sld [smem:$0x3F8F];
	s0 =	simm.s32 @p0 $0x1  }
0x13: {  	[smem:$0x3FAA] =	sst s0;
	s0 =	simm.s32 @!p1 $0x0  }
0x14: {  	s2 =	sld [smem:$0x3F8E];
	s0 =	simm.s32 @p1 $0x1  }
0x15: {  	[smem:$0x3FAB] =	sst s0;
	s0 =	simm.s32 @!p2 $0x0  }
0x16: {  	s3 =	sld [smem:$0x3FDB];
	s0 =	simm.s32 @p2 $0x1  }
0x17: {  	s4 =	simm.s32 $0x1BF5;
	[smem:$0x3FAD] =	sst s0  }
0x18: {  	s0 =	sld [smem:$0x3F90];
	_ =	swait.ge [sflag:s4], $0x0  }
0x19: {  	s7 =	sld [smem:$0x3F91]  }
0x1a: {  	s8 =	sadd.s32 $0xFFFFE003, lr  }
0x1b: {  	s9 =	sadd.s32 $0xFFFFFEF7, lr;
	s5 =	simm.s32 $0xFFFFFFFF;
	p2 =	slt.u32 s8, $0xFFFFF086  }
0x1c: {  	p1 =	slt.u32 s9, $0xF7A;
	s5 =	simm.s32 @!p2 $0x0  }
0x1d: {  	s5 =	simm.s32 @p1 $0x1;
	p0 =	seq.s32 s7, s2  }
0x1e: {  	s7 =	smul.u32 @!p0 $0xF7A, s2;
	p2 =	seq.s32 @!p0 s5, $0x0  }
0x1f: {  	s9 =	smul.u32 $0xF7A, s1;
	s8 =	simm.s32 @!p0 $0x1BF5;
	p2 =	por !p2, p0  }
0x20: {  	[sflag:s8] =	ssyncset.s32 @!p0 $0xFFFFF086;
	s6 =	sadd.s32 @!p0 s3, s7;
	s7 =	simm.s32 @!p0 $0x108  }
0x21: {  	s3 =	sadd.s32 s3, s9;
	s6 =	sadd.s32 @!p0 $0x88, s6;
	s7 =	simm.s32 @p2 $0x1082  }
0x22: {  	[simem:s7], [sflag:s8] =	dma.local @!p0 [hbm:s6], $0xF7A  }
0x23: {  	s9 =	sor.u32 $0xD0000000, s2;
	s6 =	simm.s32 $0x108;
	_ =	swait.ge @!p0 [sflag:s8], $0x0  }
0x24: {  	s3 =	sadd.s32 $0x88, s3;
	s6 =	simm.s32 @!p1 $0x1082;
	[sflag:s4] =	ssyncset.s32 $0xFFFFF086  }
0x25: {  	[simem:s6], [sflag:s4] =	dma.local [hbm:s3], $0xF7A  }
0x26: {  	[smem:$0x3F91] =	sst s1;
	(tag) =	ssettag s2;
	_ =	strace s9  }
0x27: {  	s1 =	sld [smem:$0x3FA1]  }
0x28: {  	s2 =	sld [smem:$0x3FA2]  }
0x29: {  	s4 =	sld [smem:$0x3FA4]  }
0x2a: {  	p0 =	seq.s32 s5, $0x0;
	s5 =	sld [smem:$0x3FA5]  }
0x2b: {  	s6 =	sld [smem:$0x3FA6]  }
0x2c: {  	s7 =	sld [smem:$0x3FA7]  }
0x2d: {  	s3 =	simm.s32 $0x108;
	s8 =	sld [smem:$0x3FA8]  }
0x2e: {  	s3 =	simm.s32 @!p0 $0x1082;
	s9 =	sld [smem:$0x3FA9]  }
0x2f: {  	lr =	sadd.s32 s0, s3;
	s0 =	sld [smem:$0x3FA0]  }
0x30: {  	s3 =	sld [smem:$0x3FA3]  }
0x31: {  	[smem:$0x3FAC] =	sst s10  }
0x32: {  	s10 =	sld [smem:$0x3FAA];
	_ =	sdelay $0x3  }
0x33: {  	p0 =	seq.s32 s10, $0x1;
	s10 =	sld [smem:$0x3FAC];
	_ =	sdelay $0x3  }
0x34: {  	[smem:$0x3FAC] =	sst s10  }
0x35: {  	s10 =	sld [smem:$0x3FAB];
	_ =	sdelay $0x3  }
0x36: {  	p1 =	seq.s32 s10, $0x1;
	s10 =	sld [smem:$0x3FAC];
	_ =	sdelay $0x3  }
0x37: {  	[smem:$0x3FAC] =	sst s10  }
0x38: {  	s10 =	sld [smem:$0x3FAD]  }
0x39: {  	_ = 	snop;
	(pc) =	sbr.ind lr, $3  }
0x3a: {  	_ = 	snop  }
0x3b: {  	_ = 	snop  }
0x3c: {  	p2 =	seq.s32 s10, $0x1;
	s10 =	sld [smem:$0x3FAC]  }
0x3d: {  	_ =	shalt  }
0x3e: {  	_ =	shalt  }
0x3f: {  	_ =	shalt  }
0x40: {  	_ =	shalt  }
0x41: {  	_ =	shalt  }
0x42: {  	_ =	shalt  }
0x43: {  	_ =	shalt  }
0x44: {  	_ =	shalt  }
0x45: {  	_ =	shalt  }
0x46: {  	_ =	shalt  }
0x47: {  	_ =	shalt  }
0x48: {  	_ =	shalt  }
0x49: {  	_ =	shalt  }
0x4a: {  	_ =	shalt  }
0x4b: {  	_ =	shalt  }
0x4c: {  	_ =	shalt  }
0x4d: {  	_ =	shalt  }
0x4e: {  	_ =	shalt  }
0x4f: {  	_ =	shalt  }
0x50: {  	_ =	shalt  }
0x51: {  	_ =	shalt  }
0x52: {  	_ =	shalt  }
0x53: {  	_ =	shalt  }
0x54: {  	_ =	shalt  }
0x55: {  	_ =	shalt  }
0x56: {  	_ =	shalt  }
0x57: {  	_ =	shalt  }
0x58: {  	_ =	shalt  }
0x59: {  	_ =	shalt  }
0x5a: {  	_ =	shalt  }
0x5b: {  	_ =	shalt  }
0x5c: {  	_ =	shalt  }
0x5d: {  	_ =	shalt  }
0x5e: {  	_ =	shalt  }
0x5f: {  	_ =	shalt  }
0x60: {  	_ =	shalt  }
0x61: {  	_ =	shalt  }
0x62: {  	_ =	shalt  }
0x63: {  	_ =	shalt  }
0x64: {  	_ =	shalt  }
0x65: {  	_ =	shalt  }
0x66: {  	_ =	shalt  }
0x67: {  	_ =	shalt  }
0x68: {  	_ =	shalt  }
0x69: {  	_ =	shalt  }
0x6a: {  	_ =	shalt  }
0x6b: {  	_ =	shalt  }
0x6c: {  	_ =	shalt  }
0x6d: {  	_ =	shalt  }
0x6e: {  	_ =	shalt  }
0x6f: {  	_ =	shalt  }
0x70: {  	_ =	shalt  }
0x71: {  	_ =	shalt  }
0x72: {  	_ =	shalt  }
0x73: {  	_ =	shalt  }
0x74: {  	_ =	shalt  }
0x75: {  	_ =	shalt  }
0x76: {  	_ =	shalt  }
0x77: {  	_ =	shalt  }
0x78: {  	_ =	shalt  }
0x79: {  	_ =	shalt  }
0x7a: {  	_ =	shalt  }
0x7b: {  	_ =	shalt  }
0x7c: {  	_ =	shalt  }
0x7d: {  	_ =	shalt  }
0x7e: {  	_ =	shalt  }
0x7f: {  	_ =	shalt  }
0x80: {  	_ =	shalt  }
0x81: {  	_ =	shalt  }
0x82: {  	_ =	shalt  }
0x83: {  	_ =	shalt  }
0x84: {  	_ =	shalt  }
0x85: {  	_ =	shalt  }
0x86: {  	_ =	shalt  }
0x87: {  	_ =	shalt  }
.Lfunc_end0:
.L_simem_size_0:
called_computation.3_lowered:
.L_overlay_start_0:
0x88: {  	s2 =	sld [smem:$0x3FD9]  }
0x89: {  	s3 =	sld [smem:$0x3FFE];
	_ =	sdelay $0x1  }
0x8a: {  	s1 =	srdreg.scid  }
0x8b: {  	s0 =	sand.u32 $0x1, s1  }
0x8c: {  	s17 =	sshll.u32 s0, $0xA;
	s2 =	sadd.s32 s3, s2  }
0x8d: {  	s2 =	sadd.s32 s2, s17  }
0x8e: {  	[smem:$0x3FB8] =	sst s2  }
0x8f: {  	_ = 	snop  }
0x90: {  	s2 =	sld [smem:$0x3FD0];
	(tm) =	ssettm $0x1  }
0x91: {  	s18 =	sld [smem:$0x3FFB];
	_ =	sdelay $0x3  }
0x92: {  	_ =	strace s18  }
0x93: {  	s3 =	sld [smem:$0x3FFC];
	_ =	sdelay $0x3  }
0x94: {  	_ =	strace s3  }
0x95: {  	s3 =	sld [smem:$0x3FFD];
	_ =	sdelay $0x3  }
0x96: {  	_ =	strace s3  }
0x97: {  	_ =	strace $0x8FFFFFFF  }
0x98: {  	s19 =	sld [smem:$0x3FDB];
	_ =	sdelay $0x1  }
0x99: {  	s4 =	simm.s32 $_scs_section_size  }
0x9a: {  	s5 =	simm.s32 $_size__tile_overlayer_lowered;
	s6 =	simm.s32 $_tile_overlayer_lowered  }
0x9b: {  	s22 =	simm.s32 $0x1BFF;
	s21 =	sshll.u32 s6, $0x1;
	s3 =	sadd.s32 s4, s19  }
0x9c: {  	s7 =	simm.s32 $0x0;
	s20 =	sshll.u32 s5, $0x1;
	s5 =	sadd.s32 s21, s3  }
0x9d: {  	[timem:s7], [sflag:s22] =	dma.local [hbm:s5], s20  }
0x9e: {  	_ =	swait.ge [sflag:s22], s20  }
0x9f: {  	s4 =	ssub.s32 $0x0, s20;
	[sflag:s22] =	ssyncset.done $0x0  }
0xa0: {  	[sflag:s22] =	ssyncadd.s32 s4;
	_ =	sdelay $0x1  }
0xa1: {  	s23 =	simm.s32 $0x1B8B  }
0xa2: {  	_ =	swait.ge [sflag:s23], $0x1  }
0xa3: {  	[sflag:s23] =	ssyncset.done $0x0  }
0xa4: {  	s25 =	simm.s32 $0x1B8E;
	s24 =	sld [smem:$0x3FFE];
	[sflag:s23] =	ssyncadd.s32 $0xFFFFFFFF  }
0xa5: {  	s26 =	simm.s32 $execute0_lowered;
	[smem:$0x3FD2] =	sst s25  }
0xa6: {  	s5 =	sshll.u32 s26, $0x1;
	_ =	strace $0x8000004F;
	[dreg:$0x1] =	wrdreg $0xFFFFFFFF  }
0xa7: {  	s28 =	simm.s32 $_size_execute0_lowered;
	s3 =	sadd.s32 s3, s5;
	[dreg:$0x0] =	wrdreg $0x0  }
0xa8: {  	s5 =	sshll.u32 s28, $0x1;
	[dreg:$0x2] =	wrdreg s3  }
0xa9: {  	[dreg:$0x3] =	wrdreg s5  }
0xaa: {  	[dreg:$0x4] =	wrdreg $0xC0  }
0xab: {  	_ =	task [dreg:s7], $0x5FFFF  }
0xac: {  	[dreg:$0x1] =	wrdreg $0xFFFFFFFF  }
0xad: {  	[dreg:$0x0] =	wrdreg $0x60  }
0xae: {  	[dreg:$0x2] =	wrdreg s24  }
0xaf: {  	[dreg:$0x3] =	wrdreg s2  }
0xb0: {  	[dreg:$0x4] =	wrdreg $0x42000  }
0xb1: {  	[dreg:$0x5] =	wrdreg $0x9  }
0xb2: {  	_ =	task.clear_ibuf [dreg:s7], $0x6FFFF;
	_ =	strace $0x9000004F  }
0xb3: {  	s29 =	simm.s32 $0x9;
	_ =	strace $0x80000051  }
0xb4: {  	_ =	swait.ge [sflag:s29], $0x1  }
0xb5: {  	[sflag:s29] =	ssyncadd.s32 $0xFFFFFFFF  }
0xb6: {  	_ =	strace $0x90000051  }
0xb7: {  	_ =	sfence  }
0xb8: {  	s30 =	sld [smem:$0x0];
	_ =	sdelay $0x2  }
0xb9: {  	s31 =	sshll.u32 s1, $0xD;
	s1 =	sshrl.u32 s1, $0x2  }
0xba: {  	s3 =	sand.u32 $0x4000, s31;
	s1 =	sadd.s32 s1, s30  }
0xbb: {  	s0 =	sor.u32 s3, s0;
	s1 =	sshll.u32 s1, $0x11  }
0xbc: {  	s0 =	sor.u32 s1, s0  }
0xbd: {  	s0 =	sadd.s32 $0x8F2B, s0  }
0xbe: {  	[sflag:s0] =	ssyncadd.remote.s32 $0x1  }
0xbf: {  	_ =	sfence.sel $0xFFFF  }
0xc0: {  	[dreg:$0x0] =	wrdreg $0xFFFFFFFF;
	(pc) =	sbr.abs _section_cstart, $3  }
0xc1: {  	[dreg:$0x1] =	wrdreg $0xFFFFFFFF  }
0xc2: {  	_ =	task.clear_ibuf [dreg:s7], $0x2FFFF;
	_ =	strace $0x9FFFFFFF  }
0xc3: {  	(tm) =	ssettm $0x7FFFFFFF  }
tec
execute0_lowered:
.L_overlay_start_1:
0x0: {  	(tag) =	ssettag $0x1  }
0x1: {  	s4 =	rddreg [dreg:$0x0]  }
0x2: {  	s7 =	rddreg [dreg:$0x1];
	s0 =	srdreg.scid  }
0x3: {  	s2 =	rddreg [dreg:$0x2];
	s1 =	stileid.u32;
	s3 =	simm.s32 $0x0  }
0x4: {  	s16 =	simm.s32 $0x2200;
	s17 =	simm.s32 $0x180;
	s18 =	simm.s32 $0x3200  }
0x5: {  	s5 =	sand.u32 $0x1, s0;
	s0 =	rddreg [dreg:$0x3];
	s8 =	smul.u32 $0x28, s1  }
0x6: {  	s19 =	simm.s32 $0x0;
	[smem:$0x7FF] =	sst s3;
	s29 =	smul.u32 $0x5000, s1  }
0x7: {  	s14 =	sadd.s32 $0x6B4200, s4;
	s15 =	sshll.u32 s1, $0x6;
	s6 =	smul.u32 $0x280, s5  }
0x8: {  	s9 =	smul.u32 $0x50000, s5;
	_ =	strace $0x80000050;
	s10 =	ssub.s32 $0x2, s5  }
0x9: {  	p0 =	seq.s32 s5, $0x1;
	s5 =	sor.u32 $0x1C01, s15;
	s15 =	simm.s32 $0x100  }
0xa: {  	s12 =	sshrl.u32 s29, $0x3;
	s30 =	sshrl.u32 s10, $0x1;
	s31 =	sadd.s32 s29, s2  }
0xb: {  	s7 =	smov.u32 @p0 s14;
	s14 =	simm.s32 $0x1200;
	s6 =	sadd.s32 s8, s6  }
0xc: {  	s9 =	sadd.s32 s9, s4;
	s13 =	sadd.s32 s12, s4;
	s7 =	sadd.s32 s7, s12  }
0xd: {  	s12 =	simm.s32 $0x200;
	s6 =	sshll.u32 s6, $0x4;
	s8 =	sadd.s32 s29, s9  }
0xe: {  	s11 =	sadd.s32 s6, s4;
	s6 =	ssub.s32 s10, s30;
	s4 =	sadd.s32 $0x6AA200, s13  }
0xf: {  	s8 =	sadd.s32 $0xE400, s8;
	s10 =	sshrl.u32 s31, $0x3;
	s13 =	simm.s32 $0x80  }
0x10: {  	s6 =	smax.u32 s6, $0x1;
	s9 =	sadd.s32 $0x9400, s11;
	s11 =	simm.s32 $0x1  }
.LBB2_1:
0x11: {  	[spmem:s10], [sflag:s5] =	dma.local [hbm:s4], $0xA00  }
0x12: {  	_ =	swait.ge [sflag:s11], $0xA00  }
0x13: {  	[sflag:s11] =	ssyncset.done $0x0  }
0x14: {  	[sflag:s11] =	ssyncadd.s32 $0xFFFFF600  }
0x15: {  	s20 =	sadd.s32 $0x0, s9;
	[bflag:$0x0] =	sbarrier.arrive $0xFFFF  }
0x16: {  	[tilespmem:s3], [sflag:$0x1] =	stream.linear.gather [hbm4b:s20+s3], $0x200, $0x38;
	[tilespmem:$0x9200] =	vst v63  }
0x17: {  	_ =	swait.ge [sflag:s11], $0x200  }
0x18: {  	[sflag:s11] =	ssyncset.done $0x0  }
0x19: {  	[sflag:s11] =	ssyncadd.s32 $0xFFFFFE00  }
0x1a: {  	[tilespmem:s12], [sflag:$0x1] =	stream.linear.gather [hbm4b:s8+s3], $0x4000, $0x38;
	[tilespmem:$0x9200] =	vst v63  }
0x1b: {  	_ =	swait.ge [sflag:s11], $0x4000  }
0x1c: {  	[sflag:s11] =	ssyncset.done $0x0  }
0x1d: {  	[sflag:s11] =	ssyncadd.s32 $0xFFFFC000  }
0x1e: {  	[spmem:s2] =	stream.indirect.scatter.add.f32 [tilespmem:s12], [sflag:$0x1], $0x20, s3, s13, $0xb8;
	[tilespmem:$0x9200] =	vst v63  }
0x1f: {  	_ =	swait.ge [sflag:s11], $0x1000  }
0x20: {  	[sflag:s11] =	ssyncset.done $0x0  }
0x21: {  	[sflag:s11] =	ssyncadd.s32 $0xFFFFF000  }
0x22: {  	[spmem:s2] =	stream.indirect.scatter.add.f32 [tilespmem:s14], [sflag:$0x1], $0x20, s13, s13, $0xb8;
	[tilespmem:$0x9200] =	vst v63  }
0x23: {  	_ =	swait.ge [sflag:s11], $0x1000  }
0x24: {  	[sflag:s11] =	ssyncset.done $0x0  }
0x25: {  	[sflag:s11] =	ssyncadd.s32 $0xFFFFF000  }
0x26: {  	[spmem:s2] =	stream.indirect.scatter.add.f32 [tilespmem:s16], [sflag:$0x1], $0x20, s15, s13, $0xb8;
	[tilespmem:$0x9200] =	vst v63  }
0x27: {  	_ =	swait.ge [sflag:s11], $0x1000  }
0x28: {  	[sflag:s11] =	ssyncset.done $0x0  }
0x29: {  	[sflag:s11] =	ssyncadd.s32 $0xFFFFF000  }
0x2a: {  	[spmem:s2] =	stream.indirect.scatter.add.f32 [tilespmem:s18], [sflag:$0x1], $0x20, s17, s13, $0xb8;
	[tilespmem:$0x9200] =	vst v63  }
0x2b: {  	s21 =	simm.s32 $0x40;
	_ =	swait.ge [sflag:s11], $0x1000  }
0x2c: {  	s22 =	simm.s32 $0x80;
	s20 =	sadd.s32 $0x800, s8;
	[sflag:s11] =	ssyncset.done $0x0  }
.LBB2_2:
0x2d: {  	s23 =	sadd.s32 s21, s9  }
0x2e: {  	[sflag:s11] =	ssyncadd.s32 $0xFFFFF000;
	s21 =	smov.u32 s22;
	s24 =	sadd.s32 $0x40, s22  }
0x2f: {  	[tilespmem:s3], [sflag:$0x1] =	stream.linear.gather [hbm4b:s23+s3], $0x200, $0x38;
	[tilespmem:$0x9200] =	vst v63  }
0x30: {  	p0 =	sne.s32 s22, $0x240;
	_ =	swait.ge [sflag:s11], $0x200  }
0x31: {  	[sflag:s11] =	ssyncset.done $0x0  }
0x32: {  	[sflag:s11] =	ssyncadd.s32 $0xFFFFFE00  }
0x33: {  	[tilespmem:s12], [sflag:$0x1] =	stream.linear.gather [hbm4b:s20+s3], $0x4000, $0x38;
	[tilespmem:$0x9200] =	vst v63  }
0x34: {  	_ =	swait.ge [sflag:s11], $0x4000  }
0x35: {  	[sflag:s11] =	ssyncset.done $0x0  }
0x36: {  	[sflag:s11] =	ssyncadd.s32 $0xFFFFC000  }
0x37: {  	[spmem:s2] =	stream.indirect.scatter.add.f32 [tilespmem:s12], [sflag:$0x1], $0x20, s3, s13, $0xb8;
	[tilespmem:$0x9200] =	vst v63  }
0x38: {  	_ =	swait.ge [sflag:s11], $0x1000  }
0x39: {  	[sflag:s11] =	ssyncset.done $0x0  }
0x3a: {  	[sflag:s11] =	ssyncadd.s32 $0xFFFFF000  }
0x3b: {  	[spmem:s2] =	stream.indirect.scatter.add.f32 [tilespmem:s14], [sflag:$0x1], $0x20, s13, s13, $0xb8;
	[tilespmem:$0x9200] =	vst v63  }
0x3c: {  	_ =	swait.ge [sflag:s11], $0x1000  }
0x3d: {  	[sflag:s11] =	ssyncset.done $0x0  }
0x3e: {  	[sflag:s11] =	ssyncadd.s32 $0xFFFFF000  }
0x3f: {  	[spmem:s2] =	stream.indirect.scatter.add.f32 [tilespmem:s16], [sflag:$0x1], $0x20, s15, s13, $0xb8;
	[tilespmem:$0x9200] =	vst v63  }
0x40: {  	_ =	swait.ge [sflag:s11], $0x1000  }
.Ltmp0:
0x41: {  	[sflag:s11] =	ssyncset.done $0x0;
	(pc) =	sbr.rel @p0 .LBB2_2-.Ltmp0, $4  }
0x42: {  	[sflag:s11] =	ssyncadd.s32 $0xFFFFF000  }
0x43: {  	[spmem:s2] =	stream.indirect.scatter.add.f32 [tilespmem:s18], [sflag:$0x1], $0x20, s17, s13, $0xb8;
	[tilespmem:$0x9200] =	vst v63  }
0x44: {  	_ =	swait.ge [sflag:s11], $0x1000  }
0x45: {  	s22 =	smov.u32 s24;
	s20 =	sadd.s32 $0x800, s20;
	[sflag:s11] =	ssyncset.done $0x0  }
0x46: {  	s21 =	sadd.s32 s21, s9;
	[sflag:s11] =	ssyncadd.s32 $0xFFFFF000  }
0x47: {  	[tilespmem:s3], [sflag:$0x1] =	stream.linear.gather [hbm4b:s21+s3], $0x200, $0x38;
	[tilespmem:$0x9200] =	vst v63  }
0x48: {  	_ =	swait.ge [sflag:s11], $0x200  }
0x49: {  	[sflag:s11] =	ssyncset.done $0x0  }
0x4a: {  	[sflag:s11] =	ssyncadd.s32 $0xFFFFFE00  }
0x4b: {  	[tilespmem:s12], [sflag:$0x1] =	stream.linear.gather [hbm4b:s20+s3], $0x4000, $0x38;
	[tilespmem:$0x9200] =	vst v63  }
0x4c: {  	_ =	swait.ge [sflag:s11], $0x4000  }
0x4d: {  	[sflag:s11] =	ssyncset.done $0x0  }
0x4e: {  	[sflag:s11] =	ssyncadd.s32 $0xFFFFC000  }
0x4f: {  	[spmem:s2] =	stream.indirect.scatter.add.f32 [tilespmem:s12], [sflag:$0x1], $0x20, s3, s13, $0xb8;
	[tilespmem:$0x9200] =	vst v63  }
0x50: {  	_ =	swait.ge [sflag:s11], $0x1000  }
0x51: {  	[sflag:s11] =	ssyncset.done $0x0  }
0x52: {  	[sflag:s11] =	ssyncadd.s32 $0xFFFFF000  }
0x53: {  	[spmem:s2] =	stream.indirect.scatter.add.f32 [tilespmem:s14], [sflag:$0x1], $0x20, s13, s13, $0xb8;
	[tilespmem:$0x9200] =	vst v63  }
0x54: {  	_ =	swait.ge [sflag:s11], $0x1000  }
0x55: {  	[sflag:s11] =	ssyncset.done $0x0  }
0x56: {  	[sflag:s11] =	ssyncadd.s32 $0xFFFFF000  }
0x57: {  	[spmem:s2] =	stream.indirect.scatter.add.f32 [tilespmem:s16], [sflag:$0x1], $0x20, s15, s13, $0xb8;
	[tilespmem:$0x9200] =	vst v63  }
0x58: {  	_ =	swait.ge [sflag:s11], $0x1000  }
0x59: {  	[sflag:s11] =	ssyncset.done $0x0  }
0x5a: {  	[sflag:s11] =	ssyncadd.s32 $0xFFFFF000  }
0x5b: {  	[spmem:s2] =	stream.indirect.scatter.add.f32 [tilespmem:s18], [sflag:$0x1], $0x20, s17, s13, $0xb8;
	[tilespmem:$0x9200] =	vst v63  }
0x5c: {  	_ =	swait.ge [sflag:s11], $0x1000  }
0x5d: {  	s19 =	sadd.s32 $0x1, s19;
	[sflag:s11] =	ssyncset.done $0x0  }
0x5e: {  	p0 =	sne.s32 s19, s6;
	[sflag:s11] =	ssyncadd.s32 $0xFFFFF000  }
.Ltmp1:
0x5f: {  	[bflag:$0x0] =	sbarrier.arrive $0xFFFF;
	(pc) =	sbr.rel @p0 .LBB2_1-.Ltmp1, $4  }
0x60: {  	[hbm:s7], [sflag:s5] =	dma.local [spmem:s10], $0xA00  }
0x61: {  	_ =	swait.ge [sflag:s11], $0xA00  }
0x62: {  	[sflag:s11] =	ssyncset.done $0x0  }
0x63: {  	[sflag:s11] =	ssyncadd.s32 $0xFFFFF600  }
0x64: {  	_ =	sfence.sel $0x180000  }
0x65: {  	[bflag:$0x0] =	sbarrier.arrive $0xFFFF  }
0x66: {  	p0 =	sne.s32 s1, $0x0;
	_ =	strace $0x90000050  }
0x67: {  	s0 =	sadd.s32 @!p0 $0x100000, s0;
	[bflag:$0x2] =	sbarrier.arrive $0xFFFF  }
0x68: {  	[sflag:s0] =	ssyncadd.tile.s32 @!p0 $0x1;
	_ =	shalt  }
.Lfunc_end2:
_tile_overlayer_lowered:
.L_overlay_start_2:
0x69: {  	(tag) =	ssettag $0x2  }
0x6a: {  	s0 =	rddreg [dreg:$0x0];
	s2 =	stileid.u32  }
0x6b: {  	s1 =	rddreg [dreg:$0x1];
	p0 =	sne.s32 s2, $0x0  }
0x6c: {  	s3 =	rddreg [dreg:$0x2];
	[bflag:$0x3] =	sbarrier.arrive $0xFFFF;
	s2 =	simm.s32 @!p0 $0x1C01  }
0x6d: {  	[timem:s3], [sflag:s2] =	dma.local @!p0 [hbm:s0], s1  }
0x6e: {  	s0 =	simm.s32 @!p0 $0x1  }
0x6f: {  	_ =	swait.ge @!p0 [sflag:s0], s1  }
0x70: {  	s1 =	ssub.s32 @!p0 $0x0, s1;
	[sflag:s0] =	ssyncset.done @!p0 $0x0  }
0x71: {  	[sflag:s0] =	ssyncadd.s32 @!p0 s1  }
0x72: {  	[bflag:$0x3] =	sbarrier.arrive $0xFFFF  }
0x73: {  	_ =	shalt  }

</sc_bundles>
